<compile_context>
chip_gen: v7x
topology: tpu7x:2x2x1
jax: 0.10.2.dev20260603
libtpu: 0.0.44.dev20260713+nightly
codegen_flags: <defaults>
</compile_context>

<pallas_src>
import functools

import jax
import jax.numpy as jnp
from jax import lax
from jax.experimental import pallas as pl
from jax.experimental.pallas import tpu as pltpu
from jax.experimental.pallas import tpu_sc as plsc

N = 10000
E = 320000
D = 128
NCLS = 64
EPS_BN = 1e-5

NC = 2
NS = 16
NW = NC * NS
K = 128
EPN = E // NW
NCHUNK = 78
TE = EPN - NCHUNK * K
RPT = 624
TAIL0 = RPT * NS
TAIL = N - TAIL0
ACC_ROWS = N

BLK = 1000
GRID = N // BLK


def _sc_spmm_body(table, srcr, dstr, srct, dstt, zrows, out,
                  sidx, didx0, didx1, rows0, rows1, stail, dtail, rtail,
                  acc, g0, g1, d0, d1):
    c = lax.axis_index("c")
    s = lax.axis_index("s")
    wid = s * NC + c
    r0 = s * RPT

    @pl.when(c == 0)
    def _():
        pltpu.sync_copy(table.at[pl.ds(r0, RPT)], acc.at[pl.ds(r0, RPT)])

        @pl.when(s == NS - 1)
        def _():
            pltpu.sync_copy(table.at[pl.ds(TAIL0, TAIL)],
                            acc.at[pl.ds(TAIL0, TAIL)])

    @pl.when(c == 1)
    def _():
        pltpu.sync_copy(zrows.at[pl.ds(0, RPT)], acc.at[pl.ds(r0, RPT)])

        @pl.when(s == NS - 1)
        def _():
            pltpu.sync_copy(zrows.at[pl.ds(0, TAIL)],
                            acc.at[pl.ds(TAIL0, TAIL)])

    plsc.subcore_barrier()

    pltpu.sync_copy(srct.at[wid], stail)
    pltpu.sync_copy(dstt.at[wid], dtail)
    pltpu.async_copy(table.at[stail], rtail, g0).wait()
    pltpu.sync_copy(rtail, acc.at[dtail], add=True)

    pltpu.sync_copy(srcr.at[wid], sidx)

    def step(i, rows_c, g_c, didx_c, d_c, rows_n, g_n, didx_n, d_n):
        pltpu.make_async_copy(table.at[sidx.at[i]], rows_c, g_c).wait()

        @pl.when(i + 1 < NCHUNK)
        def _():
            pltpu.async_copy(dstr.at[wid].at[pl.ds(i + 1, 1)], didx_n, d_n)
            pltpu.async_copy(table.at[sidx.at[i + 1]], rows_n, g_n)

        pltpu.make_async_copy(
            dstr.at[wid].at[pl.ds(i, 1)], didx_c, d_c).wait()
        pltpu.sync_copy(rows_c, acc.at[didx_c.at[0]], add=True)

    pltpu.async_copy(dstr.at[wid].at[pl.ds(0, 1)], didx0, d0)
    pltpu.async_copy(table.at[sidx.at[0]], rows0, g0)

    def chunk(i, carry):
        @pl.when(i % 2 == 0)
        def _():
            step(i, rows0, g0, didx0, d0, rows1, g1, didx1, d1)

        @pl.when(i % 2 == 1)
        def _():
            step(i, rows1, g1, didx1, d1, rows0, g0, didx0, d0)

        return carry

    lax.fori_loop(0, NCHUNK, chunk, 0)

    plsc.subcore_barrier()
    pltpu.sync_copy(acc.at[pl.ds(r0, RPT)], out.at[c].at[pl.ds(r0, RPT)])

    @pl.when(s == NS - 1)
    def _():
        pltpu.sync_copy(acc.at[pl.ds(TAIL0, TAIL)],
                        out.at[c].at[pl.ds(TAIL0, TAIL)])


@functools.cache
def _sc_spmm_kernel():
    return pl.kernel(
        _sc_spmm_body,
        out_type=jax.ShapeDtypeStruct((NC, N, D), jnp.float32),
        mesh=plsc.VectorSubcoreMesh(
            core_axis_name="c", subcore_axis_name="s",
            num_cores=NC, num_subcores=NS),
        scratch_types=[
            pltpu.VMEM((NCHUNK, K), jnp.int32),
            pltpu.VMEM((1, K), jnp.int32),
            pltpu.VMEM((1, K), jnp.int32),
            pltpu.VMEM((K, D), jnp.float32),
            pltpu.VMEM((K, D), jnp.float32),
            pltpu.VMEM((TE,), jnp.int32),
            pltpu.VMEM((TE,), jnp.int32),
            pltpu.VMEM((TE, D), jnp.float32),
            pltpu.VMEM_SHARED((ACC_ROWS, D), jnp.float32),
            pltpu.SemaphoreType.DMA,
            pltpu.SemaphoreType.DMA,
            pltpu.SemaphoreType.DMA,
            pltpu.SemaphoreType.DMA,
        ],
    )


def _sc_spmm(h, src_m, dst_m, src_t, dst_t, zrows):
    return _sc_spmm_kernel()(h, src_m, dst_m, src_t, dst_t, zrows)


def _linear_stats_body(p, w, b, z, stats, s1, s2):
    i = pl.program_id(0)
    agg = p[0] + p[1]
    zz = lax.dot_general(agg, w[...], (((1,), (1,)), ((), ())),
                         preferred_element_type=jnp.float32) + b[...]
    z[...] = zz

    @pl.when(i == 0)
    def _():
        s1[...] = jnp.zeros_like(s1)
        s2[...] = jnp.zeros_like(s2)

    s1[...] += jnp.sum(zz, axis=0, keepdims=True)
    s2[...] += jnp.sum(zz * zz, axis=0, keepdims=True)

    @pl.when(i == pl.num_programs(0) - 1)
    def _():
        mean = s1[...] / N
        var = s2[...] / N - mean * mean
        stats[...] = jnp.concatenate(
            [mean, lax.rsqrt(var + EPS_BN)], axis=0)


def _linear_stats(p, w, b):
    return pl.pallas_call(
        _linear_stats_body,
        grid=(GRID,),
        in_specs=[
            pl.BlockSpec((NC, BLK, D), lambda i: (0, i, 0)),
            pl.BlockSpec((D, D), lambda i: (0, 0)),
            pl.BlockSpec((1, D), lambda i: (0, 0)),
        ],
        out_specs=[
            pl.BlockSpec((BLK, D), lambda i: (i, 0)),
            pl.BlockSpec((2, D), lambda i: (0, 0)),
        ],
        out_shape=[
            jax.ShapeDtypeStruct((N, D), jnp.float32),
            jax.ShapeDtypeStruct((2, D), jnp.float32),
        ],
        scratch_shapes=[
            pltpu.VMEM((1, D), jnp.float32),
            pltpu.VMEM((1, D), jnp.float32),
        ],
    )(p, w, b)


def _bn_relu_body(z, stats, h):
    mean = stats[0:1, :]
    scale = stats[1:2, :]
    h[...] = jnp.maximum((z[...] - mean) * scale, 0.0)


def _bn_relu(z, stats):
    return pl.pallas_call(
        _bn_relu_body,
        grid=(GRID,),
        in_specs=[
            pl.BlockSpec((BLK, D), lambda i: (i, 0)),
            pl.BlockSpec((2, D), lambda i: (0, 0)),
        ],
        out_specs=pl.BlockSpec((BLK, D), lambda i: (i, 0)),
        out_shape=jax.ShapeDtypeStruct((N, D), jnp.float32),
    )(z, stats)


def _final_body(z, stats, w, b, out):
    mean = stats[0:1, :]
    scale = stats[1:2, :]
    h = jnp.maximum((z[...] - mean) * scale, 0.0)
    out[...] = lax.dot_general(h, w[...], (((1,), (1,)), ((), ())),
                               preferred_element_type=jnp.float32) + b[...]


def _final(z, stats, w, b):
    return pl.pallas_call(
        _final_body,
        grid=(GRID,),
        in_specs=[
            pl.BlockSpec((BLK, D), lambda i: (i, 0)),
            pl.BlockSpec((2, D), lambda i: (0, 0)),
            pl.BlockSpec((NCLS, D), lambda i: (0, 0)),
            pl.BlockSpec((1, NCLS), lambda i: (0, 0)),
        ],
        out_specs=pl.BlockSpec((BLK, NCLS), lambda i: (i, 0)),
        out_shape=jax.ShapeDtypeStruct((N, NCLS), jnp.float32),
    )(z, stats, w, b)


def kernel(x, edge_index, W0, b0, W1, b1, W2, b2, W_last, b_last):
    dst = edge_index[0].astype(jnp.int32)
    src = edge_index[1].astype(jnp.int32)
    src2 = src.reshape(NW, EPN)
    dst2 = dst.reshape(NW, EPN)
    src_m = src2[:, :NCHUNK * K].reshape(NW, NCHUNK, K)
    dst_m = dst2[:, :NCHUNK * K].reshape(NW, NCHUNK, K)
    src_t = src2[:, NCHUNK * K:]
    dst_t = dst2[:, NCHUNK * K:]
    zrows = jnp.zeros((RPT, D), jnp.float32)

    h = x
    z = stats = None
    for li, (w, b) in enumerate(((W0, b0), (W1, b1), (W2, b2))):
        parts = _sc_spmm(h, src_m, dst_m, src_t, dst_t, zrows)
        z, stats = _linear_stats(parts, w, b.reshape(1, D))
        if li < 2:
            h = _bn_relu(z, stats)
    return _final(z, stats, W_last, b_last.reshape(1, NCLS))

# --- scband reference (transcript-rebuilt; emitter-appended) ---
"""Pipeline reference for scband-gnn-23407571763695 (READ-ONLY COPY).

The authoritative reference and input builder live on the scoring server;
editing this copy changes nothing except your own understanding.
"""

import jax, jax.numpy as jnp
import numpy as np

N_NODES = 10000
N_EDGES = 320000
D_FEAT = 128
HIDDEN = 128
N_CLASSES = 64
EPS = 1e-5


def setup_inputs(seed: int = 0) -> dict:
    key = jax.random.key(seed)
    ks = jax.random.split(key, 12)
    x = jax.random.normal(ks[0], (N_NODES, D_FEAT), dtype=jnp.float32)
    edge_index = jax.random.randint(ks[1], (2, N_EDGES), 0, N_NODES, dtype=jnp.int64)
    s0 = 1.0 / np.sqrt(D_FEAT)
    s1 = 1.0 / np.sqrt(HIDDEN)
    W0 = jax.random.uniform(ks[2], (HIDDEN, D_FEAT), minval=-s0, maxval=s0, dtype=jnp.float32)
    b0 = jax.random.uniform(ks[3], (HIDDEN,), minval=-s0, maxval=s0, dtype=jnp.float32)
    W1 = jax.random.uniform(ks[4], (HIDDEN, HIDDEN), minval=-s1, maxval=s1, dtype=jnp.float32)
    b1 = jax.random.uniform(ks[5], (HIDDEN,), minval=-s1, maxval=s1, dtype=jnp.float32)
    W2 = jax.random.uniform(ks[6], (HIDDEN, HIDDEN), minval=-s1, maxval=s1, dtype=jnp.float32)
    b2 = jax.random.uniform(ks[7], (HIDDEN,), minval=-s1, maxval=s1, dtype=jnp.float32)
    W_last = jax.random.uniform(ks[8], (N_CLASSES, HIDDEN), minval=-s1, maxval=s1, dtype=jnp.float32)
    b_last = jax.random.uniform(ks[9], (N_CLASSES,), minval=-s1, maxval=s1, dtype=jnp.float32)
    return {"x": x, "edge_index": edge_index, "W0": W0, "b0": b0, "W1": W1, "b1": b1, "W2": W2, "b2": b2, "W_last": W_last, "b_last": b_last}


def reference(x, edge_index, W0, b0, W1, b1, W2, b2, W_last, b_last):
    N = x.shape[0]
    dst = edge_index[0]
    src = edge_index[1]
    layers = [(W0, b0), (W1, b1), (W2, b2)]
    h = x
    for (W, b) in layers:
        # spmm(A, h) where A = adjacency (ones at edge_index) + identity (self loops)
        agg = jax.ops.segment_sum(h[src], dst, num_segments=N) + h
        h = agg @ W.T + b
        # BatchNorm1d(track_running_stats=False, affine=False): biased variance
        mean = jnp.mean(h, axis=0, keepdims=True)
        var = jnp.mean((h - mean) ** 2, axis=0, keepdims=True)
        h = (h - mean) / jnp.sqrt(var + EPS)
        h = jax.nn.relu(h)
    out = h @ W_last.T + b_last
    return out

if __name__ == "__main__":
    import jax
    _d = setup_inputs()
    print(jax.jit(kernel)(*tuple(_d.values())))

</pallas_src>

<mosaic_0001>
#map = affine_map<(d0, d1) -> (0, 0)>
#map1 = affine_map<(d0, d1) -> (0, 0, 0)>
module attributes {stable_mosaic.version = 14 : i64} {
  func.func @_sc_spmm_body(%arg0: i32, %arg1: i32, %arg2: memref<10000x128xf32, #tpu.memory_space<hbm>>, %arg3: memref<32x78x128xi32, #tpu.memory_space<hbm>>, %arg4: memref<32x78x128xi32, #tpu.memory_space<hbm>>, %arg5: memref<32x16xi32, #tpu.memory_space<hbm>>, %arg6: memref<32x16xi32, #tpu.memory_space<hbm>>, %arg7: memref<624x128xf32, #tpu.memory_space<hbm>>, %arg8: memref<2x10000x128xf32, #tpu.memory_space<hbm>>, %arg9: memref<78x128xi32, #tpu.memory_space<vmem>>, %arg10: memref<1x128xi32, #tpu.memory_space<vmem>>, %arg11: memref<1x128xi32, #tpu.memory_space<vmem>>, %arg12: memref<128x128xf32, #tpu.memory_space<vmem>>, %arg13: memref<128x128xf32, #tpu.memory_space<vmem>>, %arg14: memref<16xi32, #tpu.memory_space<vmem>>, %arg15: memref<16xi32, #tpu.memory_space<vmem>>, %arg16: memref<16x128xf32, #tpu.memory_space<vmem>>, %arg17: memref<10000x128xf32, #tpu.memory_space<vmem_shared>>, %arg18: memref<!tpu.dma_semaphore, #tpu.memory_space<semaphore_mem>>, %arg19: memref<!tpu.dma_semaphore, #tpu.memory_space<semaphore_mem>>, %arg20: memref<!tpu.dma_semaphore, #tpu.memory_space<semaphore_mem>>, %arg21: memref<!tpu.dma_semaphore, #tpu.memory_space<semaphore_mem>>) attributes {dimension_semantics = [#tpu.dimension_semantics<core_parallel>, #tpu.dimension_semantics<subcore_parallel>], iteration_bounds = array<i64: 2, 16>, scalar_prefetch = 0 : i64, scratch_operands = 13 : i64, tpu.core_type = #tpu.core_type<sc_vector_subcore>, window_params = [{transform_indices = #map}, {transform_indices = #map1}, {transform_indices = #map1}, {transform_indices = #map}, {transform_indices = #map}, {transform_indices = #map}, {transform_indices = #map1}]} {
    %mul3A = arith.constant 2 : i32
    %mul3A_0 = arith.muli %arg1, %mul3A : i32
    %add3A = arith.addi %mul3A_0, %arg0 : i32
    %mul3A_1 = arith.constant 624 : i32
    %mul3A_2 = arith.muli %arg1, %mul3A_1 : i32
    %eq3A = arith.constant 0 : i32
    %eq3A_3 = arith.cmpi eq, %arg0, %eq3A : i32
    %convert_element_type3A = arith.extui %eq3A_3 : i1 to i32
    %cond3A = arith.constant 0 : i32
    %cond3A_4 = arith.cmpi ne, %convert_element_type3A, %cond3A : i32
    scf.if %cond3A_4 {
      "tpu.region"() ({
        %run_scoped3A = tpu.sem_alloc : memref<!tpu.dma_semaphore, #tpu.memory_space<semaphore_mem>>
        %dma_start3A_51 = arith.constant 0 : i32
        %dma_start3A_52 = tpu.memref_slice %arg17[%mul3A_2, %dma_start3A_51] : memref<10000x128xf32, #tpu.memory_space<vmem_shared>> -> memref<624x128xf32, #tpu.memory_space<vmem_shared>>
        %dma_start3A_53 = arith.constant 0 : i32
        %dma_start3A_54 = tpu.memref_slice %arg2[%mul3A_2, %dma_start3A_53] : memref<10000x128xf32, #tpu.memory_space<hbm>> -> memref<624x128xf32, #tpu.memory_space<hbm>>
        tpu.enqueue_dma source(%dma_start3A_54 : memref<624x128xf32, #tpu.memory_space<hbm>>) target(%dma_start3A_52 : memref<624x128xf32, #tpu.memory_space<vmem_shared>>) target_semaphore(%run_scoped3A : memref<!tpu.dma_semaphore, #tpu.memory_space<semaphore_mem>>)
        %dma_wait3A_55 = arith.constant 0 : i32
        %dma_wait3A_56 = tpu.memref_slice %arg17[%mul3A_2, %dma_wait3A_55] : memref<10000x128xf32, #tpu.memory_space<vmem_shared>> -> memref<624x128xf32, #tpu.memory_space<vmem_shared>>
        %dma_wait3A_57 = arith.constant 0 : i32
        %dma_wait3A_58 = tpu.memref_slice %arg2[%mul3A_2, %dma_wait3A_57] : memref<10000x128xf32, #tpu.memory_space<hbm>> -> memref<624x128xf32, #tpu.memory_space<hbm>>
        tpu.wait_dma2 semaphore(%run_scoped3A : memref<!tpu.dma_semaphore, #tpu.memory_space<semaphore_mem>>) src(%dma_wait3A_58 : memref<624x128xf32, #tpu.memory_space<hbm>>) dst(%dma_wait3A_56 : memref<624x128xf32, #tpu.memory_space<vmem_shared>>)
        tpu.yield
      }) : () -> ()
      %eq3A_46 = arith.constant 15 : i32
      %eq3A_47 = arith.cmpi eq, %arg1, %eq3A_46 : i32
      %convert_element_type3A_48 = arith.extui %eq3A_47 : i1 to i32
      %cond3A_49 = arith.constant 0 : i32
      %cond3A_50 = arith.cmpi ne, %convert_element_type3A_48, %cond3A_49 : i32
      scf.if %cond3A_50 {
        "tpu.region"() ({
          %run_scoped3A = tpu.sem_alloc : memref<!tpu.dma_semaphore, #tpu.memory_space<semaphore_mem>>
          %dma_start3A_51 = arith.constant 9984 : i32
          %dma_start3A_52 = arith.constant 0 : i32
          %dma_start3A_53 = tpu.memref_slice %arg17[%dma_start3A_51, %dma_start3A_52] : memref<10000x128xf32, #tpu.memory_space<vmem_shared>> -> memref<16x128xf32, #tpu.memory_space<vmem_shared>>
          %dma_start3A_54 = arith.constant 9984 : i32
          %dma_start3A_55 = arith.constant 0 : i32
          %dma_start3A_56 = tpu.memref_slice %arg2[%dma_start3A_54, %dma_start3A_55] : memref<10000x128xf32, #tpu.memory_space<hbm>> -> memref<16x128xf32, #tpu.memory_space<hbm>>
          tpu.enqueue_dma source(%dma_start3A_56 : memref<16x128xf32, #tpu.memory_space<hbm>>) target(%dma_start3A_53 : memref<16x128xf32, #tpu.memory_space<vmem_shared>>) target_semaphore(%run_scoped3A : memref<!tpu.dma_semaphore, #tpu.memory_space<semaphore_mem>>)
          %dma_wait3A_57 = arith.constant 9984 : i32
          %dma_wait3A_58 = arith.constant 0 : i32
          %dma_wait3A_59 = tpu.memref_slice %arg17[%dma_wait3A_57, %dma_wait3A_58] : memref<10000x128xf32, #tpu.memory_space<vmem_shared>> -> memref<16x128xf32, #tpu.memory_space<vmem_shared>>
          %dma_wait3A_60 = arith.constant 9984 : i32
          %dma_wait3A_61 = arith.constant 0 : i32
          %dma_wait3A_62 = tpu.memref_slice %arg2[%dma_wait3A_60, %dma_wait3A_61] : memref<10000x128xf32, #tpu.memory_space<hbm>> -> memref<16x128xf32, #tpu.memory_space<hbm>>
          tpu.wait_dma2 semaphore(%run_scoped3A : memref<!tpu.dma_semaphore, #tpu.memory_space<semaphore_mem>>) src(%dma_wait3A_62 : memref<16x128xf32, #tpu.memory_space<hbm>>) dst(%dma_wait3A_59 : memref<16x128xf32, #tpu.memory_space<vmem_shared>>)
          tpu.yield
        }) : () -> ()
      } else {
      }
    } else {
    }
    %eq3A_5 = arith.constant 1 : i32
    %eq3A_6 = arith.cmpi eq, %arg0, %eq3A_5 : i32
    %convert_element_type3A_7 = arith.extui %eq3A_6 : i1 to i32
    %cond3A_8 = arith.constant 0 : i32
    %cond3A_9 = arith.cmpi ne, %convert_element_type3A_7, %cond3A_8 : i32
    scf.if %cond3A_9 {
      "tpu.region"() ({
        %run_scoped3A = tpu.sem_alloc : memref<!tpu.dma_semaphore, #tpu.memory_space<semaphore_mem>>
        %dma_start3A_51 = arith.constant 0 : i32
        %dma_start3A_52 = tpu.memref_slice %arg17[%mul3A_2, %dma_start3A_51] : memref<10000x128xf32, #tpu.memory_space<vmem_shared>> -> memref<624x128xf32, #tpu.memory_space<vmem_shared>>
        %dma_start3A_53 = arith.constant 0 : i32
        %dma_start3A_54 = arith.constant 0 : i32
        %dma_start3A_55 = tpu.memref_slice %arg7[%dma_start3A_53, %dma_start3A_54] : memref<624x128xf32, #tpu.memory_space<hbm>> -> memref<624x128xf32, #tpu.memory_space<hbm>>
        tpu.enqueue_dma source(%dma_start3A_55 : memref<624x128xf32, #tpu.memory_space<hbm>>) target(%dma_start3A_52 : memref<624x128xf32, #tpu.memory_space<vmem_shared>>) target_semaphore(%run_scoped3A : memref<!tpu.dma_semaphore, #tpu.memory_space<semaphore_mem>>)
        %dma_wait3A_56 = arith.constant 0 : i32
        %dma_wait3A_57 = tpu.memref_slice %arg17[%mul3A_2, %dma_wait3A_56] : memref<10000x128xf32, #tpu.memory_space<vmem_shared>> -> memref<624x128xf32, #tpu.memory_space<vmem_shared>>
        %dma_wait3A_58 = arith.constant 0 : i32
        %dma_wait3A_59 = arith.constant 0 : i32
        %dma_wait3A_60 = tpu.memref_slice %arg7[%dma_wait3A_58, %dma_wait3A_59] : memref<624x128xf32, #tpu.memory_space<hbm>> -> memref<624x128xf32, #tpu.memory_space<hbm>>
        tpu.wait_dma2 semaphore(%run_scoped3A : memref<!tpu.dma_semaphore, #tpu.memory_space<semaphore_mem>>) src(%dma_wait3A_60 : memref<624x128xf32, #tpu.memory_space<hbm>>) dst(%dma_wait3A_57 : memref<624x128xf32, #tpu.memory_space<vmem_shared>>)
        tpu.yield
      }) : () -> ()
      %eq3A_46 = arith.constant 15 : i32
      %eq3A_47 = arith.cmpi eq, %arg1, %eq3A_46 : i32
      %convert_element_type3A_48 = arith.extui %eq3A_47 : i1 to i32
      %cond3A_49 = arith.constant 0 : i32
      %cond3A_50 = arith.cmpi ne, %convert_element_type3A_48, %cond3A_49 : i32
      scf.if %cond3A_50 {
        "tpu.region"() ({
          %run_scoped3A = tpu.sem_alloc : memref<!tpu.dma_semaphore, #tpu.memory_space<semaphore_mem>>
          %dma_start3A_51 = arith.constant 9984 : i32
          %dma_start3A_52 = arith.constant 0 : i32
          %dma_start3A_53 = tpu.memref_slice %arg17[%dma_start3A_51, %dma_start3A_52] : memref<10000x128xf32, #tpu.memory_space<vmem_shared>> -> memref<16x128xf32, #tpu.memory_space<vmem_shared>>
          %dma_start3A_54 = arith.constant 0 : i32
          %dma_start3A_55 = arith.constant 0 : i32
          %dma_start3A_56 = tpu.memref_slice %arg7[%dma_start3A_54, %dma_start3A_55] : memref<624x128xf32, #tpu.memory_space<hbm>> -> memref<16x128xf32, #tpu.memory_space<hbm>>
          tpu.enqueue_dma source(%dma_start3A_56 : memref<16x128xf32, #tpu.memory_space<hbm>>) target(%dma_start3A_53 : memref<16x128xf32, #tpu.memory_space<vmem_shared>>) target_semaphore(%run_scoped3A : memref<!tpu.dma_semaphore, #tpu.memory_space<semaphore_mem>>)
          %dma_wait3A_57 = arith.constant 9984 : i32
          %dma_wait3A_58 = arith.constant 0 : i32
          %dma_wait3A_59 = tpu.memref_slice %arg17[%dma_wait3A_57, %dma_wait3A_58] : memref<10000x128xf32, #tpu.memory_space<vmem_shared>> -> memref<16x128xf32, #tpu.memory_space<vmem_shared>>
          %dma_wait3A_60 = arith.constant 0 : i32
          %dma_wait3A_61 = arith.constant 0 : i32
          %dma_wait3A_62 = tpu.memref_slice %arg7[%dma_wait3A_60, %dma_wait3A_61] : memref<624x128xf32, #tpu.memory_space<hbm>> -> memref<16x128xf32, #tpu.memory_space<hbm>>
          tpu.wait_dma2 semaphore(%run_scoped3A : memref<!tpu.dma_semaphore, #tpu.memory_space<semaphore_mem>>) src(%dma_wait3A_62 : memref<16x128xf32, #tpu.memory_space<hbm>>) dst(%dma_wait3A_59 : memref<16x128xf32, #tpu.memory_space<vmem_shared>>)
          tpu.yield
        }) : () -> ()
      } else {
      }
    } else {
    }
    %barrier3A = arith.constant 0 : index
    tpu.barrier barrier_id(%barrier3A)
    "tpu.region"() ({
      %run_scoped3A = tpu.sem_alloc : memref<!tpu.dma_semaphore, #tpu.memory_space<semaphore_mem>>
      %dma_start3A_46 = arith.constant 0 : i32
      %dma_start3A_47 = tpu.memref_slice %arg5[%add3A, %dma_start3A_46] : memref<32x16xi32, #tpu.memory_space<hbm>> -> memref<1x16xi32, #tpu.memory_space<hbm>>
      %dma_start3A_48 = tpu.memref_squeeze %dma_start3A_47 : memref<1x16xi32, #tpu.memory_space<hbm>> -> memref<16xi32, #tpu.memory_space<hbm>>
      %dma_start3A_49 = arith.constant 0 : i32
      %dma_start3A_50 = tpu.memref_slice %arg5[%add3A, %dma_start3A_49] : memref<32x16xi32, #tpu.memory_space<hbm>> -> memref<1x16xi32, #tpu.memory_space<hbm>>
      %dma_start3A_51 = tpu.memref_squeeze %dma_start3A_50 : memref<1x16xi32, #tpu.memory_space<hbm>> -> memref<16xi32, #tpu.memory_space<hbm>>
      tpu.enqueue_dma source(%dma_start3A_51 : memref<16xi32, #tpu.memory_space<hbm>>) target(%arg14 : memref<16xi32, #tpu.memory_space<vmem>>) target_semaphore(%run_scoped3A : memref<!tpu.dma_semaphore, #tpu.memory_space<semaphore_mem>>)
      %dma_wait3A_52 = arith.constant 0 : i32
      %dma_wait3A_53 = tpu.memref_slice %arg5[%add3A, %dma_wait3A_52] : memref<32x16xi32, #tpu.memory_space<hbm>> -> memref<1x16xi32, #tpu.memory_space<hbm>>
      %dma_wait3A_54 = tpu.memref_squeeze %dma_wait3A_53 : memref<1x16xi32, #tpu.memory_space<hbm>> -> memref<16xi32, #tpu.memory_space<hbm>>
      %dma_wait3A_55 = arith.constant 0 : i32
      %dma_wait3A_56 = tpu.memref_slice %arg5[%add3A, %dma_wait3A_55] : memref<32x16xi32, #tpu.memory_space<hbm>> -> memref<1x16xi32, #tpu.memory_space<hbm>>
      %dma_wait3A_57 = tpu.memref_squeeze %dma_wait3A_56 : memref<1x16xi32, #tpu.memory_space<hbm>> -> memref<16xi32, #tpu.memory_space<hbm>>
      tpu.wait_dma2 semaphore(%run_scoped3A : memref<!tpu.dma_semaphore, #tpu.memory_space<semaphore_mem>>) src(%dma_wait3A_57 : memref<16xi32, #tpu.memory_space<hbm>>) dst(%arg14 : memref<16xi32, #tpu.memory_space<vmem>>)
      tpu.yield
    }) : () -> ()
    "tpu.region"() ({
      %run_scoped3A = tpu.sem_alloc : memref<!tpu.dma_semaphore, #tpu.memory_space<semaphore_mem>>
      %dma_start3A_46 = arith.constant 0 : i32
      %dma_start3A_47 = tpu.memref_slice %arg6[%add3A, %dma_start3A_46] : memref<32x16xi32, #tpu.memory_space<hbm>> -> memref<1x16xi32, #tpu.memory_space<hbm>>
      %dma_start3A_48 = tpu.memref_squeeze %dma_start3A_47 : memref<1x16xi32, #tpu.memory_space<hbm>> -> memref<16xi32, #tpu.memory_space<hbm>>
      %dma_start3A_49 = arith.constant 0 : i32
      %dma_start3A_50 = tpu.memref_slice %arg6[%add3A, %dma_start3A_49] : memref<32x16xi32, #tpu.memory_space<hbm>> -> memref<1x16xi32, #tpu.memory_space<hbm>>
      %dma_start3A_51 = tpu.memref_squeeze %dma_start3A_50 : memref<1x16xi32, #tpu.memory_space<hbm>> -> memref<16xi32, #tpu.memory_space<hbm>>
      tpu.enqueue_dma source(%dma_start3A_51 : memref<16xi32, #tpu.memory_space<hbm>>) target(%arg15 : memref<16xi32, #tpu.memory_space<vmem>>) target_semaphore(%run_scoped3A : memref<!tpu.dma_semaphore, #tpu.memory_space<semaphore_mem>>)
      %dma_wait3A_52 = arith.constant 0 : i32
      %dma_wait3A_53 = tpu.memref_slice %arg6[%add3A, %dma_wait3A_52] : memref<32x16xi32, #tpu.memory_space<hbm>> -> memref<1x16xi32, #tpu.memory_space<hbm>>
      %dma_wait3A_54 = tpu.memref_squeeze %dma_wait3A_53 : memref<1x16xi32, #tpu.memory_space<hbm>> -> memref<16xi32, #tpu.memory_space<hbm>>
      %dma_wait3A_55 = arith.constant 0 : i32
      %dma_wait3A_56 = tpu.memref_slice %arg6[%add3A, %dma_wait3A_55] : memref<32x16xi32, #tpu.memory_space<hbm>> -> memref<1x16xi32, #tpu.memory_space<hbm>>
      %dma_wait3A_57 = tpu.memref_squeeze %dma_wait3A_56 : memref<1x16xi32, #tpu.memory_space<hbm>> -> memref<16xi32, #tpu.memory_space<hbm>>
      tpu.wait_dma2 semaphore(%run_scoped3A : memref<!tpu.dma_semaphore, #tpu.memory_space<semaphore_mem>>) src(%dma_wait3A_57 : memref<16xi32, #tpu.memory_space<hbm>>) dst(%arg15 : memref<16xi32, #tpu.memory_space<vmem>>)
      tpu.yield
    }) : () -> ()
    %dma_start3A = arith.constant 0 : i32
    %dma_start3A_10 = arith.constant 0 : i32
    %dma_start3A_11 = tpu.memref_slice %arg2[%dma_start3A, %dma_start3A_10] : memref<10000x128xf32, #tpu.memory_space<hbm>> -> memref<10000x128xf32, #tpu.memory_space<hbm>>
    tpu.enqueue_indirect_dma source(%dma_start3A_11 : memref<10000x128xf32, #tpu.memory_space<hbm>>) target(%arg16 : memref<16x128xf32, #tpu.memory_space<vmem>>) offsets(%arg14 : memref<16xi32, #tpu.memory_space<vmem>>) semaphore(%arg18 : memref<!tpu.dma_semaphore, #tpu.memory_space<semaphore_mem>>)
    %dma_wait3A = arith.constant 0 : i32
    %dma_wait3A_12 = arith.constant 0 : i32
    %dma_wait3A_13 = tpu.memref_slice %arg2[%dma_wait3A, %dma_wait3A_12] : memref<10000x128xf32, #tpu.memory_space<hbm>> -> memref<10000x128xf32, #tpu.memory_space<hbm>>
    tpu.wait_indirect_dma semaphore(%arg18 : memref<!tpu.dma_semaphore, #tpu.memory_space<semaphore_mem>>) src(%dma_wait3A_13 : memref<10000x128xf32, #tpu.memory_space<hbm>>) dst(%arg16 : memref<16x128xf32, #tpu.memory_space<vmem>>)
    "tpu.region"() ({
      %run_scoped3A = tpu.sem_alloc : memref<!tpu.dma_semaphore, #tpu.memory_space<semaphore_mem>>
      %dma_start3A_46 = arith.constant 0 : i32
      %dma_start3A_47 = arith.constant 0 : i32
      %dma_start3A_48 = tpu.memref_slice %arg17[%dma_start3A_46, %dma_start3A_47] : memref<10000x128xf32, #tpu.memory_space<vmem_shared>> -> memref<10000x128xf32, #tpu.memory_space<vmem_shared>>
      tpu.enqueue_indirect_dma source(%arg16 : memref<16x128xf32, #tpu.memory_space<vmem>>) target(%dma_start3A_48 : memref<10000x128xf32, #tpu.memory_space<vmem_shared>>) offsets(%arg15 : memref<16xi32, #tpu.memory_space<vmem>>) semaphore(%run_scoped3A : memref<!tpu.dma_semaphore, #tpu.memory_space<semaphore_mem>>) {add = true}
      %dma_wait3A_49 = arith.constant 0 : i32
      %dma_wait3A_50 = arith.constant 0 : i32
      %dma_wait3A_51 = tpu.memref_slice %arg17[%dma_wait3A_49, %dma_wait3A_50] : memref<10000x128xf32, #tpu.memory_space<vmem_shared>> -> memref<10000x128xf32, #tpu.memory_space<vmem_shared>>
      tpu.wait_indirect_dma semaphore(%run_scoped3A : memref<!tpu.dma_semaphore, #tpu.memory_space<semaphore_mem>>) src(%arg16 : memref<16x128xf32, #tpu.memory_space<vmem>>) dst(%dma_wait3A_51 : memref<10000x128xf32, #tpu.memory_space<vmem_shared>>)
      tpu.yield
    }) : () -> ()
    "tpu.region"() ({
      %run_scoped3A = tpu.sem_alloc : memref<!tpu.dma_semaphore, #tpu.memory_space<semaphore_mem>>
      %dma_start3A_46 = arith.constant 0 : i32
      %dma_start3A_47 = arith.constant 0 : i32
      %dma_start3A_48 = tpu.memref_slice %arg3[%add3A, %dma_start3A_46, %dma_start3A_47] : memref<32x78x128xi32, #tpu.memory_space<hbm>> -> memref<1x78x128xi32, #tpu.memory_space<hbm>>
      %dma_start3A_49 = tpu.memref_squeeze %dma_start3A_48 : memref<1x78x128xi32, #tpu.memory_space<hbm>> -> memref<78x128xi32, #tpu.memory_space<hbm>>
      %dma_start3A_50 = arith.constant 0 : i32
      %dma_start3A_51 = arith.constant 0 : i32
      %dma_start3A_52 = tpu.memref_slice %arg3[%add3A, %dma_start3A_50, %dma_start3A_51] : memref<32x78x128xi32, #tpu.memory_space<hbm>> -> memref<1x78x128xi32, #tpu.memory_space<hbm>>
      %dma_start3A_53 = tpu.memref_squeeze %dma_start3A_52 : memref<1x78x128xi32, #tpu.memory_space<hbm>> -> memref<78x128xi32, #tpu.memory_space<hbm>>
      tpu.enqueue_dma source(%dma_start3A_53 : memref<78x128xi32, #tpu.memory_space<hbm>>) target(%arg9 : memref<78x128xi32, #tpu.memory_space<vmem>>) target_semaphore(%run_scoped3A : memref<!tpu.dma_semaphore, #tpu.memory_space<semaphore_mem>>)
      %dma_wait3A_54 = arith.constant 0 : i32
      %dma_wait3A_55 = arith.constant 0 : i32
      %dma_wait3A_56 = tpu.memref_slice %arg3[%add3A, %dma_wait3A_54, %dma_wait3A_55] : memref<32x78x128xi32, #tpu.memory_space<hbm>> -> memref<1x78x128xi32, #tpu.memory_space<hbm>>
      %dma_wait3A_57 = tpu.memref_squeeze %dma_wait3A_56 : memref<1x78x128xi32, #tpu.memory_space<hbm>> -> memref<78x128xi32, #tpu.memory_space<hbm>>
      %dma_wait3A_58 = arith.constant 0 : i32
      %dma_wait3A_59 = arith.constant 0 : i32
      %dma_wait3A_60 = tpu.memref_slice %arg3[%add3A, %dma_wait3A_58, %dma_wait3A_59] : memref<32x78x128xi32, #tpu.memory_space<hbm>> -> memref<1x78x128xi32, #tpu.memory_space<hbm>>
      %dma_wait3A_61 = tpu.memref_squeeze %dma_wait3A_60 : memref<1x78x128xi32, #tpu.memory_space<hbm>> -> memref<78x128xi32, #tpu.memory_space<hbm>>
      tpu.wait_dma2 semaphore(%run_scoped3A : memref<!tpu.dma_semaphore, #tpu.memory_space<semaphore_mem>>) src(%dma_wait3A_61 : memref<78x128xi32, #tpu.memory_space<hbm>>) dst(%arg9 : memref<78x128xi32, #tpu.memory_space<vmem>>)
      tpu.yield
    }) : () -> ()
    %dma_start3A_14 = arith.constant 0 : i32
    %dma_start3A_15 = arith.constant 0 : i32
    %dma_start3A_16 = tpu.memref_slice %arg4[%add3A, %dma_start3A_14, %dma_start3A_15] : memref<32x78x128xi32, #tpu.memory_space<hbm>> -> memref<1x78x128xi32, #tpu.memory_space<hbm>>
    %dma_start3A_17 = tpu.memref_squeeze %dma_start3A_16 : memref<1x78x128xi32, #tpu.memory_space<hbm>> -> memref<78x128xi32, #tpu.memory_space<hbm>>
    %dma_start3A_18 = arith.constant 0 : i32
    %dma_start3A_19 = arith.constant 0 : i32
    %dma_start3A_20 = tpu.memref_slice %dma_start3A_17[%dma_start3A_18, %dma_start3A_19] : memref<78x128xi32, #tpu.memory_space<hbm>> -> memref<1x128xi32, #tpu.memory_space<hbm>>
    %dma_start3A_21 = arith.constant 0 : i32
    %dma_start3A_22 = arith.constant 0 : i32
    %dma_start3A_23 = tpu.memref_slice %arg4[%add3A, %dma_start3A_21, %dma_start3A_22] : memref<32x78x128xi32, #tpu.memory_space<hbm>> -> memref<1x78x128xi32, #tpu.memory_space<hbm>>
    %dma_start3A_24 = tpu.memref_squeeze %dma_start3A_23 : memref<1x78x128xi32, #tpu.memory_space<hbm>> -> memref<78x128xi32, #tpu.memory_space<hbm>>
    %dma_start3A_25 = arith.constant 0 : i32
    %dma_start3A_26 = arith.constant 0 : i32
    %dma_start3A_27 = tpu.memref_slice %dma_start3A_24[%dma_start3A_25, %dma_start3A_26] : memref<78x128xi32, #tpu.memory_space<hbm>> -> memref<1x128xi32, #tpu.memory_space<hbm>>
    tpu.enqueue_dma source(%dma_start3A_27 : memref<1x128xi32, #tpu.memory_space<hbm>>) target(%arg10 : memref<1x128xi32, #tpu.memory_space<vmem>>) target_semaphore(%arg20 : memref<!tpu.dma_semaphore, #tpu.memory_space<semaphore_mem>>)
    %dma_start3A_28 = arith.constant 0 : i32
    %dma_start3A_29 = arith.constant 0 : i32
    %dma_start3A_30 = tpu.memref_slice %arg9[%dma_start3A_28, %dma_start3A_29] : memref<78x128xi32, #tpu.memory_space<vmem>> -> memref<1x128xi32, #tpu.memory_space<vmem>>
    %dma_start3A_31 = tpu.memref_squeeze %dma_start3A_30 : memref<1x128xi32, #tpu.memory_space<vmem>> -> memref<128xi32, #tpu.memory_space<vmem>>
    %dma_start3A_32 = arith.constant 0 : i32
    %dma_start3A_33 = arith.constant 0 : i32
    %dma_start3A_34 = tpu.memref_slice %arg2[%dma_start3A_32, %dma_start3A_33] : memref<10000x128xf32, #tpu.memory_space<hbm>> -> memref<10000x128xf32, #tpu.memory_space<hbm>>
    tpu.enqueue_indirect_dma source(%dma_start3A_34 : memref<10000x128xf32, #tpu.memory_space<hbm>>) target(%arg12 : memref<128x128xf32, #tpu.memory_space<vmem>>) offsets(%dma_start3A_31 : memref<128xi32, #tpu.memory_space<vmem>>) semaphore(%arg18 : memref<!tpu.dma_semaphore, #tpu.memory_space<semaphore_mem>>)
    %scan3A = arith.constant 0 : i32
    %scan3A_35 = arith.constant 0 : i32
    %scan3A_36 = arith.constant 78 : i32
    %scan3A_37 = arith.addi %scan3A_35, %scan3A_36 : i32
    %scan3A_38 = arith.constant 1 : i32
    scf.for %scan3A_46 = %scan3A_35 to %scan3A_37 step %scan3A_38  : i32 {
      %jit3A = arith.constant 2 : i32
      %eq3A_47 = arith.constant 0 : i32
      %eq3A_48 = arith.cmpi eq, %jit3A, %eq3A_47 : i32
      %jit3A_49 = arith.constant 1 : i32
      %select_n3A = arith.select %eq3A_48, %jit3A_49, %jit3A : i32
      %rem3A = arith.remsi %scan3A_46, %select_n3A : i32
      %ne3A = arith.constant 0 : i32
      %ne3A_50 = arith.cmpi ne, %rem3A, %ne3A : i32
      %lt3A = arith.constant 0 : i32
      %lt3A_51 = arith.cmpi slt, %rem3A, %lt3A : i32
      %lt3A_52 = arith.constant 0 : i32
      %lt3A_53 = arith.cmpi slt, %select_n3A, %lt3A_52 : i32
      %ne3A_54 = arith.xori %lt3A_51, %lt3A_53 : i1
      %and3A = arith.andi %ne3A_54, %ne3A_50 : i1
      %add3A_55 = arith.addi %rem3A, %select_n3A : i32
      %select_n3A_56 = arith.select %and3A, %add3A_55, %rem3A : i32
      %eq3A_57 = arith.constant 0 : i32
      %eq3A_58 = arith.cmpi eq, %select_n3A_56, %eq3A_57 : i32
      %convert_element_type3A_59 = arith.extui %eq3A_58 : i1 to i32
      %cond3A_60 = arith.constant 0 : i32
      %cond3A_61 = arith.cmpi ne, %convert_element_type3A_59, %cond3A_60 : i32
      scf.if %cond3A_61 {
        %dma_wait3A_83 = arith.constant 0 : i32
        %dma_wait3A_84 = tpu.memref_slice %arg9[%scan3A_46, %dma_wait3A_83] : memref<78x128xi32, #tpu.memory_space<vmem>> -> memref<1x128xi32, #tpu.memory_space<vmem>>
        %dma_wait3A_85 = tpu.memref_squeeze %dma_wait3A_84 : memref<1x128xi32, #tpu.memory_space<vmem>> -> memref<128xi32, #tpu.memory_space<vmem>>
        %dma_wait3A_86 = arith.constant 0 : i32
        %dma_wait3A_87 = arith.constant 0 : i32
        %dma_wait3A_88 = tpu.memref_slice %arg2[%dma_wait3A_86, %dma_wait3A_87] : memref<10000x128xf32, #tpu.memory_space<hbm>> -> memref<10000x128xf32, #tpu.memory_space<hbm>>
        tpu.wait_indirect_dma semaphore(%arg18 : memref<!tpu.dma_semaphore, #tpu.memory_space<semaphore_mem>>) src(%dma_wait3A_88 : memref<10000x128xf32, #tpu.memory_space<hbm>>) dst(%arg12 : memref<128x128xf32, #tpu.memory_space<vmem>>)
        %add3A_89 = arith.constant 1 : i32
        %add3A_90 = arith.addi %scan3A_46, %add3A_89 : i32
        %lt3A_91 = arith.constant 78 : i32
        %lt3A_92 = arith.cmpi slt, %add3A_90, %lt3A_91 : i32
        %convert_element_type3A_93 = arith.extui %lt3A_92 : i1 to i32
        %cond3A_94 = arith.constant 0 : i32
        %cond3A_95 = arith.cmpi ne, %convert_element_type3A_93, %cond3A_94 : i32
        scf.if %cond3A_95 {
          %add3A_108 = arith.constant 1 : i32
          %add3A_109 = arith.addi %scan3A_46, %add3A_108 : i32
          %dma_start3A_110 = arith.constant 0 : i32
          %dma_start3A_111 = arith.constant 0 : i32
          %dma_start3A_112 = tpu.memref_slice %arg4[%add3A, %dma_start3A_110, %dma_start3A_111] : memref<32x78x128xi32, #tpu.memory_space<hbm>> -> memref<1x78x128xi32, #tpu.memory_space<hbm>>
          %dma_start3A_113 = tpu.memref_squeeze %dma_start3A_112 : memref<1x78x128xi32, #tpu.memory_space<hbm>> -> memref<78x128xi32, #tpu.memory_space<hbm>>
          %dma_start3A_114 = arith.constant 0 : i32
          %dma_start3A_115 = tpu.memref_slice %dma_start3A_113[%add3A_109, %dma_start3A_114] : memref<78x128xi32, #tpu.memory_space<hbm>> -> memref<1x128xi32, #tpu.memory_space<hbm>>
          %dma_start3A_116 = arith.constant 0 : i32
          %dma_start3A_117 = arith.constant 0 : i32
          %dma_start3A_118 = tpu.memref_slice %arg4[%add3A, %dma_start3A_116, %dma_start3A_117] : memref<32x78x128xi32, #tpu.memory_space<hbm>> -> memref<1x78x128xi32, #tpu.memory_space<hbm>>
          %dma_start3A_119 = tpu.memref_squeeze %dma_start3A_118 : memref<1x78x128xi32, #tpu.memory_space<hbm>> -> memref<78x128xi32, #tpu.memory_space<hbm>>
          %dma_start3A_120 = arith.constant 0 : i32
          %dma_start3A_121 = tpu.memref_slice %dma_start3A_119[%add3A_109, %dma_start3A_120] : memref<78x128xi32, #tpu.memory_space<hbm>> -> memref<1x128xi32, #tpu.memory_space<hbm>>
          tpu.enqueue_dma source(%dma_start3A_121 : memref<1x128xi32, #tpu.memory_space<hbm>>) target(%arg11 : memref<1x128xi32, #tpu.memory_space<vmem>>) target_semaphore(%arg21 : memref<!tpu.dma_semaphore, #tpu.memory_space<semaphore_mem>>)
          %add3A_122 = arith.constant 1 : i32
          %add3A_123 = arith.addi %scan3A_46, %add3A_122 : i32
          %dma_start3A_124 = arith.constant 0 : i32
          %dma_start3A_125 = tpu.memref_slice %arg9[%add3A_123, %dma_start3A_124] : memref<78x128xi32, #tpu.memory_space<vmem>> -> memref<1x128xi32, #tpu.memory_space<vmem>>
          %dma_start3A_126 = tpu.memref_squeeze %dma_start3A_125 : memref<1x128xi32, #tpu.memory_space<vmem>> -> memref<128xi32, #tpu.memory_space<vmem>>
          %dma_start3A_127 = arith.constant 0 : i32
          %dma_start3A_128 = arith.constant 0 : i32
          %dma_start3A_129 = tpu.memref_slice %arg2[%dma_start3A_127, %dma_start3A_128] : memref<10000x128xf32, #tpu.memory_space<hbm>> -> memref<10000x128xf32, #tpu.memory_space<hbm>>
          tpu.enqueue_indirect_dma source(%dma_start3A_129 : memref<10000x128xf32, #tpu.memory_space<hbm>>) target(%arg13 : memref<128x128xf32, #tpu.memory_space<vmem>>) offsets(%dma_start3A_126 : memref<128xi32, #tpu.memory_space<vmem>>) semaphore(%arg19 : memref<!tpu.dma_semaphore, #tpu.memory_space<semaphore_mem>>)
        } else {
        }
        %dma_wait3A_96 = arith.constant 0 : i32
        %dma_wait3A_97 = arith.constant 0 : i32
        %dma_wait3A_98 = tpu.memref_slice %arg4[%add3A, %dma_wait3A_96, %dma_wait3A_97] : memref<32x78x128xi32, #tpu.memory_space<hbm>> -> memref<1x78x128xi32, #tpu.memory_space<hbm>>
        %dma_wait3A_99 = tpu.memref_squeeze %dma_wait3A_98 : memref<1x78x128xi32, #tpu.memory_space<hbm>> -> memref<78x128xi32, #tpu.memory_space<hbm>>
        %dma_wait3A_100 = arith.constant 0 : i32
        %dma_wait3A_101 = tpu.memref_slice %dma_wait3A_99[%scan3A_46, %dma_wait3A_100] : memref<78x128xi32, #tpu.memory_space<hbm>> -> memref<1x128xi32, #tpu.memory_space<hbm>>
        %dma_wait3A_102 = arith.constant 0 : i32
        %dma_wait3A_103 = arith.constant 0 : i32
        %dma_wait3A_104 = tpu.memref_slice %arg4[%add3A, %dma_wait3A_102, %dma_wait3A_103] : memref<32x78x128xi32, #tpu.memory_space<hbm>> -> memref<1x78x128xi32, #tpu.memory_space<hbm>>
        %dma_wait3A_105 = tpu.memref_squeeze %dma_wait3A_104 : memref<1x78x128xi32, #tpu.memory_space<hbm>> -> memref<78x128xi32, #tpu.memory_space<hbm>>
        %dma_wait3A_106 = arith.constant 0 : i32
        %dma_wait3A_107 = tpu.memref_slice %dma_wait3A_105[%scan3A_46, %dma_wait3A_106] : memref<78x128xi32, #tpu.memory_space<hbm>> -> memref<1x128xi32, #tpu.memory_space<hbm>>
        tpu.wait_dma2 semaphore(%arg20 : memref<!tpu.dma_semaphore, #tpu.memory_space<semaphore_mem>>) src(%dma_wait3A_107 : memref<1x128xi32, #tpu.memory_space<hbm>>) dst(%arg10 : memref<1x128xi32, #tpu.memory_space<vmem>>)
        %run_scoped3A = arith.constant 0 : i32
        "tpu.region"() ({
          %run_scoped3A_108 = tpu.sem_alloc : memref<!tpu.dma_semaphore, #tpu.memory_space<semaphore_mem>>
          %dma_start3A_109 = arith.constant 0 : i32
          %dma_start3A_110 = tpu.memref_slice %arg10[%run_scoped3A, %dma_start3A_109] : memref<1x128xi32, #tpu.memory_space<vmem>> -> memref<1x128xi32, #tpu.memory_space<vmem>>
          %dma_start3A_111 = tpu.memref_squeeze %dma_start3A_110 : memref<1x128xi32, #tpu.memory_space<vmem>> -> memref<128xi32, #tpu.memory_space<vmem>>
          %dma_start3A_112 = arith.constant 0 : i32
          %dma_start3A_113 = arith.constant 0 : i32
          %dma_start3A_114 = tpu.memref_slice %arg17[%dma_start3A_112, %dma_start3A_113] : memref<10000x128xf32, #tpu.memory_space<vmem_shared>> -> memref<10000x128xf32, #tpu.memory_space<vmem_shared>>
          tpu.enqueue_indirect_dma source(%arg12 : memref<128x128xf32, #tpu.memory_space<vmem>>) target(%dma_start3A_114 : memref<10000x128xf32, #tpu.memory_space<vmem_shared>>) offsets(%dma_start3A_111 : memref<128xi32, #tpu.memory_space<vmem>>) semaphore(%run_scoped3A_108 : memref<!tpu.dma_semaphore, #tpu.memory_space<semaphore_mem>>) {add = true}
          %dma_wait3A_115 = arith.constant 0 : i32
          %dma_wait3A_116 = tpu.memref_slice %arg10[%run_scoped3A, %dma_wait3A_115] : memref<1x128xi32, #tpu.memory_space<vmem>> -> memref<1x128xi32, #tpu.memory_space<vmem>>
          %dma_wait3A_117 = tpu.memref_squeeze %dma_wait3A_116 : memref<1x128xi32, #tpu.memory_space<vmem>> -> memref<128xi32, #tpu.memory_space<vmem>>
          %dma_wait3A_118 = arith.constant 0 : i32
          %dma_wait3A_119 = arith.constant 0 : i32
          %dma_wait3A_120 = tpu.memref_slice %arg17[%dma_wait3A_118, %dma_wait3A_119] : memref<10000x128xf32, #tpu.memory_space<vmem_shared>> -> memref<10000x128xf32, #tpu.memory_space<vmem_shared>>
          tpu.wait_indirect_dma semaphore(%run_scoped3A_108 : memref<!tpu.dma_semaphore, #tpu.memory_space<semaphore_mem>>) src(%arg12 : memref<128x128xf32, #tpu.memory_space<vmem>>) dst(%dma_wait3A_120 : memref<10000x128xf32, #tpu.memory_space<vmem_shared>>)
          tpu.yield
        }) : () -> ()
      } else {
      }
      %jit3A_62 = arith.constant 2 : i32
      %eq3A_63 = arith.constant 0 : i32
      %eq3A_64 = arith.cmpi eq, %jit3A_62, %eq3A_63 : i32
      %jit3A_65 = arith.constant 1 : i32
      %select_n3A_66 = arith.select %eq3A_64, %jit3A_65, %jit3A_62 : i32
      %rem3A_67 = arith.remsi %scan3A_46, %select_n3A_66 : i32
      %ne3A_68 = arith.constant 0 : i32
      %ne3A_69 = arith.cmpi ne, %rem3A_67, %ne3A_68 : i32
      %lt3A_70 = arith.constant 0 : i32
      %lt3A_71 = arith.cmpi slt, %rem3A_67, %lt3A_70 : i32
      %lt3A_72 = arith.constant 0 : i32
      %lt3A_73 = arith.cmpi slt, %select_n3A_66, %lt3A_72 : i32
      %ne3A_74 = arith.xori %lt3A_71, %lt3A_73 : i1
      %and3A_75 = arith.andi %ne3A_74, %ne3A_69 : i1
      %add3A_76 = arith.addi %rem3A_67, %select_n3A_66 : i32
      %select_n3A_77 = arith.select %and3A_75, %add3A_76, %rem3A_67 : i32
      %eq3A_78 = arith.constant 1 : i32
      %eq3A_79 = arith.cmpi eq, %select_n3A_77, %eq3A_78 : i32
      %convert_element_type3A_80 = arith.extui %eq3A_79 : i1 to i32
      %cond3A_81 = arith.constant 0 : i32
      %cond3A_82 = arith.cmpi ne, %convert_element_type3A_80, %cond3A_81 : i32
      scf.if %cond3A_82 {
        %dma_wait3A_83 = arith.constant 0 : i32
        %dma_wait3A_84 = tpu.memref_slice %arg9[%scan3A_46, %dma_wait3A_83] : memref<78x128xi32, #tpu.memory_space<vmem>> -> memref<1x128xi32, #tpu.memory_space<vmem>>
        %dma_wait3A_85 = tpu.memref_squeeze %dma_wait3A_84 : memref<1x128xi32, #tpu.memory_space<vmem>> -> memref<128xi32, #tpu.memory_space<vmem>>
        %dma_wait3A_86 = arith.constant 0 : i32
        %dma_wait3A_87 = arith.constant 0 : i32
        %dma_wait3A_88 = tpu.memref_slice %arg2[%dma_wait3A_86, %dma_wait3A_87] : memref<10000x128xf32, #tpu.memory_space<hbm>> -> memref<10000x128xf32, #tpu.memory_space<hbm>>
        tpu.wait_indirect_dma semaphore(%arg19 : memref<!tpu.dma_semaphore, #tpu.memory_space<semaphore_mem>>) src(%dma_wait3A_88 : memref<10000x128xf32, #tpu.memory_space<hbm>>) dst(%arg13 : memref<128x128xf32, #tpu.memory_space<vmem>>)
        %add3A_89 = arith.constant 1 : i32
        %add3A_90 = arith.addi %scan3A_46, %add3A_89 : i32
        %lt3A_91 = arith.constant 78 : i32
        %lt3A_92 = arith.cmpi slt, %add3A_90, %lt3A_91 : i32
        %convert_element_type3A_93 = arith.extui %lt3A_92 : i1 to i32
        %cond3A_94 = arith.constant 0 : i32
        %cond3A_95 = arith.cmpi ne, %convert_element_type3A_93, %cond3A_94 : i32
        scf.if %cond3A_95 {
          %add3A_108 = arith.constant 1 : i32
          %add3A_109 = arith.addi %scan3A_46, %add3A_108 : i32
          %dma_start3A_110 = arith.constant 0 : i32
          %dma_start3A_111 = arith.constant 0 : i32
          %dma_start3A_112 = tpu.memref_slice %arg4[%add3A, %dma_start3A_110, %dma_start3A_111] : memref<32x78x128xi32, #tpu.memory_space<hbm>> -> memref<1x78x128xi32, #tpu.memory_space<hbm>>
          %dma_start3A_113 = tpu.memref_squeeze %dma_start3A_112 : memref<1x78x128xi32, #tpu.memory_space<hbm>> -> memref<78x128xi32, #tpu.memory_space<hbm>>
          %dma_start3A_114 = arith.constant 0 : i32
          %dma_start3A_115 = tpu.memref_slice %dma_start3A_113[%add3A_109, %dma_start3A_114] : memref<78x128xi32, #tpu.memory_space<hbm>> -> memref<1x128xi32, #tpu.memory_space<hbm>>
          %dma_start3A_116 = arith.constant 0 : i32
          %dma_start3A_117 = arith.constant 0 : i32
          %dma_start3A_118 = tpu.memref_slice %arg4[%add3A, %dma_start3A_116, %dma_start3A_117] : memref<32x78x128xi32, #tpu.memory_space<hbm>> -> memref<1x78x128xi32, #tpu.memory_space<hbm>>
          %dma_start3A_119 = tpu.memref_squeeze %dma_start3A_118 : memref<1x78x128xi32, #tpu.memory_space<hbm>> -> memref<78x128xi32, #tpu.memory_space<hbm>>
          %dma_start3A_120 = arith.constant 0 : i32
          %dma_start3A_121 = tpu.memref_slice %dma_start3A_119[%add3A_109, %dma_start3A_120] : memref<78x128xi32, #tpu.memory_space<hbm>> -> memref<1x128xi32, #tpu.memory_space<hbm>>
          tpu.enqueue_dma source(%dma_start3A_121 : memref<1x128xi32, #tpu.memory_space<hbm>>) target(%arg10 : memref<1x128xi32, #tpu.memory_space<vmem>>) target_semaphore(%arg20 : memref<!tpu.dma_semaphore, #tpu.memory_space<semaphore_mem>>)
          %add3A_122 = arith.constant 1 : i32
          %add3A_123 = arith.addi %scan3A_46, %add3A_122 : i32
          %dma_start3A_124 = arith.constant 0 : i32
          %dma_start3A_125 = tpu.memref_slice %arg9[%add3A_123, %dma_start3A_124] : memref<78x128xi32, #tpu.memory_space<vmem>> -> memref<1x128xi32, #tpu.memory_space<vmem>>
          %dma_start3A_126 = tpu.memref_squeeze %dma_start3A_125 : memref<1x128xi32, #tpu.memory_space<vmem>> -> memref<128xi32, #tpu.memory_space<vmem>>
          %dma_start3A_127 = arith.constant 0 : i32
          %dma_start3A_128 = arith.constant 0 : i32
          %dma_start3A_129 = tpu.memref_slice %arg2[%dma_start3A_127, %dma_start3A_128] : memref<10000x128xf32, #tpu.memory_space<hbm>> -> memref<10000x128xf32, #tpu.memory_space<hbm>>
          tpu.enqueue_indirect_dma source(%dma_start3A_129 : memref<10000x128xf32, #tpu.memory_space<hbm>>) target(%arg12 : memref<128x128xf32, #tpu.memory_space<vmem>>) offsets(%dma_start3A_126 : memref<128xi32, #tpu.memory_space<vmem>>) semaphore(%arg18 : memref<!tpu.dma_semaphore, #tpu.memory_space<semaphore_mem>>)
        } else {
        }
        %dma_wait3A_96 = arith.constant 0 : i32
        %dma_wait3A_97 = arith.constant 0 : i32
        %dma_wait3A_98 = tpu.memref_slice %arg4[%add3A, %dma_wait3A_96, %dma_wait3A_97] : memref<32x78x128xi32, #tpu.memory_space<hbm>> -> memref<1x78x128xi32, #tpu.memory_space<hbm>>
        %dma_wait3A_99 = tpu.memref_squeeze %dma_wait3A_98 : memref<1x78x128xi32, #tpu.memory_space<hbm>> -> memref<78x128xi32, #tpu.memory_space<hbm>>
        %dma_wait3A_100 = arith.constant 0 : i32
        %dma_wait3A_101 = tpu.memref_slice %dma_wait3A_99[%scan3A_46, %dma_wait3A_100] : memref<78x128xi32, #tpu.memory_space<hbm>> -> memref<1x128xi32, #tpu.memory_space<hbm>>
        %dma_wait3A_102 = arith.constant 0 : i32
        %dma_wait3A_103 = arith.constant 0 : i32
        %dma_wait3A_104 = tpu.memref_slice %arg4[%add3A, %dma_wait3A_102, %dma_wait3A_103] : memref<32x78x128xi32, #tpu.memory_space<hbm>> -> memref<1x78x128xi32, #tpu.memory_space<hbm>>
        %dma_wait3A_105 = tpu.memref_squeeze %dma_wait3A_104 : memref<1x78x128xi32, #tpu.memory_space<hbm>> -> memref<78x128xi32, #tpu.memory_space<hbm>>
        %dma_wait3A_106 = arith.constant 0 : i32
        %dma_wait3A_107 = tpu.memref_slice %dma_wait3A_105[%scan3A_46, %dma_wait3A_106] : memref<78x128xi32, #tpu.memory_space<hbm>> -> memref<1x128xi32, #tpu.memory_space<hbm>>
        tpu.wait_dma2 semaphore(%arg21 : memref<!tpu.dma_semaphore, #tpu.memory_space<semaphore_mem>>) src(%dma_wait3A_107 : memref<1x128xi32, #tpu.memory_space<hbm>>) dst(%arg11 : memref<1x128xi32, #tpu.memory_space<vmem>>)
        %run_scoped3A = arith.constant 0 : i32
        "tpu.region"() ({
          %run_scoped3A_108 = tpu.sem_alloc : memref<!tpu.dma_semaphore, #tpu.memory_space<semaphore_mem>>
          %dma_start3A_109 = arith.constant 0 : i32
          %dma_start3A_110 = tpu.memref_slice %arg11[%run_scoped3A, %dma_start3A_109] : memref<1x128xi32, #tpu.memory_space<vmem>> -> memref<1x128xi32, #tpu.memory_space<vmem>>
          %dma_start3A_111 = tpu.memref_squeeze %dma_start3A_110 : memref<1x128xi32, #tpu.memory_space<vmem>> -> memref<128xi32, #tpu.memory_space<vmem>>
          %dma_start3A_112 = arith.constant 0 : i32
          %dma_start3A_113 = arith.constant 0 : i32
          %dma_start3A_114 = tpu.memref_slice %arg17[%dma_start3A_112, %dma_start3A_113] : memref<10000x128xf32, #tpu.memory_space<vmem_shared>> -> memref<10000x128xf32, #tpu.memory_space<vmem_shared>>
          tpu.enqueue_indirect_dma source(%arg13 : memref<128x128xf32, #tpu.memory_space<vmem>>) target(%dma_start3A_114 : memref<10000x128xf32, #tpu.memory_space<vmem_shared>>) offsets(%dma_start3A_111 : memref<128xi32, #tpu.memory_space<vmem>>) semaphore(%run_scoped3A_108 : memref<!tpu.dma_semaphore, #tpu.memory_space<semaphore_mem>>) {add = true}
          %dma_wait3A_115 = arith.constant 0 : i32
          %dma_wait3A_116 = tpu.memref_slice %arg11[%run_scoped3A, %dma_wait3A_115] : memref<1x128xi32, #tpu.memory_space<vmem>> -> memref<1x128xi32, #tpu.memory_space<vmem>>
          %dma_wait3A_117 = tpu.memref_squeeze %dma_wait3A_116 : memref<1x128xi32, #tpu.memory_space<vmem>> -> memref<128xi32, #tpu.memory_space<vmem>>
          %dma_wait3A_118 = arith.constant 0 : i32
          %dma_wait3A_119 = arith.constant 0 : i32
          %dma_wait3A_120 = tpu.memref_slice %arg17[%dma_wait3A_118, %dma_wait3A_119] : memref<10000x128xf32, #tpu.memory_space<vmem_shared>> -> memref<10000x128xf32, #tpu.memory_space<vmem_shared>>
          tpu.wait_indirect_dma semaphore(%run_scoped3A_108 : memref<!tpu.dma_semaphore, #tpu.memory_space<semaphore_mem>>) src(%arg13 : memref<128x128xf32, #tpu.memory_space<vmem>>) dst(%dma_wait3A_120 : memref<10000x128xf32, #tpu.memory_space<vmem_shared>>)
          tpu.yield
        }) : () -> ()
      } else {
      }
    }
    %scan3A_39 = arith.constant 78 : i32
    %barrier3A_40 = arith.constant 0 : index
    tpu.barrier barrier_id(%barrier3A_40)
    "tpu.region"() ({
      %run_scoped3A = tpu.sem_alloc : memref<!tpu.dma_semaphore, #tpu.memory_space<semaphore_mem>>
      %dma_start3A_46 = arith.constant 0 : i32
      %dma_start3A_47 = arith.constant 0 : i32
      %dma_start3A_48 = tpu.memref_slice %arg8[%arg0, %dma_start3A_46, %dma_start3A_47] : memref<2x10000x128xf32, #tpu.memory_space<hbm>> -> memref<1x10000x128xf32, #tpu.memory_space<hbm>>
      %dma_start3A_49 = tpu.memref_squeeze %dma_start3A_48 : memref<1x10000x128xf32, #tpu.memory_space<hbm>> -> memref<10000x128xf32, #tpu.memory_space<hbm>>
      %dma_start3A_50 = arith.constant 0 : i32
      %dma_start3A_51 = tpu.memref_slice %dma_start3A_49[%mul3A_2, %dma_start3A_50] : memref<10000x128xf32, #tpu.memory_space<hbm>> -> memref<624x128xf32, #tpu.memory_space<hbm>>
      %dma_start3A_52 = arith.constant 0 : i32
      %dma_start3A_53 = tpu.memref_slice %arg17[%mul3A_2, %dma_start3A_52] : memref<10000x128xf32, #tpu.memory_space<vmem_shared>> -> memref<624x128xf32, #tpu.memory_space<vmem_shared>>
      tpu.enqueue_dma source(%dma_start3A_53 : memref<624x128xf32, #tpu.memory_space<vmem_shared>>) target(%dma_start3A_51 : memref<624x128xf32, #tpu.memory_space<hbm>>) target_semaphore(%run_scoped3A : memref<!tpu.dma_semaphore, #tpu.memory_space<semaphore_mem>>)
      %dma_wait3A_54 = arith.constant 0 : i32
      %dma_wait3A_55 = arith.constant 0 : i32
      %dma_wait3A_56 = tpu.memref_slice %arg8[%arg0, %dma_wait3A_54, %dma_wait3A_55] : memref<2x10000x128xf32, #tpu.memory_space<hbm>> -> memref<1x10000x128xf32, #tpu.memory_space<hbm>>
      %dma_wait3A_57 = tpu.memref_squeeze %dma_wait3A_56 : memref<1x10000x128xf32, #tpu.memory_space<hbm>> -> memref<10000x128xf32, #tpu.memory_space<hbm>>
      %dma_wait3A_58 = arith.constant 0 : i32
      %dma_wait3A_59 = tpu.memref_slice %dma_wait3A_57[%mul3A_2, %dma_wait3A_58] : memref<10000x128xf32, #tpu.memory_space<hbm>> -> memref<624x128xf32, #tpu.memory_space<hbm>>
      %dma_wait3A_60 = arith.constant 0 : i32
      %dma_wait3A_61 = tpu.memref_slice %arg17[%mul3A_2, %dma_wait3A_60] : memref<10000x128xf32, #tpu.memory_space<vmem_shared>> -> memref<624x128xf32, #tpu.memory_space<vmem_shared>>
      tpu.wait_dma2 semaphore(%run_scoped3A : memref<!tpu.dma_semaphore, #tpu.memory_space<semaphore_mem>>) src(%dma_wait3A_61 : memref<624x128xf32, #tpu.memory_space<vmem_shared>>) dst(%dma_wait3A_59 : memref<624x128xf32, #tpu.memory_space<hbm>>)
      tpu.yield
    }) : () -> ()
    %eq3A_41 = arith.constant 15 : i32
    %eq3A_42 = arith.cmpi eq, %arg1, %eq3A_41 : i32
    %convert_element_type3A_43 = arith.extui %eq3A_42 : i1 to i32
    %cond3A_44 = arith.constant 0 : i32
    %cond3A_45 = arith.cmpi ne, %convert_element_type3A_43, %cond3A_44 : i32
    scf.if %cond3A_45 {
      "tpu.region"() ({
        %run_scoped3A = tpu.sem_alloc : memref<!tpu.dma_semaphore, #tpu.memory_space<semaphore_mem>>
        %dma_start3A_46 = arith.constant 0 : i32
        %dma_start3A_47 = arith.constant 0 : i32
        %dma_start3A_48 = tpu.memref_slice %arg8[%arg0, %dma_start3A_46, %dma_start3A_47] : memref<2x10000x128xf32, #tpu.memory_space<hbm>> -> memref<1x10000x128xf32, #tpu.memory_space<hbm>>
        %dma_start3A_49 = tpu.memref_squeeze %dma_start3A_48 : memref<1x10000x128xf32, #tpu.memory_space<hbm>> -> memref<10000x128xf32, #tpu.memory_space<hbm>>
        %dma_start3A_50 = arith.constant 9984 : i32
        %dma_start3A_51 = arith.constant 0 : i32
        %dma_start3A_52 = tpu.memref_slice %dma_start3A_49[%dma_start3A_50, %dma_start3A_51] : memref<10000x128xf32, #tpu.memory_space<hbm>> -> memref<16x128xf32, #tpu.memory_space<hbm>>
        %dma_start3A_53 = arith.constant 9984 : i32
        %dma_start3A_54 = arith.constant 0 : i32
        %dma_start3A_55 = tpu.memref_slice %arg17[%dma_start3A_53, %dma_start3A_54] : memref<10000x128xf32, #tpu.memory_space<vmem_shared>> -> memref<16x128xf32, #tpu.memory_space<vmem_shared>>
        tpu.enqueue_dma source(%dma_start3A_55 : memref<16x128xf32, #tpu.memory_space<vmem_shared>>) target(%dma_start3A_52 : memref<16x128xf32, #tpu.memory_space<hbm>>) target_semaphore(%run_scoped3A : memref<!tpu.dma_semaphore, #tpu.memory_space<semaphore_mem>>)
        %dma_wait3A_56 = arith.constant 0 : i32
        %dma_wait3A_57 = arith.constant 0 : i32
        %dma_wait3A_58 = tpu.memref_slice %arg8[%arg0, %dma_wait3A_56, %dma_wait3A_57] : memref<2x10000x128xf32, #tpu.memory_space<hbm>> -> memref<1x10000x128xf32, #tpu.memory_space<hbm>>
        %dma_wait3A_59 = tpu.memref_squeeze %dma_wait3A_58 : memref<1x10000x128xf32, #tpu.memory_space<hbm>> -> memref<10000x128xf32, #tpu.memory_space<hbm>>
        %dma_wait3A_60 = arith.constant 9984 : i32
        %dma_wait3A_61 = arith.constant 0 : i32
        %dma_wait3A_62 = tpu.memref_slice %dma_wait3A_59[%dma_wait3A_60, %dma_wait3A_61] : memref<10000x128xf32, #tpu.memory_space<hbm>> -> memref<16x128xf32, #tpu.memory_space<hbm>>
        %dma_wait3A_63 = arith.constant 9984 : i32
        %dma_wait3A_64 = arith.constant 0 : i32
        %dma_wait3A_65 = tpu.memref_slice %arg17[%dma_wait3A_63, %dma_wait3A_64] : memref<10000x128xf32, #tpu.memory_space<vmem_shared>> -> memref<16x128xf32, #tpu.memory_space<vmem_shared>>
        tpu.wait_dma2 semaphore(%run_scoped3A : memref<!tpu.dma_semaphore, #tpu.memory_space<semaphore_mem>>) src(%dma_wait3A_65 : memref<16x128xf32, #tpu.memory_space<vmem_shared>>) dst(%dma_wait3A_62 : memref<16x128xf32, #tpu.memory_space<hbm>>)
        tpu.yield
      }) : () -> ()
    } else {
    }
    return
  }
}

#map = affine_map<(d0, d1) -> (0, 0)>
#map1 = affine_map<(d0, d1) -> (0, 0, 0)>
module attributes {stable_mosaic.version = 14 : i64} {
  func.func @_sc_spmm_body(%arg0: i32, %arg1: i32, %arg2: memref<10000x128xf32, #tpu.memory_space<hbm>>, %arg3: memref<32x78x128xi32, #tpu.memory_space<hbm>>, %arg4: memref<32x78x128xi32, #tpu.memory_space<hbm>>, %arg5: memref<32x16xi32, #tpu.memory_space<hbm>>, %arg6: memref<32x16xi32, #tpu.memory_space<hbm>>, %arg7: memref<624x128xf32, #tpu.memory_space<hbm>>, %arg8: memref<2x10000x128xf32, #tpu.memory_space<hbm>>, %arg9: memref<78x128xi32, #tpu.memory_space<vmem>>, %arg10: memref<1x128xi32, #tpu.memory_space<vmem>>, %arg11: memref<1x128xi32, #tpu.memory_space<vmem>>, %arg12: memref<128x128xf32, #tpu.memory_space<vmem>>, %arg13: memref<128x128xf32, #tpu.memory_space<vmem>>, %arg14: memref<16xi32, #tpu.memory_space<vmem>>, %arg15: memref<16xi32, #tpu.memory_space<vmem>>, %arg16: memref<16x128xf32, #tpu.memory_space<vmem>>, %arg17: memref<10000x128xf32, #tpu.memory_space<vmem_shared>>, %arg18: memref<!tpu.dma_semaphore, #tpu.memory_space<semaphore_mem>>, %arg19: memref<!tpu.dma_semaphore, #tpu.memory_space<semaphore_mem>>, %arg20: memref<!tpu.dma_semaphore, #tpu.memory_space<semaphore_mem>>, %arg21: memref<!tpu.dma_semaphore, #tpu.memory_space<semaphore_mem>>) attributes {dimension_semantics = [#tpu.dimension_semantics<core_parallel>, #tpu.dimension_semantics<subcore_parallel>], iteration_bounds = array<i64: 2, 16>, scalar_prefetch = 0 : i64, scratch_operands = 13 : i64, tpu.core_type = #tpu.core_type<sc_vector_subcore>, window_params = [{transform_indices = #map}, {transform_indices = #map1}, {transform_indices = #map1}, {transform_indices = #map}, {transform_indices = #map}, {transform_indices = #map}, {transform_indices = #map1}]} {
    %mul3A = arith.constant 2 : i32
    %mul3A_0 = arith.muli %arg1, %mul3A : i32
    %add3A = arith.addi %mul3A_0, %arg0 : i32
    %mul3A_1 = arith.constant 624 : i32
    %mul3A_2 = arith.muli %arg1, %mul3A_1 : i32
    %eq3A = arith.constant 0 : i32
    %eq3A_3 = arith.cmpi eq, %arg0, %eq3A : i32
    %convert_element_type3A = arith.extui %eq3A_3 : i1 to i32
    %cond3A = arith.constant 0 : i32
    %cond3A_4 = arith.cmpi ne, %convert_element_type3A, %cond3A : i32
    scf.if %cond3A_4 {
      "tpu.region"() ({
        %run_scoped3A = tpu.sem_alloc : memref<!tpu.dma_semaphore, #tpu.memory_space<semaphore_mem>>
        %dma_start3A_51 = arith.constant 0 : i32
        %dma_start3A_52 = tpu.memref_slice %arg17[%mul3A_2, %dma_start3A_51] : memref<10000x128xf32, #tpu.memory_space<vmem_shared>> -> memref<624x128xf32, #tpu.memory_space<vmem_shared>>
        %dma_start3A_53 = arith.constant 0 : i32
        %dma_start3A_54 = tpu.memref_slice %arg2[%mul3A_2, %dma_start3A_53] : memref<10000x128xf32, #tpu.memory_space<hbm>> -> memref<624x128xf32, #tpu.memory_space<hbm>>
        tpu.enqueue_dma source(%dma_start3A_54 : memref<624x128xf32, #tpu.memory_space<hbm>>) target(%dma_start3A_52 : memref<624x128xf32, #tpu.memory_space<vmem_shared>>) target_semaphore(%run_scoped3A : memref<!tpu.dma_semaphore, #tpu.memory_space<semaphore_mem>>)
        %dma_wait3A_55 = arith.constant 0 : i32
        %dma_wait3A_56 = tpu.memref_slice %arg17[%mul3A_2, %dma_wait3A_55] : memref<10000x128xf32, #tpu.memory_space<vmem_shared>> -> memref<624x128xf32, #tpu.memory_space<vmem_shared>>
        %dma_wait3A_57 = arith.constant 0 : i32
        %dma_wait3A_58 = tpu.memref_slice %arg2[%mul3A_2, %dma_wait3A_57] : memref<10000x128xf32, #tpu.memory_space<hbm>> -> memref<624x128xf32, #tpu.memory_space<hbm>>
        tpu.wait_dma2 semaphore(%run_scoped3A : memref<!tpu.dma_semaphore, #tpu.memory_space<semaphore_mem>>) src(%dma_wait3A_58 : memref<624x128xf32, #tpu.memory_space<hbm>>) dst(%dma_wait3A_56 : memref<624x128xf32, #tpu.memory_space<vmem_shared>>)
        tpu.yield
      }) : () -> ()
      %eq3A_46 = arith.constant 15 : i32
      %eq3A_47 = arith.cmpi eq, %arg1, %eq3A_46 : i32
      %convert_element_type3A_48 = arith.extui %eq3A_47 : i1 to i32
      %cond3A_49 = arith.constant 0 : i32
      %cond3A_50 = arith.cmpi ne, %convert_element_type3A_48, %cond3A_49 : i32
      scf.if %cond3A_50 {
        "tpu.region"() ({
          %run_scoped3A = tpu.sem_alloc : memref<!tpu.dma_semaphore, #tpu.memory_space<semaphore_mem>>
          %dma_start3A_51 = arith.constant 9984 : i32
          %dma_start3A_52 = arith.constant 0 : i32
          %dma_start3A_53 = tpu.memref_slice %arg17[%dma_start3A_51, %dma_start3A_52] : memref<10000x128xf32, #tpu.memory_space<vmem_shared>> -> memref<16x128xf32, #tpu.memory_space<vmem_shared>>
          %dma_start3A_54 = arith.constant 9984 : i32
          %dma_start3A_55 = arith.constant 0 : i32
          %dma_start3A_56 = tpu.memref_slice %arg2[%dma_start3A_54, %dma_start3A_55] : memref<10000x128xf32, #tpu.memory_space<hbm>> -> memref<16x128xf32, #tpu.memory_space<hbm>>
          tpu.enqueue_dma source(%dma_start3A_56 : memref<16x128xf32, #tpu.memory_space<hbm>>) target(%dma_start3A_53 : memref<16x128xf32, #tpu.memory_space<vmem_shared>>) target_semaphore(%run_scoped3A : memref<!tpu.dma_semaphore, #tpu.memory_space<semaphore_mem>>)
          %dma_wait3A_57 = arith.constant 9984 : i32
          %dma_wait3A_58 = arith.constant 0 : i32
          %dma_wait3A_59 = tpu.memref_slice %arg17[%dma_wait3A_57, %dma_wait3A_58] : memref<10000x128xf32, #tpu.memory_space<vmem_shared>> -> memref<16x128xf32, #tpu.memory_space<vmem_shared>>
          %dma_wait3A_60 = arith.constant 9984 : i32
          %dma_wait3A_61 = arith.constant 0 : i32
          %dma_wait3A_62 = tpu.memref_slice %arg2[%dma_wait3A_60, %dma_wait3A_61] : memref<10000x128xf32, #tpu.memory_space<hbm>> -> memref<16x128xf32, #tpu.memory_space<hbm>>
          tpu.wait_dma2 semaphore(%run_scoped3A : memref<!tpu.dma_semaphore, #tpu.memory_space<semaphore_mem>>) src(%dma_wait3A_62 : memref<16x128xf32, #tpu.memory_space<hbm>>) dst(%dma_wait3A_59 : memref<16x128xf32, #tpu.memory_space<vmem_shared>>)
          tpu.yield
        }) : () -> ()
      } else {
      }
    } else {
    }
    %eq3A_5 = arith.constant 1 : i32
    %eq3A_6 = arith.cmpi eq, %arg0, %eq3A_5 : i32
    %convert_element_type3A_7 = arith.extui %eq3A_6 : i1 to i32
    %cond3A_8 = arith.constant 0 : i32
    %cond3A_9 = arith.cmpi ne, %convert_element_type3A_7, %cond3A_8 : i32
    scf.if %cond3A_9 {
      "tpu.region"() ({
        %run_scoped3A = tpu.sem_alloc : memref<!tpu.dma_semaphore, #tpu.memory_space<semaphore_mem>>
        %dma_start3A_51 = arith.constant 0 : i32
        %dma_start3A_52 = tpu.memref_slice %arg17[%mul3A_2, %dma_start3A_51] : memref<10000x128xf32, #tpu.memory_space<vmem_shared>> -> memref<624x128xf32, #tpu.memory_space<vmem_shared>>
        %dma_start3A_53 = arith.constant 0 : i32
        %dma_start3A_54 = arith.constant 0 : i32
        %dma_start3A_55 = tpu.memref_slice %arg7[%dma_start3A_53, %dma_start3A_54] : memref<624x128xf32, #tpu.memory_space<hbm>> -> memref<624x128xf32, #tpu.memory_space<hbm>>
        tpu.enqueue_dma source(%dma_start3A_55 : memref<624x128xf32, #tpu.memory_space<hbm>>) target(%dma_start3A_52 : memref<624x128xf32, #tpu.memory_space<vmem_shared>>) target_semaphore(%run_scoped3A : memref<!tpu.dma_semaphore, #tpu.memory_space<semaphore_mem>>)
        %dma_wait3A_56 = arith.constant 0 : i32
        %dma_wait3A_57 = tpu.memref_slice %arg17[%mul3A_2, %dma_wait3A_56] : memref<10000x128xf32, #tpu.memory_space<vmem_shared>> -> memref<624x128xf32, #tpu.memory_space<vmem_shared>>
        %dma_wait3A_58 = arith.constant 0 : i32
        %dma_wait3A_59 = arith.constant 0 : i32
        %dma_wait3A_60 = tpu.memref_slice %arg7[%dma_wait3A_58, %dma_wait3A_59] : memref<624x128xf32, #tpu.memory_space<hbm>> -> memref<624x128xf32, #tpu.memory_space<hbm>>
        tpu.wait_dma2 semaphore(%run_scoped3A : memref<!tpu.dma_semaphore, #tpu.memory_space<semaphore_mem>>) src(%dma_wait3A_60 : memref<624x128xf32, #tpu.memory_space<hbm>>) dst(%dma_wait3A_57 : memref<624x128xf32, #tpu.memory_space<vmem_shared>>)
        tpu.yield
      }) : () -> ()
      %eq3A_46 = arith.constant 15 : i32
      %eq3A_47 = arith.cmpi eq, %arg1, %eq3A_46 : i32
      %convert_element_type3A_48 = arith.extui %eq3A_47 : i1 to i32
      %cond3A_49 = arith.constant 0 : i32
      %cond3A_50 = arith.cmpi ne, %convert_element_type3A_48, %cond3A_49 : i32
      scf.if %cond3A_50 {
        "tpu.region"() ({
          %run_scoped3A = tpu.sem_alloc : memref<!tpu.dma_semaphore, #tpu.memory_space<semaphore_mem>>
          %dma_start3A_51 = arith.constant 9984 : i32
          %dma_start3A_52 = arith.constant 0 : i32
          %dma_start3A_53 = tpu.memref_slice %arg17[%dma_start3A_51, %dma_start3A_52] : memref<10000x128xf32, #tpu.memory_space<vmem_shared>> -> memref<16x128xf32, #tpu.memory_space<vmem_shared>>
          %dma_start3A_54 = arith.constant 0 : i32
          %dma_start3A_55 = arith.constant 0 : i32
          %dma_start3A_56 = tpu.memref_slice %arg7[%dma_start3A_54, %dma_start3A_55] : memref<624x128xf32, #tpu.memory_space<hbm>> -> memref<16x128xf32, #tpu.memory_space<hbm>>
          tpu.enqueue_dma source(%dma_start3A_56 : memref<16x128xf32, #tpu.memory_space<hbm>>) target(%dma_start3A_53 : memref<16x128xf32, #tpu.memory_space<vmem_shared>>) target_semaphore(%run_scoped3A : memref<!tpu.dma_semaphore, #tpu.memory_space<semaphore_mem>>)
          %dma_wait3A_57 = arith.constant 9984 : i32
          %dma_wait3A_58 = arith.constant 0 : i32
          %dma_wait3A_59 = tpu.memref_slice %arg17[%dma_wait3A_57, %dma_wait3A_58] : memref<10000x128xf32, #tpu.memory_space<vmem_shared>> -> memref<16x128xf32, #tpu.memory_space<vmem_shared>>
          %dma_wait3A_60 = arith.constant 0 : i32
          %dma_wait3A_61 = arith.constant 0 : i32
          %dma_wait3A_62 = tpu.memref_slice %arg7[%dma_wait3A_60, %dma_wait3A_61] : memref<624x128xf32, #tpu.memory_space<hbm>> -> memref<16x128xf32, #tpu.memory_space<hbm>>
          tpu.wait_dma2 semaphore(%run_scoped3A : memref<!tpu.dma_semaphore, #tpu.memory_space<semaphore_mem>>) src(%dma_wait3A_62 : memref<16x128xf32, #tpu.memory_space<hbm>>) dst(%dma_wait3A_59 : memref<16x128xf32, #tpu.memory_space<vmem_shared>>)
          tpu.yield
        }) : () -> ()
      } else {
      }
    } else {
    }
    %barrier3A = arith.constant 0 : index
    tpu.barrier barrier_id(%barrier3A)
    "tpu.region"() ({
      %run_scoped3A = tpu.sem_alloc : memref<!tpu.dma_semaphore, #tpu.memory_space<semaphore_mem>>
      %dma_start3A_46 = arith.constant 0 : i32
      %dma_start3A_47 = tpu.memref_slice %arg5[%add3A, %dma_start3A_46] : memref<32x16xi32, #tpu.memory_space<hbm>> -> memref<1x16xi32, #tpu.memory_space<hbm>>
      %dma_start3A_48 = tpu.memref_squeeze %dma_start3A_47 : memref<1x16xi32, #tpu.memory_space<hbm>> -> memref<16xi32, #tpu.memory_space<hbm>>
      %dma_start3A_49 = arith.constant 0 : i32
      %dma_start3A_50 = tpu.memref_slice %arg5[%add3A, %dma_start3A_49] : memref<32x16xi32, #tpu.memory_space<hbm>> -> memref<1x16xi32, #tpu.memory_space<hbm>>
      %dma_start3A_51 = tpu.memref_squeeze %dma_start3A_50 : memref<1x16xi32, #tpu.memory_space<hbm>> -> memref<16xi32, #tpu.memory_space<hbm>>
      tpu.enqueue_dma source(%dma_start3A_51 : memref<16xi32, #tpu.memory_space<hbm>>) target(%arg14 : memref<16xi32, #tpu.memory_space<vmem>>) target_semaphore(%run_scoped3A : memref<!tpu.dma_semaphore, #tpu.memory_space<semaphore_mem>>)
      %dma_wait3A_52 = arith.constant 0 : i32
      %dma_wait3A_53 = tpu.memref_slice %arg5[%add3A, %dma_wait3A_52] : memref<32x16xi32, #tpu.memory_space<hbm>> -> memref<1x16xi32, #tpu.memory_space<hbm>>
      %dma_wait3A_54 = tpu.memref_squeeze %dma_wait3A_53 : memref<1x16xi32, #tpu.memory_space<hbm>> -> memref<16xi32, #tpu.memory_space<hbm>>
      %dma_wait3A_55 = arith.constant 0 : i32
      %dma_wait3A_56 = tpu.memref_slice %arg5[%add3A, %dma_wait3A_55] : memref<32x16xi32, #tpu.memory_space<hbm>> -> memref<1x16xi32, #tpu.memory_space<hbm>>
      %dma_wait3A_57 = tpu.memref_squeeze %dma_wait3A_56 : memref<1x16xi32, #tpu.memory_space<hbm>> -> memref<16xi32, #tpu.memory_space<hbm>>
      tpu.wait_dma2 semaphore(%run_scoped3A : memref<!tpu.dma_semaphore, #tpu.memory_space<semaphore_mem>>) src(%dma_wait3A_57 : memref<16xi32, #tpu.memory_space<hbm>>) dst(%arg14 : memref<16xi32, #tpu.memory_space<vmem>>)
      tpu.yield
    }) : () -> ()
    "tpu.region"() ({
      %run_scoped3A = tpu.sem_alloc : memref<!tpu.dma_semaphore, #tpu.memory_space<semaphore_mem>>
      %dma_start3A_46 = arith.constant 0 : i32
      %dma_start3A_47 = tpu.memref_slice %arg6[%add3A, %dma_start3A_46] : memref<32x16xi32, #tpu.memory_space<hbm>> -> memref<1x16xi32, #tpu.memory_space<hbm>>
      %dma_start3A_48 = tpu.memref_squeeze %dma_start3A_47 : memref<1x16xi32, #tpu.memory_space<hbm>> -> memref<16xi32, #tpu.memory_space<hbm>>
      %dma_start3A_49 = arith.constant 0 : i32
      %dma_start3A_50 = tpu.memref_slice %arg6[%add3A, %dma_start3A_49] : memref<32x16xi32, #tpu.memory_space<hbm>> -> memref<1x16xi32, #tpu.memory_space<hbm>>
      %dma_start3A_51 = tpu.memref_squeeze %dma_start3A_50 : memref<1x16xi32, #tpu.memory_space<hbm>> -> memref<16xi32, #tpu.memory_space<hbm>>
      tpu.enqueue_dma source(%dma_start3A_51 : memref<16xi32, #tpu.memory_space<hbm>>) target(%arg15 : memref<16xi32, #tpu.memory_space<vmem>>) target_semaphore(%run_scoped3A : memref<!tpu.dma_semaphore, #tpu.memory_space<semaphore_mem>>)
      %dma_wait3A_52 = arith.constant 0 : i32
      %dma_wait3A_53 = tpu.memref_slice %arg6[%add3A, %dma_wait3A_52] : memref<32x16xi32, #tpu.memory_space<hbm>> -> memref<1x16xi32, #tpu.memory_space<hbm>>
      %dma_wait3A_54 = tpu.memref_squeeze %dma_wait3A_53 : memref<1x16xi32, #tpu.memory_space<hbm>> -> memref<16xi32, #tpu.memory_space<hbm>>
      %dma_wait3A_55 = arith.constant 0 : i32
      %dma_wait3A_56 = tpu.memref_slice %arg6[%add3A, %dma_wait3A_55] : memref<32x16xi32, #tpu.memory_space<hbm>> -> memref<1x16xi32, #tpu.memory_space<hbm>>
      %dma_wait3A_57 = tpu.memref_squeeze %dma_wait3A_56 : memref<1x16xi32, #tpu.memory_space<hbm>> -> memref<16xi32, #tpu.memory_space<hbm>>
      tpu.wait_dma2 semaphore(%run_scoped3A : memref<!tpu.dma_semaphore, #tpu.memory_space<semaphore_mem>>) src(%dma_wait3A_57 : memref<16xi32, #tpu.memory_space<hbm>>) dst(%arg15 : memref<16xi32, #tpu.memory_space<vmem>>)
      tpu.yield
    }) : () -> ()
    %dma_start3A = arith.constant 0 : i32
    %dma_start3A_10 = arith.constant 0 : i32
    %dma_start3A_11 = tpu.memref_slice %arg2[%dma_start3A, %dma_start3A_10] : memref<10000x128xf32, #tpu.memory_space<hbm>> -> memref<10000x128xf32, #tpu.memory_space<hbm>>
    tpu.enqueue_indirect_dma source(%dma_start3A_11 : memref<10000x128xf32, #tpu.memory_space<hbm>>) target(%arg16 : memref<16x128xf32, #tpu.memory_space<vmem>>) offsets(%arg14 : memref<16xi32, #tpu.memory_space<vmem>>) semaphore(%arg18 : memref<!tpu.dma_semaphore, #tpu.memory_space<semaphore_mem>>)
    %dma_wait3A = arith.constant 0 : i32
    %dma_wait3A_12 = arith.constant 0 : i32
    %dma_wait3A_13 = tpu.memref_slice %arg2[%dma_wait3A, %dma_wait3A_12] : memref<10000x128xf32, #tpu.memory_space<hbm>> -> memref<10000x128xf32, #tpu.memory_space<hbm>>
    tpu.wait_indirect_dma semaphore(%arg18 : memref<!tpu.dma_semaphore, #tpu.memory_space<semaphore_mem>>) src(%dma_wait3A_13 : memref<10000x128xf32, #tpu.memory_space<hbm>>) dst(%arg16 : memref<16x128xf32, #tpu.memory_space<vmem>>)
    "tpu.region"() ({
      %run_scoped3A = tpu.sem_alloc : memref<!tpu.dma_semaphore, #tpu.memory_space<semaphore_mem>>
      %dma_start3A_46 = arith.constant 0 : i32
      %dma_start3A_47 = arith.constant 0 : i32
      %dma_start3A_48 = tpu.memref_slice %arg17[%dma_start3A_46, %dma_start3A_47] : memref<10000x128xf32, #tpu.memory_space<vmem_shared>> -> memref<10000x128xf32, #tpu.memory_space<vmem_shared>>
      tpu.enqueue_indirect_dma source(%arg16 : memref<16x128xf32, #tpu.memory_space<vmem>>) target(%dma_start3A_48 : memref<10000x128xf32, #tpu.memory_space<vmem_shared>>) offsets(%arg15 : memref<16xi32, #tpu.memory_space<vmem>>) semaphore(%run_scoped3A : memref<!tpu.dma_semaphore, #tpu.memory_space<semaphore_mem>>) {add = true}
      %dma_wait3A_49 = arith.constant 0 : i32
      %dma_wait3A_50 = arith.constant 0 : i32
      %dma_wait3A_51 = tpu.memref_slice %arg17[%dma_wait3A_49, %dma_wait3A_50] : memref<10000x128xf32, #tpu.memory_space<vmem_shared>> -> memref<10000x128xf32, #tpu.memory_space<vmem_shared>>
      tpu.wait_indirect_dma semaphore(%run_scoped3A : memref<!tpu.dma_semaphore, #tpu.memory_space<semaphore_mem>>) src(%arg16 : memref<16x128xf32, #tpu.memory_space<vmem>>) dst(%dma_wait3A_51 : memref<10000x128xf32, #tpu.memory_space<vmem_shared>>)
      tpu.yield
    }) : () -> ()
    "tpu.region"() ({
      %run_scoped3A = tpu.sem_alloc : memref<!tpu.dma_semaphore, #tpu.memory_space<semaphore_mem>>
      %dma_start3A_46 = arith.constant 0 : i32
      %dma_start3A_47 = arith.constant 0 : i32
      %dma_start3A_48 = tpu.memref_slice %arg3[%add3A, %dma_start3A_46, %dma_start3A_47] : memref<32x78x128xi32, #tpu.memory_space<hbm>> -> memref<1x78x128xi32, #tpu.memory_space<hbm>>
      %dma_start3A_49 = tpu.memref_squeeze %dma_start3A_48 : memref<1x78x128xi32, #tpu.memory_space<hbm>> -> memref<78x128xi32, #tpu.memory_space<hbm>>
      %dma_start3A_50 = arith.constant 0 : i32
      %dma_start3A_51 = arith.constant 0 : i32
      %dma_start3A_52 = tpu.memref_slice %arg3[%add3A, %dma_start3A_50, %dma_start3A_51] : memref<32x78x128xi32, #tpu.memory_space<hbm>> -> memref<1x78x128xi32, #tpu.memory_space<hbm>>
      %dma_start3A_53 = tpu.memref_squeeze %dma_start3A_52 : memref<1x78x128xi32, #tpu.memory_space<hbm>> -> memref<78x128xi32, #tpu.memory_space<hbm>>
      tpu.enqueue_dma source(%dma_start3A_53 : memref<78x128xi32, #tpu.memory_space<hbm>>) target(%arg9 : memref<78x128xi32, #tpu.memory_space<vmem>>) target_semaphore(%run_scoped3A : memref<!tpu.dma_semaphore, #tpu.memory_space<semaphore_mem>>)
      %dma_wait3A_54 = arith.constant 0 : i32
      %dma_wait3A_55 = arith.constant 0 : i32
      %dma_wait3A_56 = tpu.memref_slice %arg3[%add3A, %dma_wait3A_54, %dma_wait3A_55] : memref<32x78x128xi32, #tpu.memory_space<hbm>> -> memref<1x78x128xi32, #tpu.memory_space<hbm>>
      %dma_wait3A_57 = tpu.memref_squeeze %dma_wait3A_56 : memref<1x78x128xi32, #tpu.memory_space<hbm>> -> memref<78x128xi32, #tpu.memory_space<hbm>>
      %dma_wait3A_58 = arith.constant 0 : i32
      %dma_wait3A_59 = arith.constant 0 : i32
      %dma_wait3A_60 = tpu.memref_slice %arg3[%add3A, %dma_wait3A_58, %dma_wait3A_59] : memref<32x78x128xi32, #tpu.memory_space<hbm>> -> memref<1x78x128xi32, #tpu.memory_space<hbm>>
      %dma_wait3A_61 = tpu.memref_squeeze %dma_wait3A_60 : memref<1x78x128xi32, #tpu.memory_space<hbm>> -> memref<78x128xi32, #tpu.memory_space<hbm>>
      tpu.wait_dma2 semaphore(%run_scoped3A : memref<!tpu.dma_semaphore, #tpu.memory_space<semaphore_mem>>) src(%dma_wait3A_61 : memref<78x128xi32, #tpu.memory_space<hbm>>) dst(%arg9 : memref<78x128xi32, #tpu.memory_space<vmem>>)
      tpu.yield
    }) : () -> ()
    %dma_start3A_14 = arith.constant 0 : i32
    %dma_start3A_15 = arith.constant 0 : i32
    %dma_start3A_16 = tpu.memref_slice %arg4[%add3A, %dma_start3A_14, %dma_start3A_15] : memref<32x78x128xi32, #tpu.memory_space<hbm>> -> memref<1x78x128xi32, #tpu.memory_space<hbm>>
    %dma_start3A_17 = tpu.memref_squeeze %dma_start3A_16 : memref<1x78x128xi32, #tpu.memory_space<hbm>> -> memref<78x128xi32, #tpu.memory_space<hbm>>
    %dma_start3A_18 = arith.constant 0 : i32
    %dma_start3A_19 = arith.constant 0 : i32
    %dma_start3A_20 = tpu.memref_slice %dma_start3A_17[%dma_start3A_18, %dma_start3A_19] : memref<78x128xi32, #tpu.memory_space<hbm>> -> memref<1x128xi32, #tpu.memory_space<hbm>>
    %dma_start3A_21 = arith.constant 0 : i32
    %dma_start3A_22 = arith.constant 0 : i32
    %dma_start3A_23 = tpu.memref_slice %arg4[%add3A, %dma_start3A_21, %dma_start3A_22] : memref<32x78x128xi32, #tpu.memory_space<hbm>> -> memref<1x78x128xi32, #tpu.memory_space<hbm>>
    %dma_start3A_24 = tpu.memref_squeeze %dma_start3A_23 : memref<1x78x128xi32, #tpu.memory_space<hbm>> -> memref<78x128xi32, #tpu.memory_space<hbm>>
    %dma_start3A_25 = arith.constant 0 : i32
    %dma_start3A_26 = arith.constant 0 : i32
    %dma_start3A_27 = tpu.memref_slice %dma_start3A_24[%dma_start3A_25, %dma_start3A_26] : memref<78x128xi32, #tpu.memory_space<hbm>> -> memref<1x128xi32, #tpu.memory_space<hbm>>
    tpu.enqueue_dma source(%dma_start3A_27 : memref<1x128xi32, #tpu.memory_space<hbm>>) target(%arg10 : memref<1x128xi32, #tpu.memory_space<vmem>>) target_semaphore(%arg20 : memref<!tpu.dma_semaphore, #tpu.memory_space<semaphore_mem>>)
    %dma_start3A_28 = arith.constant 0 : i32
    %dma_start3A_29 = arith.constant 0 : i32
    %dma_start3A_30 = tpu.memref_slice %arg9[%dma_start3A_28, %dma_start3A_29] : memref<78x128xi32, #tpu.memory_space<vmem>> -> memref<1x128xi32, #tpu.memory_space<vmem>>
    %dma_start3A_31 = tpu.memref_squeeze %dma_start3A_30 : memref<1x128xi32, #tpu.memory_space<vmem>> -> memref<128xi32, #tpu.memory_space<vmem>>
    %dma_start3A_32 = arith.constant 0 : i32
    %dma_start3A_33 = arith.constant 0 : i32
    %dma_start3A_34 = tpu.memref_slice %arg2[%dma_start3A_32, %dma_start3A_33] : memref<10000x128xf32, #tpu.memory_space<hbm>> -> memref<10000x128xf32, #tpu.memory_space<hbm>>
    tpu.enqueue_indirect_dma source(%dma_start3A_34 : memref<10000x128xf32, #tpu.memory_space<hbm>>) target(%arg12 : memref<128x128xf32, #tpu.memory_space<vmem>>) offsets(%dma_start3A_31 : memref<128xi32, #tpu.memory_space<vmem>>) semaphore(%arg18 : memref<!tpu.dma_semaphore, #tpu.memory_space<semaphore_mem>>)
    %scan3A = arith.constant 0 : i32
    %scan3A_35 = arith.constant 0 : i32
    %scan3A_36 = arith.constant 78 : i32
    %scan3A_37 = arith.addi %scan3A_35, %scan3A_36 : i32
    %scan3A_38 = arith.constant 1 : i32
    scf.for %scan3A_46 = %scan3A_35 to %scan3A_37 step %scan3A_38  : i32 {
      %jit3A = arith.constant 2 : i32
      %eq3A_47 = arith.constant 0 : i32
      %eq3A_48 = arith.cmpi eq, %jit3A, %eq3A_47 : i32
      %jit3A_49 = arith.constant 1 : i32
      %select_n3A = arith.select %eq3A_48, %jit3A_49, %jit3A : i32
      %rem3A = arith.remsi %scan3A_46, %select_n3A : i32
      %ne3A = arith.constant 0 : i32
      %ne3A_50 = arith.cmpi ne, %rem3A, %ne3A : i32
      %lt3A = arith.constant 0 : i32
      %lt3A_51 = arith.cmpi slt, %rem3A, %lt3A : i32
      %lt3A_52 = arith.constant 0 : i32
      %lt3A_53 = arith.cmpi slt, %select_n3A, %lt3A_52 : i32
      %ne3A_54 = arith.xori %lt3A_51, %lt3A_53 : i1
      %and3A = arith.andi %ne3A_54, %ne3A_50 : i1
      %add3A_55 = arith.addi %rem3A, %select_n3A : i32
      %select_n3A_56 = arith.select %and3A, %add3A_55, %rem3A : i32
      %eq3A_57 = arith.constant 0 : i32
      %eq3A_58 = arith.cmpi eq, %select_n3A_56, %eq3A_57 : i32
      %convert_element_type3A_59 = arith.extui %eq3A_58 : i1 to i32
      %cond3A_60 = arith.constant 0 : i32
      %cond3A_61 = arith.cmpi ne, %convert_element_type3A_59, %cond3A_60 : i32
      scf.if %cond3A_61 {
        %dma_wait3A_83 = arith.constant 0 : i32
        %dma_wait3A_84 = tpu.memref_slice %arg9[%scan3A_46, %dma_wait3A_83] : memref<78x128xi32, #tpu.memory_space<vmem>> -> memref<1x128xi32, #tpu.memory_space<vmem>>
        %dma_wait3A_85 = tpu.memref_squeeze %dma_wait3A_84 : memref<1x128xi32, #tpu.memory_space<vmem>> -> memref<128xi32, #tpu.memory_space<vmem>>
        %dma_wait3A_86 = arith.constant 0 : i32
        %dma_wait3A_87 = arith.constant 0 : i32
        %dma_wait3A_88 = tpu.memref_slice %arg2[%dma_wait3A_86, %dma_wait3A_87] : memref<10000x128xf32, #tpu.memory_space<hbm>> -> memref<10000x128xf32, #tpu.memory_space<hbm>>
        tpu.wait_indirect_dma semaphore(%arg18 : memref<!tpu.dma_semaphore, #tpu.memory_space<semaphore_mem>>) src(%dma_wait3A_88 : memref<10000x128xf32, #tpu.memory_space<hbm>>) dst(%arg12 : memref<128x128xf32, #tpu.memory_space<vmem>>)
        %add3A_89 = arith.constant 1 : i32
        %add3A_90 = arith.addi %scan3A_46, %add3A_89 : i32
        %lt3A_91 = arith.constant 78 : i32
        %lt3A_92 = arith.cmpi slt, %add3A_90, %lt3A_91 : i32
        %convert_element_type3A_93 = arith.extui %lt3A_92 : i1 to i32
        %cond3A_94 = arith.constant 0 : i32
        %cond3A_95 = arith.cmpi ne, %convert_element_type3A_93, %cond3A_94 : i32
        scf.if %cond3A_95 {
          %add3A_108 = arith.constant 1 : i32
          %add3A_109 = arith.addi %scan3A_46, %add3A_108 : i32
          %dma_start3A_110 = arith.constant 0 : i32
          %dma_start3A_111 = arith.constant 0 : i32
          %dma_start3A_112 = tpu.memref_slice %arg4[%add3A, %dma_start3A_110, %dma_start3A_111] : memref<32x78x128xi32, #tpu.memory_space<hbm>> -> memref<1x78x128xi32, #tpu.memory_space<hbm>>
          %dma_start3A_113 = tpu.memref_squeeze %dma_start3A_112 : memref<1x78x128xi32, #tpu.memory_space<hbm>> -> memref<78x128xi32, #tpu.memory_space<hbm>>
          %dma_start3A_114 = arith.constant 0 : i32
          %dma_start3A_115 = tpu.memref_slice %dma_start3A_113[%add3A_109, %dma_start3A_114] : memref<78x128xi32, #tpu.memory_space<hbm>> -> memref<1x128xi32, #tpu.memory_space<hbm>>
          %dma_start3A_116 = arith.constant 0 : i32
          %dma_start3A_117 = arith.constant 0 : i32
          %dma_start3A_118 = tpu.memref_slice %arg4[%add3A, %dma_start3A_116, %dma_start3A_117] : memref<32x78x128xi32, #tpu.memory_space<hbm>> -> memref<1x78x128xi32, #tpu.memory_space<hbm>>
          %dma_start3A_119 = tpu.memref_squeeze %dma_start3A_118 : memref<1x78x128xi32, #tpu.memory_space<hbm>> -> memref<78x128xi32, #tpu.memory_space<hbm>>
          %dma_start3A_120 = arith.constant 0 : i32
          %dma_start3A_121 = tpu.memref_slice %dma_start3A_119[%add3A_109, %dma_start3A_120] : memref<78x128xi32, #tpu.memory_space<hbm>> -> memref<1x128xi32, #tpu.memory_space<hbm>>
          tpu.enqueue_dma source(%dma_start3A_121 : memref<1x128xi32, #tpu.memory_space<hbm>>) target(%arg11 : memref<1x128xi32, #tpu.memory_space<vmem>>) target_semaphore(%arg21 : memref<!tpu.dma_semaphore, #tpu.memory_space<semaphore_mem>>)
          %add3A_122 = arith.constant 1 : i32
          %add3A_123 = arith.addi %scan3A_46, %add3A_122 : i32
          %dma_start3A_124 = arith.constant 0 : i32
          %dma_start3A_125 = tpu.memref_slice %arg9[%add3A_123, %dma_start3A_124] : memref<78x128xi32, #tpu.memory_space<vmem>> -> memref<1x128xi32, #tpu.memory_space<vmem>>
          %dma_start3A_126 = tpu.memref_squeeze %dma_start3A_125 : memref<1x128xi32, #tpu.memory_space<vmem>> -> memref<128xi32, #tpu.memory_space<vmem>>
          %dma_start3A_127 = arith.constant 0 : i32
          %dma_start3A_128 = arith.constant 0 : i32
          %dma_start3A_129 = tpu.memref_slice %arg2[%dma_start3A_127, %dma_start3A_128] : memref<10000x128xf32, #tpu.memory_space<hbm>> -> memref<10000x128xf32, #tpu.memory_space<hbm>>
          tpu.enqueue_indirect_dma source(%dma_start3A_129 : memref<10000x128xf32, #tpu.memory_space<hbm>>) target(%arg13 : memref<128x128xf32, #tpu.memory_space<vmem>>) offsets(%dma_start3A_126 : memref<128xi32, #tpu.memory_space<vmem>>) semaphore(%arg19 : memref<!tpu.dma_semaphore, #tpu.memory_space<semaphore_mem>>)
        } else {
        }
        %dma_wait3A_96 = arith.constant 0 : i32
        %dma_wait3A_97 = arith.constant 0 : i32
        %dma_wait3A_98 = tpu.memref_slice %arg4[%add3A, %dma_wait3A_96, %dma_wait3A_97] : memref<32x78x128xi32, #tpu.memory_space<hbm>> -> memref<1x78x128xi32, #tpu.memory_space<hbm>>
        %dma_wait3A_99 = tpu.memref_squeeze %dma_wait3A_98 : memref<1x78x128xi32, #tpu.memory_space<hbm>> -> memref<78x128xi32, #tpu.memory_space<hbm>>
        %dma_wait3A_100 = arith.constant 0 : i32
        %dma_wait3A_101 = tpu.memref_slice %dma_wait3A_99[%scan3A_46, %dma_wait3A_100] : memref<78x128xi32, #tpu.memory_space<hbm>> -> memref<1x128xi32, #tpu.memory_space<hbm>>
        %dma_wait3A_102 = arith.constant 0 : i32
        %dma_wait3A_103 = arith.constant 0 : i32
        %dma_wait3A_104 = tpu.memref_slice %arg4[%add3A, %dma_wait3A_102, %dma_wait3A_103] : memref<32x78x128xi32, #tpu.memory_space<hbm>> -> memref<1x78x128xi32, #tpu.memory_space<hbm>>
        %dma_wait3A_105 = tpu.memref_squeeze %dma_wait3A_104 : memref<1x78x128xi32, #tpu.memory_space<hbm>> -> memref<78x128xi32, #tpu.memory_space<hbm>>
        %dma_wait3A_106 = arith.constant 0 : i32
        %dma_wait3A_107 = tpu.memref_slice %dma_wait3A_105[%scan3A_46, %dma_wait3A_106] : memref<78x128xi32, #tpu.memory_space<hbm>> -> memref<1x128xi32, #tpu.memory_space<hbm>>
        tpu.wait_dma2 semaphore(%arg20 : memref<!tpu.dma_semaphore, #tpu.memory_space<semaphore_mem>>) src(%dma_wait3A_107 : memref<1x128xi32, #tpu.memory_space<hbm>>) dst(%arg10 : memref<1x128xi32, #tpu.memory_space<vmem>>)
        %run_scoped3A = arith.constant 0 : i32
        "tpu.region"() ({
          %run_scoped3A_108 = tpu.sem_alloc : memref<!tpu.dma_semaphore, #tpu.memory_space<semaphore_mem>>
          %dma_start3A_109 = arith.constant 0 : i32
          %dma_start3A_110 = tpu.memref_slice %arg10[%run_scoped3A, %dma_start3A_109] : memref<1x128xi32, #tpu.memory_space<vmem>> -> memref<1x128xi32, #tpu.memory_space<vmem>>
          %dma_start3A_111 = tpu.memref_squeeze %dma_start3A_110 : memref<1x128xi32, #tpu.memory_space<vmem>> -> memref<128xi32, #tpu.memory_space<vmem>>
          %dma_start3A_112 = arith.constant 0 : i32
          %dma_start3A_113 = arith.constant 0 : i32
          %dma_start3A_114 = tpu.memref_slice %arg17[%dma_start3A_112, %dma_start3A_113] : memref<10000x128xf32, #tpu.memory_space<vmem_shared>> -> memref<10000x128xf32, #tpu.memory_space<vmem_shared>>
          tpu.enqueue_indirect_dma source(%arg12 : memref<128x128xf32, #tpu.memory_space<vmem>>) target(%dma_start3A_114 : memref<10000x128xf32, #tpu.memory_space<vmem_shared>>) offsets(%dma_start3A_111 : memref<128xi32, #tpu.memory_space<vmem>>) semaphore(%run_scoped3A_108 : memref<!tpu.dma_semaphore, #tpu.memory_space<semaphore_mem>>) {add = true}
          %dma_wait3A_115 = arith.constant 0 : i32
          %dma_wait3A_116 = tpu.memref_slice %arg10[%run_scoped3A, %dma_wait3A_115] : memref<1x128xi32, #tpu.memory_space<vmem>> -> memref<1x128xi32, #tpu.memory_space<vmem>>
          %dma_wait3A_117 = tpu.memref_squeeze %dma_wait3A_116 : memref<1x128xi32, #tpu.memory_space<vmem>> -> memref<128xi32, #tpu.memory_space<vmem>>
          %dma_wait3A_118 = arith.constant 0 : i32
          %dma_wait3A_119 = arith.constant 0 : i32
          %dma_wait3A_120 = tpu.memref_slice %arg17[%dma_wait3A_118, %dma_wait3A_119] : memref<10000x128xf32, #tpu.memory_space<vmem_shared>> -> memref<10000x128xf32, #tpu.memory_space<vmem_shared>>
          tpu.wait_indirect_dma semaphore(%run_scoped3A_108 : memref<!tpu.dma_semaphore, #tpu.memory_space<semaphore_mem>>) src(%arg12 : memref<128x128xf32, #tpu.memory_space<vmem>>) dst(%dma_wait3A_120 : memref<10000x128xf32, #tpu.memory_space<vmem_shared>>)
          tpu.yield
        }) : () -> ()
      } else {
      }
      %jit3A_62 = arith.constant 2 : i32
      %eq3A_63 = arith.constant 0 : i32
      %eq3A_64 = arith.cmpi eq, %jit3A_62, %eq3A_63 : i32
      %jit3A_65 = arith.constant 1 : i32
      %select_n3A_66 = arith.select %eq3A_64, %jit3A_65, %jit3A_62 : i32
      %rem3A_67 = arith.remsi %scan3A_46, %select_n3A_66 : i32
      %ne3A_68 = arith.constant 0 : i32
      %ne3A_69 = arith.cmpi ne, %rem3A_67, %ne3A_68 : i32
      %lt3A_70 = arith.constant 0 : i32
      %lt3A_71 = arith.cmpi slt, %rem3A_67, %lt3A_70 : i32
      %lt3A_72 = arith.constant 0 : i32
      %lt3A_73 = arith.cmpi slt, %select_n3A_66, %lt3A_72 : i32
      %ne3A_74 = arith.xori %lt3A_71, %lt3A_73 : i1
      %and3A_75 = arith.andi %ne3A_74, %ne3A_69 : i1
      %add3A_76 = arith.addi %rem3A_67, %select_n3A_66 : i32
      %select_n3A_77 = arith.select %and3A_75, %add3A_76, %rem3A_67 : i32
      %eq3A_78 = arith.constant 1 : i32
      %eq3A_79 = arith.cmpi eq, %select_n3A_77, %eq3A_78 : i32
      %convert_element_type3A_80 = arith.extui %eq3A_79 : i1 to i32
      %cond3A_81 = arith.constant 0 : i32
      %cond3A_82 = arith.cmpi ne, %convert_element_type3A_80, %cond3A_81 : i32
      scf.if %cond3A_82 {
        %dma_wait3A_83 = arith.constant 0 : i32
        %dma_wait3A_84 = tpu.memref_slice %arg9[%scan3A_46, %dma_wait3A_83] : memref<78x128xi32, #tpu.memory_space<vmem>> -> memref<1x128xi32, #tpu.memory_space<vmem>>
        %dma_wait3A_85 = tpu.memref_squeeze %dma_wait3A_84 : memref<1x128xi32, #tpu.memory_space<vmem>> -> memref<128xi32, #tpu.memory_space<vmem>>
        %dma_wait3A_86 = arith.constant 0 : i32
        %dma_wait3A_87 = arith.constant 0 : i32
        %dma_wait3A_88 = tpu.memref_slice %arg2[%dma_wait3A_86, %dma_wait3A_87] : memref<10000x128xf32, #tpu.memory_space<hbm>> -> memref<10000x128xf32, #tpu.memory_space<hbm>>
        tpu.wait_indirect_dma semaphore(%arg19 : memref<!tpu.dma_semaphore, #tpu.memory_space<semaphore_mem>>) src(%dma_wait3A_88 : memref<10000x128xf32, #tpu.memory_space<hbm>>) dst(%arg13 : memref<128x128xf32, #tpu.memory_space<vmem>>)
        %add3A_89 = arith.constant 1 : i32
        %add3A_90 = arith.addi %scan3A_46, %add3A_89 : i32
        %lt3A_91 = arith.constant 78 : i32
        %lt3A_92 = arith.cmpi slt, %add3A_90, %lt3A_91 : i32
        %convert_element_type3A_93 = arith.extui %lt3A_92 : i1 to i32
        %cond3A_94 = arith.constant 0 : i32
        %cond3A_95 = arith.cmpi ne, %convert_element_type3A_93, %cond3A_94 : i32
        scf.if %cond3A_95 {
          %add3A_108 = arith.constant 1 : i32
          %add3A_109 = arith.addi %scan3A_46, %add3A_108 : i32
          %dma_start3A_110 = arith.constant 0 : i32
          %dma_start3A_111 = arith.constant 0 : i32
          %dma_start3A_112 = tpu.memref_slice %arg4[%add3A, %dma_start3A_110, %dma_start3A_111] : memref<32x78x128xi32, #tpu.memory_space<hbm>> -> memref<1x78x128xi32, #tpu.memory_space<hbm>>
          %dma_start3A_113 = tpu.memref_squeeze %dma_start3A_112 : memref<1x78x128xi32, #tpu.memory_space<hbm>> -> memref<78x128xi32, #tpu.memory_space<hbm>>
          %dma_start3A_114 = arith.constant 0 : i32
          %dma_start3A_115 = tpu.memref_slice %dma_start3A_113[%add3A_109, %dma_start3A_114] : memref<78x128xi32, #tpu.memory_space<hbm>> -> memref<1x128xi32, #tpu.memory_space<hbm>>
          %dma_start3A_116 = arith.constant 0 : i32
          %dma_start3A_117 = arith.constant 0 : i32
          %dma_start3A_118 = tpu.memref_slice %arg4[%add3A, %dma_start3A_116, %dma_start3A_117] : memref<32x78x128xi32, #tpu.memory_space<hbm>> -> memref<1x78x128xi32, #tpu.memory_space<hbm>>
          %dma_start3A_119 = tpu.memref_squeeze %dma_start3A_118 : memref<1x78x128xi32, #tpu.memory_space<hbm>> -> memref<78x128xi32, #tpu.memory_space<hbm>>
          %dma_start3A_120 = arith.constant 0 : i32
          %dma_start3A_121 = tpu.memref_slice %dma_start3A_119[%add3A_109, %dma_start3A_120] : memref<78x128xi32, #tpu.memory_space<hbm>> -> memref<1x128xi32, #tpu.memory_space<hbm>>
          tpu.enqueue_dma source(%dma_start3A_121 : memref<1x128xi32, #tpu.memory_space<hbm>>) target(%arg10 : memref<1x128xi32, #tpu.memory_space<vmem>>) target_semaphore(%arg20 : memref<!tpu.dma_semaphore, #tpu.memory_space<semaphore_mem>>)
          %add3A_122 = arith.constant 1 : i32
          %add3A_123 = arith.addi %scan3A_46, %add3A_122 : i32
          %dma_start3A_124 = arith.constant 0 : i32
          %dma_start3A_125 = tpu.memref_slice %arg9[%add3A_123, %dma_start3A_124] : memref<78x128xi32, #tpu.memory_space<vmem>> -> memref<1x128xi32, #tpu.memory_space<vmem>>
          %dma_start3A_126 = tpu.memref_squeeze %dma_start3A_125 : memref<1x128xi32, #tpu.memory_space<vmem>> -> memref<128xi32, #tpu.memory_space<vmem>>
          %dma_start3A_127 = arith.constant 0 : i32
          %dma_start3A_128 = arith.constant 0 : i32
          %dma_start3A_129 = tpu.memref_slice %arg2[%dma_start3A_127, %dma_start3A_128] : memref<10000x128xf32, #tpu.memory_space<hbm>> -> memref<10000x128xf32, #tpu.memory_space<hbm>>
          tpu.enqueue_indirect_dma source(%dma_start3A_129 : memref<10000x128xf32, #tpu.memory_space<hbm>>) target(%arg12 : memref<128x128xf32, #tpu.memory_space<vmem>>) offsets(%dma_start3A_126 : memref<128xi32, #tpu.memory_space<vmem>>) semaphore(%arg18 : memref<!tpu.dma_semaphore, #tpu.memory_space<semaphore_mem>>)
        } else {
        }
        %dma_wait3A_96 = arith.constant 0 : i32
        %dma_wait3A_97 = arith.constant 0 : i32
        %dma_wait3A_98 = tpu.memref_slice %arg4[%add3A, %dma_wait3A_96, %dma_wait3A_97] : memref<32x78x128xi32, #tpu.memory_space<hbm>> -> memref<1x78x128xi32, #tpu.memory_space<hbm>>
        %dma_wait3A_99 = tpu.memref_squeeze %dma_wait3A_98 : memref<1x78x128xi32, #tpu.memory_space<hbm>> -> memref<78x128xi32, #tpu.memory_space<hbm>>
        %dma_wait3A_100 = arith.constant 0 : i32
        %dma_wait3A_101 = tpu.memref_slice %dma_wait3A_99[%scan3A_46, %dma_wait3A_100] : memref<78x128xi32, #tpu.memory_space<hbm>> -> memref<1x128xi32, #tpu.memory_space<hbm>>
        %dma_wait3A_102 = arith.constant 0 : i32
        %dma_wait3A_103 = arith.constant 0 : i32
        %dma_wait3A_104 = tpu.memref_slice %arg4[%add3A, %dma_wait3A_102, %dma_wait3A_103] : memref<32x78x128xi32, #tpu.memory_space<hbm>> -> memref<1x78x128xi32, #tpu.memory_space<hbm>>
        %dma_wait3A_105 = tpu.memref_squeeze %dma_wait3A_104 : memref<1x78x128xi32, #tpu.memory_space<hbm>> -> memref<78x128xi32, #tpu.memory_space<hbm>>
        %dma_wait3A_106 = arith.constant 0 : i32
        %dma_wait3A_107 = tpu.memref_slice %dma_wait3A_105[%scan3A_46, %dma_wait3A_106] : memref<78x128xi32, #tpu.memory_space<hbm>> -> memref<1x128xi32, #tpu.memory_space<hbm>>
        tpu.wait_dma2 semaphore(%arg21 : memref<!tpu.dma_semaphore, #tpu.memory_space<semaphore_mem>>) src(%dma_wait3A_107 : memref<1x128xi32, #tpu.memory_space<hbm>>) dst(%arg11 : memref<1x128xi32, #tpu.memory_space<vmem>>)
        %run_scoped3A = arith.constant 0 : i32
        "tpu.region"() ({
          %run_scoped3A_108 = tpu.sem_alloc : memref<!tpu.dma_semaphore, #tpu.memory_space<semaphore_mem>>
          %dma_start3A_109 = arith.constant 0 : i32
          %dma_start3A_110 = tpu.memref_slice %arg11[%run_scoped3A, %dma_start3A_109] : memref<1x128xi32, #tpu.memory_space<vmem>> -> memref<1x128xi32, #tpu.memory_space<vmem>>
          %dma_start3A_111 = tpu.memref_squeeze %dma_start3A_110 : memref<1x128xi32, #tpu.memory_space<vmem>> -> memref<128xi32, #tpu.memory_space<vmem>>
          %dma_start3A_112 = arith.constant 0 : i32
          %dma_start3A_113 = arith.constant 0 : i32
          %dma_start3A_114 = tpu.memref_slice %arg17[%dma_start3A_112, %dma_start3A_113] : memref<10000x128xf32, #tpu.memory_space<vmem_shared>> -> memref<10000x128xf32, #tpu.memory_space<vmem_shared>>
          tpu.enqueue_indirect_dma source(%arg13 : memref<128x128xf32, #tpu.memory_space<vmem>>) target(%dma_start3A_114 : memref<10000x128xf32, #tpu.memory_space<vmem_shared>>) offsets(%dma_start3A_111 : memref<128xi32, #tpu.memory_space<vmem>>) semaphore(%run_scoped3A_108 : memref<!tpu.dma_semaphore, #tpu.memory_space<semaphore_mem>>) {add = true}
          %dma_wait3A_115 = arith.constant 0 : i32
          %dma_wait3A_116 = tpu.memref_slice %arg11[%run_scoped3A, %dma_wait3A_115] : memref<1x128xi32, #tpu.memory_space<vmem>> -> memref<1x128xi32, #tpu.memory_space<vmem>>
          %dma_wait3A_117 = tpu.memref_squeeze %dma_wait3A_116 : memref<1x128xi32, #tpu.memory_space<vmem>> -> memref<128xi32, #tpu.memory_space<vmem>>
          %dma_wait3A_118 = arith.constant 0 : i32
          %dma_wait3A_119 = arith.constant 0 : i32
          %dma_wait3A_120 = tpu.memref_slice %arg17[%dma_wait3A_118, %dma_wait3A_119] : memref<10000x128xf32, #tpu.memory_space<vmem_shared>> -> memref<10000x128xf32, #tpu.memory_space<vmem_shared>>
          tpu.wait_indirect_dma semaphore(%run_scoped3A_108 : memref<!tpu.dma_semaphore, #tpu.memory_space<semaphore_mem>>) src(%arg13 : memref<128x128xf32, #tpu.memory_space<vmem>>) dst(%dma_wait3A_120 : memref<10000x128xf32, #tpu.memory_space<vmem_shared>>)
          tpu.yield
        }) : () -> ()
      } else {
      }
    }
    %scan3A_39 = arith.constant 78 : i32
    %barrier3A_40 = arith.constant 0 : index
    tpu.barrier barrier_id(%barrier3A_40)
    "tpu.region"() ({
      %run_scoped3A = tpu.sem_alloc : memref<!tpu.dma_semaphore, #tpu.memory_space<semaphore_mem>>
      %dma_start3A_46 = arith.constant 0 : i32
      %dma_start3A_47 = arith.constant 0 : i32
      %dma_start3A_48 = tpu.memref_slice %arg8[%arg0, %dma_start3A_46, %dma_start3A_47] : memref<2x10000x128xf32, #tpu.memory_space<hbm>> -> memref<1x10000x128xf32, #tpu.memory_space<hbm>>
      %dma_start3A_49 = tpu.memref_squeeze %dma_start3A_48 : memref<1x10000x128xf32, #tpu.memory_space<hbm>> -> memref<10000x128xf32, #tpu.memory_space<hbm>>
      %dma_start3A_50 = arith.constant 0 : i32
      %dma_start3A_51 = tpu.memref_slice %dma_start3A_49[%mul3A_2, %dma_start3A_50] : memref<10000x128xf32, #tpu.memory_space<hbm>> -> memref<624x128xf32, #tpu.memory_space<hbm>>
      %dma_start3A_52 = arith.constant 0 : i32
      %dma_start3A_53 = tpu.memref_slice %arg17[%mul3A_2, %dma_start3A_52] : memref<10000x128xf32, #tpu.memory_space<vmem_shared>> -> memref<624x128xf32, #tpu.memory_space<vmem_shared>>
      tpu.enqueue_dma source(%dma_start3A_53 : memref<624x128xf32, #tpu.memory_space<vmem_shared>>) target(%dma_start3A_51 : memref<624x128xf32, #tpu.memory_space<hbm>>) target_semaphore(%run_scoped3A : memref<!tpu.dma_semaphore, #tpu.memory_space<semaphore_mem>>)
      %dma_wait3A_54 = arith.constant 0 : i32
      %dma_wait3A_55 = arith.constant 0 : i32
      %dma_wait3A_56 = tpu.memref_slice %arg8[%arg0, %dma_wait3A_54, %dma_wait3A_55] : memref<2x10000x128xf32, #tpu.memory_space<hbm>> -> memref<1x10000x128xf32, #tpu.memory_space<hbm>>
      %dma_wait3A_57 = tpu.memref_squeeze %dma_wait3A_56 : memref<1x10000x128xf32, #tpu.memory_space<hbm>> -> memref<10000x128xf32, #tpu.memory_space<hbm>>
      %dma_wait3A_58 = arith.constant 0 : i32
      %dma_wait3A_59 = tpu.memref_slice %dma_wait3A_57[%mul3A_2, %dma_wait3A_58] : memref<10000x128xf32, #tpu.memory_space<hbm>> -> memref<624x128xf32, #tpu.memory_space<hbm>>
      %dma_wait3A_60 = arith.constant 0 : i32
      %dma_wait3A_61 = tpu.memref_slice %arg17[%mul3A_2, %dma_wait3A_60] : memref<10000x128xf32, #tpu.memory_space<vmem_shared>> -> memref<624x128xf32, #tpu.memory_space<vmem_shared>>
      tpu.wait_dma2 semaphore(%run_scoped3A : memref<!tpu.dma_semaphore, #tpu.memory_space<semaphore_mem>>) src(%dma_wait3A_61 : memref<624x128xf32, #tpu.memory_space<vmem_shared>>) dst(%dma_wait3A_59 : memref<624x128xf32, #tpu.memory_space<hbm>>)
      tpu.yield
    }) : () -> ()
    %eq3A_41 = arith.constant 15 : i32
    %eq3A_42 = arith.cmpi eq, %arg1, %eq3A_41 : i32
    %convert_element_type3A_43 = arith.extui %eq3A_42 : i1 to i32
    %cond3A_44 = arith.constant 0 : i32
    %cond3A_45 = arith.cmpi ne, %convert_element_type3A_43, %cond3A_44 : i32
    scf.if %cond3A_45 {
      "tpu.region"() ({
        %run_scoped3A = tpu.sem_alloc : memref<!tpu.dma_semaphore, #tpu.memory_space<semaphore_mem>>
        %dma_start3A_46 = arith.constant 0 : i32
        %dma_start3A_47 = arith.constant 0 : i32
        %dma_start3A_48 = tpu.memref_slice %arg8[%arg0, %dma_start3A_46, %dma_start3A_47] : memref<2x10000x128xf32, #tpu.memory_space<hbm>> -> memref<1x10000x128xf32, #tpu.memory_space<hbm>>
        %dma_start3A_49 = tpu.memref_squeeze %dma_start3A_48 : memref<1x10000x128xf32, #tpu.memory_space<hbm>> -> memref<10000x128xf32, #tpu.memory_space<hbm>>
        %dma_start3A_50 = arith.constant 9984 : i32
        %dma_start3A_51 = arith.constant 0 : i32
        %dma_start3A_52 = tpu.memref_slice %dma_start3A_49[%dma_start3A_50, %dma_start3A_51] : memref<10000x128xf32, #tpu.memory_space<hbm>> -> memref<16x128xf32, #tpu.memory_space<hbm>>
        %dma_start3A_53 = arith.constant 9984 : i32
        %dma_start3A_54 = arith.constant 0 : i32
        %dma_start3A_55 = tpu.memref_slice %arg17[%dma_start3A_53, %dma_start3A_54] : memref<10000x128xf32, #tpu.memory_space<vmem_shared>> -> memref<16x128xf32, #tpu.memory_space<vmem_shared>>
        tpu.enqueue_dma source(%dma_start3A_55 : memref<16x128xf32, #tpu.memory_space<vmem_shared>>) target(%dma_start3A_52 : memref<16x128xf32, #tpu.memory_space<hbm>>) target_semaphore(%run_scoped3A : memref<!tpu.dma_semaphore, #tpu.memory_space<semaphore_mem>>)
        %dma_wait3A_56 = arith.constant 0 : i32
        %dma_wait3A_57 = arith.constant 0 : i32
        %dma_wait3A_58 = tpu.memref_slice %arg8[%arg0, %dma_wait3A_56, %dma_wait3A_57] : memref<2x10000x128xf32, #tpu.memory_space<hbm>> -> memref<1x10000x128xf32, #tpu.memory_space<hbm>>
        %dma_wait3A_59 = tpu.memref_squeeze %dma_wait3A_58 : memref<1x10000x128xf32, #tpu.memory_space<hbm>> -> memref<10000x128xf32, #tpu.memory_space<hbm>>
        %dma_wait3A_60 = arith.constant 9984 : i32
        %dma_wait3A_61 = arith.constant 0 : i32
        %dma_wait3A_62 = tpu.memref_slice %dma_wait3A_59[%dma_wait3A_60, %dma_wait3A_61] : memref<10000x128xf32, #tpu.memory_space<hbm>> -> memref<16x128xf32, #tpu.memory_space<hbm>>
        %dma_wait3A_63 = arith.constant 9984 : i32
        %dma_wait3A_64 = arith.constant 0 : i32
        %dma_wait3A_65 = tpu.memref_slice %arg17[%dma_wait3A_63, %dma_wait3A_64] : memref<10000x128xf32, #tpu.memory_space<vmem_shared>> -> memref<16x128xf32, #tpu.memory_space<vmem_shared>>
        tpu.wait_dma2 semaphore(%run_scoped3A : memref<!tpu.dma_semaphore, #tpu.memory_space<semaphore_mem>>) src(%dma_wait3A_65 : memref<16x128xf32, #tpu.memory_space<vmem_shared>>) dst(%dma_wait3A_62 : memref<16x128xf32, #tpu.memory_space<hbm>>)
        tpu.yield
      }) : () -> ()
    } else {
    }
    return
  }
}

#map = affine_map<(d0, d1) -> (0, 0)>
#map1 = affine_map<(d0, d1) -> (0, 0, 0)>
module attributes {stable_mosaic.version = 14 : i64} {
  func.func @_sc_spmm_body(%arg0: i32, %arg1: i32, %arg2: memref<10000x128xf32, #tpu.memory_space<hbm>>, %arg3: memref<32x78x128xi32, #tpu.memory_space<hbm>>, %arg4: memref<32x78x128xi32, #tpu.memory_space<hbm>>, %arg5: memref<32x16xi32, #tpu.memory_space<hbm>>, %arg6: memref<32x16xi32, #tpu.memory_space<hbm>>, %arg7: memref<624x128xf32, #tpu.memory_space<hbm>>, %arg8: memref<2x10000x128xf32, #tpu.memory_space<hbm>>, %arg9: memref<78x128xi32, #tpu.memory_space<vmem>>, %arg10: memref<1x128xi32, #tpu.memory_space<vmem>>, %arg11: memref<1x128xi32, #tpu.memory_space<vmem>>, %arg12: memref<128x128xf32, #tpu.memory_space<vmem>>, %arg13: memref<128x128xf32, #tpu.memory_space<vmem>>, %arg14: memref<16xi32, #tpu.memory_space<vmem>>, %arg15: memref<16xi32, #tpu.memory_space<vmem>>, %arg16: memref<16x128xf32, #tpu.memory_space<vmem>>, %arg17: memref<10000x128xf32, #tpu.memory_space<vmem_shared>>, %arg18: memref<!tpu.dma_semaphore, #tpu.memory_space<semaphore_mem>>, %arg19: memref<!tpu.dma_semaphore, #tpu.memory_space<semaphore_mem>>, %arg20: memref<!tpu.dma_semaphore, #tpu.memory_space<semaphore_mem>>, %arg21: memref<!tpu.dma_semaphore, #tpu.memory_space<semaphore_mem>>) attributes {dimension_semantics = [#tpu.dimension_semantics<core_parallel>, #tpu.dimension_semantics<subcore_parallel>], iteration_bounds = array<i64: 2, 16>, scalar_prefetch = 0 : i64, scratch_operands = 13 : i64, tpu.core_type = #tpu.core_type<sc_vector_subcore>, window_params = [{transform_indices = #map}, {transform_indices = #map1}, {transform_indices = #map1}, {transform_indices = #map}, {transform_indices = #map}, {transform_indices = #map}, {transform_indices = #map1}]} {
    %mul3A = arith.constant 2 : i32
    %mul3A_0 = arith.muli %arg1, %mul3A : i32
    %add3A = arith.addi %mul3A_0, %arg0 : i32
    %mul3A_1 = arith.constant 624 : i32
    %mul3A_2 = arith.muli %arg1, %mul3A_1 : i32
    %eq3A = arith.constant 0 : i32
    %eq3A_3 = arith.cmpi eq, %arg0, %eq3A : i32
    %convert_element_type3A = arith.extui %eq3A_3 : i1 to i32
    %cond3A = arith.constant 0 : i32
    %cond3A_4 = arith.cmpi ne, %convert_element_type3A, %cond3A : i32
    scf.if %cond3A_4 {
      "tpu.region"() ({
        %run_scoped3A = tpu.sem_alloc : memref<!tpu.dma_semaphore, #tpu.memory_space<semaphore_mem>>
        %dma_start3A_51 = arith.constant 0 : i32
        %dma_start3A_52 = tpu.memref_slice %arg17[%mul3A_2, %dma_start3A_51] : memref<10000x128xf32, #tpu.memory_space<vmem_shared>> -> memref<624x128xf32, #tpu.memory_space<vmem_shared>>
        %dma_start3A_53 = arith.constant 0 : i32
        %dma_start3A_54 = tpu.memref_slice %arg2[%mul3A_2, %dma_start3A_53] : memref<10000x128xf32, #tpu.memory_space<hbm>> -> memref<624x128xf32, #tpu.memory_space<hbm>>
        tpu.enqueue_dma source(%dma_start3A_54 : memref<624x128xf32, #tpu.memory_space<hbm>>) target(%dma_start3A_52 : memref<624x128xf32, #tpu.memory_space<vmem_shared>>) target_semaphore(%run_scoped3A : memref<!tpu.dma_semaphore, #tpu.memory_space<semaphore_mem>>)
        %dma_wait3A_55 = arith.constant 0 : i32
        %dma_wait3A_56 = tpu.memref_slice %arg17[%mul3A_2, %dma_wait3A_55] : memref<10000x128xf32, #tpu.memory_space<vmem_shared>> -> memref<624x128xf32, #tpu.memory_space<vmem_shared>>
        %dma_wait3A_57 = arith.constant 0 : i32
        %dma_wait3A_58 = tpu.memref_slice %arg2[%mul3A_2, %dma_wait3A_57] : memref<10000x128xf32, #tpu.memory_space<hbm>> -> memref<624x128xf32, #tpu.memory_space<hbm>>
        tpu.wait_dma2 semaphore(%run_scoped3A : memref<!tpu.dma_semaphore, #tpu.memory_space<semaphore_mem>>) src(%dma_wait3A_58 : memref<624x128xf32, #tpu.memory_space<hbm>>) dst(%dma_wait3A_56 : memref<624x128xf32, #tpu.memory_space<vmem_shared>>)
        tpu.yield
      }) : () -> ()
      %eq3A_46 = arith.constant 15 : i32
      %eq3A_47 = arith.cmpi eq, %arg1, %eq3A_46 : i32
      %convert_element_type3A_48 = arith.extui %eq3A_47 : i1 to i32
      %cond3A_49 = arith.constant 0 : i32
      %cond3A_50 = arith.cmpi ne, %convert_element_type3A_48, %cond3A_49 : i32
      scf.if %cond3A_50 {
        "tpu.region"() ({
          %run_scoped3A = tpu.sem_alloc : memref<!tpu.dma_semaphore, #tpu.memory_space<semaphore_mem>>
          %dma_start3A_51 = arith.constant 9984 : i32
          %dma_start3A_52 = arith.constant 0 : i32
          %dma_start3A_53 = tpu.memref_slice %arg17[%dma_start3A_51, %dma_start3A_52] : memref<10000x128xf32, #tpu.memory_space<vmem_shared>> -> memref<16x128xf32, #tpu.memory_space<vmem_shared>>
          %dma_start3A_54 = arith.constant 9984 : i32
          %dma_start3A_55 = arith.constant 0 : i32
          %dma_start3A_56 = tpu.memref_slice %arg2[%dma_start3A_54, %dma_start3A_55] : memref<10000x128xf32, #tpu.memory_space<hbm>> -> memref<16x128xf32, #tpu.memory_space<hbm>>
          tpu.enqueue_dma source(%dma_start3A_56 : memref<16x128xf32, #tpu.memory_space<hbm>>) target(%dma_start3A_53 : memref<16x128xf32, #tpu.memory_space<vmem_shared>>) target_semaphore(%run_scoped3A : memref<!tpu.dma_semaphore, #tpu.memory_space<semaphore_mem>>)
          %dma_wait3A_57 = arith.constant 9984 : i32
          %dma_wait3A_58 = arith.constant 0 : i32
          %dma_wait3A_59 = tpu.memref_slice %arg17[%dma_wait3A_57, %dma_wait3A_58] : memref<10000x128xf32, #tpu.memory_space<vmem_shared>> -> memref<16x128xf32, #tpu.memory_space<vmem_shared>>
          %dma_wait3A_60 = arith.constant 9984 : i32
          %dma_wait3A_61 = arith.constant 0 : i32
          %dma_wait3A_62 = tpu.memref_slice %arg2[%dma_wait3A_60, %dma_wait3A_61] : memref<10000x128xf32, #tpu.memory_space<hbm>> -> memref<16x128xf32, #tpu.memory_space<hbm>>
          tpu.wait_dma2 semaphore(%run_scoped3A : memref<!tpu.dma_semaphore, #tpu.memory_space<semaphore_mem>>) src(%dma_wait3A_62 : memref<16x128xf32, #tpu.memory_space<hbm>>) dst(%dma_wait3A_59 : memref<16x128xf32, #tpu.memory_space<vmem_shared>>)
          tpu.yield
        }) : () -> ()
      } else {
      }
    } else {
    }
    %eq3A_5 = arith.constant 1 : i32
    %eq3A_6 = arith.cmpi eq, %arg0, %eq3A_5 : i32
    %convert_element_type3A_7 = arith.extui %eq3A_6 : i1 to i32
    %cond3A_8 = arith.constant 0 : i32
    %cond3A_9 = arith.cmpi ne, %convert_element_type3A_7, %cond3A_8 : i32
    scf.if %cond3A_9 {
      "tpu.region"() ({
        %run_scoped3A = tpu.sem_alloc : memref<!tpu.dma_semaphore, #tpu.memory_space<semaphore_mem>>
        %dma_start3A_51 = arith.constant 0 : i32
        %dma_start3A_52 = tpu.memref_slice %arg17[%mul3A_2, %dma_start3A_51] : memref<10000x128xf32, #tpu.memory_space<vmem_shared>> -> memref<624x128xf32, #tpu.memory_space<vmem_shared>>
        %dma_start3A_53 = arith.constant 0 : i32
        %dma_start3A_54 = arith.constant 0 : i32
        %dma_start3A_55 = tpu.memref_slice %arg7[%dma_start3A_53, %dma_start3A_54] : memref<624x128xf32, #tpu.memory_space<hbm>> -> memref<624x128xf32, #tpu.memory_space<hbm>>
        tpu.enqueue_dma source(%dma_start3A_55 : memref<624x128xf32, #tpu.memory_space<hbm>>) target(%dma_start3A_52 : memref<624x128xf32, #tpu.memory_space<vmem_shared>>) target_semaphore(%run_scoped3A : memref<!tpu.dma_semaphore, #tpu.memory_space<semaphore_mem>>)
        %dma_wait3A_56 = arith.constant 0 : i32
        %dma_wait3A_57 = tpu.memref_slice %arg17[%mul3A_2, %dma_wait3A_56] : memref<10000x128xf32, #tpu.memory_space<vmem_shared>> -> memref<624x128xf32, #tpu.memory_space<vmem_shared>>
        %dma_wait3A_58 = arith.constant 0 : i32
        %dma_wait3A_59 = arith.constant 0 : i32
        %dma_wait3A_60 = tpu.memref_slice %arg7[%dma_wait3A_58, %dma_wait3A_59] : memref<624x128xf32, #tpu.memory_space<hbm>> -> memref<624x128xf32, #tpu.memory_space<hbm>>
        tpu.wait_dma2 semaphore(%run_scoped3A : memref<!tpu.dma_semaphore, #tpu.memory_space<semaphore_mem>>) src(%dma_wait3A_60 : memref<624x128xf32, #tpu.memory_space<hbm>>) dst(%dma_wait3A_57 : memref<624x128xf32, #tpu.memory_space<vmem_shared>>)
        tpu.yield
      }) : () -> ()
      %eq3A_46 = arith.constant 15 : i32
      %eq3A_47 = arith.cmpi eq, %arg1, %eq3A_46 : i32
      %convert_element_type3A_48 = arith.extui %eq3A_47 : i1 to i32
      %cond3A_49 = arith.constant 0 : i32
      %cond3A_50 = arith.cmpi ne, %convert_element_type3A_48, %cond3A_49 : i32
      scf.if %cond3A_50 {
        "tpu.region"() ({
          %run_scoped3A = tpu.sem_alloc : memref<!tpu.dma_semaphore, #tpu.memory_space<semaphore_mem>>
          %dma_start3A_51 = arith.constant 9984 : i32
          %dma_start3A_52 = arith.constant 0 : i32
          %dma_start3A_53 = tpu.memref_slice %arg17[%dma_start3A_51, %dma_start3A_52] : memref<10000x128xf32, #tpu.memory_space<vmem_shared>> -> memref<16x128xf32, #tpu.memory_space<vmem_shared>>
          %dma_start3A_54 = arith.constant 0 : i32
          %dma_start3A_55 = arith.constant 0 : i32
          %dma_start3A_56 = tpu.memref_slice %arg7[%dma_start3A_54, %dma_start3A_55] : memref<624x128xf32, #tpu.memory_space<hbm>> -> memref<16x128xf32, #tpu.memory_space<hbm>>
          tpu.enqueue_dma source(%dma_start3A_56 : memref<16x128xf32, #tpu.memory_space<hbm>>) target(%dma_start3A_53 : memref<16x128xf32, #tpu.memory_space<vmem_shared>>) target_semaphore(%run_scoped3A : memref<!tpu.dma_semaphore, #tpu.memory_space<semaphore_mem>>)
          %dma_wait3A_57 = arith.constant 9984 : i32
          %dma_wait3A_58 = arith.constant 0 : i32
          %dma_wait3A_59 = tpu.memref_slice %arg17[%dma_wait3A_57, %dma_wait3A_58] : memref<10000x128xf32, #tpu.memory_space<vmem_shared>> -> memref<16x128xf32, #tpu.memory_space<vmem_shared>>
          %dma_wait3A_60 = arith.constant 0 : i32
          %dma_wait3A_61 = arith.constant 0 : i32
          %dma_wait3A_62 = tpu.memref_slice %arg7[%dma_wait3A_60, %dma_wait3A_61] : memref<624x128xf32, #tpu.memory_space<hbm>> -> memref<16x128xf32, #tpu.memory_space<hbm>>
          tpu.wait_dma2 semaphore(%run_scoped3A : memref<!tpu.dma_semaphore, #tpu.memory_space<semaphore_mem>>) src(%dma_wait3A_62 : memref<16x128xf32, #tpu.memory_space<hbm>>) dst(%dma_wait3A_59 : memref<16x128xf32, #tpu.memory_space<vmem_shared>>)
          tpu.yield
        }) : () -> ()
      } else {
      }
    } else {
    }
    %barrier3A = arith.constant 0 : index
    tpu.barrier barrier_id(%barrier3A)
    "tpu.region"() ({
      %run_scoped3A = tpu.sem_alloc : memref<!tpu.dma_semaphore, #tpu.memory_space<semaphore_mem>>
      %dma_start3A_46 = arith.constant 0 : i32
      %dma_start3A_47 = tpu.memref_slice %arg5[%add3A, %dma_start3A_46] : memref<32x16xi32, #tpu.memory_space<hbm>> -> memref<1x16xi32, #tpu.memory_space<hbm>>
      %dma_start3A_48 = tpu.memref_squeeze %dma_start3A_47 : memref<1x16xi32, #tpu.memory_space<hbm>> -> memref<16xi32, #tpu.memory_space<hbm>>
      %dma_start3A_49 = arith.constant 0 : i32
      %dma_start3A_50 = tpu.memref_slice %arg5[%add3A, %dma_start3A_49] : memref<32x16xi32, #tpu.memory_space<hbm>> -> memref<1x16xi32, #tpu.memory_space<hbm>>
      %dma_start3A_51 = tpu.memref_squeeze %dma_start3A_50 : memref<1x16xi32, #tpu.memory_space<hbm>> -> memref<16xi32, #tpu.memory_space<hbm>>
      tpu.enqueue_dma source(%dma_start3A_51 : memref<16xi32, #tpu.memory_space<hbm>>) target(%arg14 : memref<16xi32, #tpu.memory_space<vmem>>) target_semaphore(%run_scoped3A : memref<!tpu.dma_semaphore, #tpu.memory_space<semaphore_mem>>)
      %dma_wait3A_52 = arith.constant 0 : i32
      %dma_wait3A_53 = tpu.memref_slice %arg5[%add3A, %dma_wait3A_52] : memref<32x16xi32, #tpu.memory_space<hbm>> -> memref<1x16xi32, #tpu.memory_space<hbm>>
      %dma_wait3A_54 = tpu.memref_squeeze %dma_wait3A_53 : memref<1x16xi32, #tpu.memory_space<hbm>> -> memref<16xi32, #tpu.memory_space<hbm>>
      %dma_wait3A_55 = arith.constant 0 : i32
      %dma_wait3A_56 = tpu.memref_slice %arg5[%add3A, %dma_wait3A_55] : memref<32x16xi32, #tpu.memory_space<hbm>> -> memref<1x16xi32, #tpu.memory_space<hbm>>
      %dma_wait3A_57 = tpu.memref_squeeze %dma_wait3A_56 : memref<1x16xi32, #tpu.memory_space<hbm>> -> memref<16xi32, #tpu.memory_space<hbm>>
      tpu.wait_dma2 semaphore(%run_scoped3A : memref<!tpu.dma_semaphore, #tpu.memory_space<semaphore_mem>>) src(%dma_wait3A_57 : memref<16xi32, #tpu.memory_space<hbm>>) dst(%arg14 : memref<16xi32, #tpu.memory_space<vmem>>)
      tpu.yield
    }) : () -> ()
    "tpu.region"() ({
      %run_scoped3A = tpu.sem_alloc : memref<!tpu.dma_semaphore, #tpu.memory_space<semaphore_mem>>
      %dma_start3A_46 = arith.constant 0 : i32
      %dma_start3A_47 = tpu.memref_slice %arg6[%add3A, %dma_start3A_46] : memref<32x16xi32, #tpu.memory_space<hbm>> -> memref<1x16xi32, #tpu.memory_space<hbm>>
      %dma_start3A_48 = tpu.memref_squeeze %dma_start3A_47 : memref<1x16xi32, #tpu.memory_space<hbm>> -> memref<16xi32, #tpu.memory_space<hbm>>
      %dma_start3A_49 = arith.constant 0 : i32
      %dma_start3A_50 = tpu.memref_slice %arg6[%add3A, %dma_start3A_49] : memref<32x16xi32, #tpu.memory_space<hbm>> -> memref<1x16xi32, #tpu.memory_space<hbm>>
      %dma_start3A_51 = tpu.memref_squeeze %dma_start3A_50 : memref<1x16xi32, #tpu.memory_space<hbm>> -> memref<16xi32, #tpu.memory_space<hbm>>
      tpu.enqueue_dma source(%dma_start3A_51 : memref<16xi32, #tpu.memory_space<hbm>>) target(%arg15 : memref<16xi32, #tpu.memory_space<vmem>>) target_semaphore(%run_scoped3A : memref<!tpu.dma_semaphore, #tpu.memory_space<semaphore_mem>>)
      %dma_wait3A_52 = arith.constant 0 : i32
      %dma_wait3A_53 = tpu.memref_slice %arg6[%add3A, %dma_wait3A_52] : memref<32x16xi32, #tpu.memory_space<hbm>> -> memref<1x16xi32, #tpu.memory_space<hbm>>
      %dma_wait3A_54 = tpu.memref_squeeze %dma_wait3A_53 : memref<1x16xi32, #tpu.memory_space<hbm>> -> memref<16xi32, #tpu.memory_space<hbm>>
      %dma_wait3A_55 = arith.constant 0 : i32
      %dma_wait3A_56 = tpu.memref_slice %arg6[%add3A, %dma_wait3A_55] : memref<32x16xi32, #tpu.memory_space<hbm>> -> memref<1x16xi32, #tpu.memory_space<hbm>>
      %dma_wait3A_57 = tpu.memref_squeeze %dma_wait3A_56 : memref<1x16xi32, #tpu.memory_space<hbm>> -> memref<16xi32, #tpu.memory_space<hbm>>
      tpu.wait_dma2 semaphore(%run_scoped3A : memref<!tpu.dma_semaphore, #tpu.memory_space<semaphore_mem>>) src(%dma_wait3A_57 : memref<16xi32, #tpu.memory_space<hbm>>) dst(%arg15 : memref<16xi32, #tpu.memory_space<vmem>>)
      tpu.yield
    }) : () -> ()
    %dma_start3A = arith.constant 0 : i32
    %dma_start3A_10 = arith.constant 0 : i32
    %dma_start3A_11 = tpu.memref_slice %arg2[%dma_start3A, %dma_start3A_10] : memref<10000x128xf32, #tpu.memory_space<hbm>> -> memref<10000x128xf32, #tpu.memory_space<hbm>>
    tpu.enqueue_indirect_dma source(%dma_start3A_11 : memref<10000x128xf32, #tpu.memory_space<hbm>>) target(%arg16 : memref<16x128xf32, #tpu.memory_space<vmem>>) offsets(%arg14 : memref<16xi32, #tpu.memory_space<vmem>>) semaphore(%arg18 : memref<!tpu.dma_semaphore, #tpu.memory_space<semaphore_mem>>)
    %dma_wait3A = arith.constant 0 : i32
    %dma_wait3A_12 = arith.constant 0 : i32
    %dma_wait3A_13 = tpu.memref_slice %arg2[%dma_wait3A, %dma_wait3A_12] : memref<10000x128xf32, #tpu.memory_space<hbm>> -> memref<10000x128xf32, #tpu.memory_space<hbm>>
    tpu.wait_indirect_dma semaphore(%arg18 : memref<!tpu.dma_semaphore, #tpu.memory_space<semaphore_mem>>) src(%dma_wait3A_13 : memref<10000x128xf32, #tpu.memory_space<hbm>>) dst(%arg16 : memref<16x128xf32, #tpu.memory_space<vmem>>)
    "tpu.region"() ({
      %run_scoped3A = tpu.sem_alloc : memref<!tpu.dma_semaphore, #tpu.memory_space<semaphore_mem>>
      %dma_start3A_46 = arith.constant 0 : i32
      %dma_start3A_47 = arith.constant 0 : i32
      %dma_start3A_48 = tpu.memref_slice %arg17[%dma_start3A_46, %dma_start3A_47] : memref<10000x128xf32, #tpu.memory_space<vmem_shared>> -> memref<10000x128xf32, #tpu.memory_space<vmem_shared>>
      tpu.enqueue_indirect_dma source(%arg16 : memref<16x128xf32, #tpu.memory_space<vmem>>) target(%dma_start3A_48 : memref<10000x128xf32, #tpu.memory_space<vmem_shared>>) offsets(%arg15 : memref<16xi32, #tpu.memory_space<vmem>>) semaphore(%run_scoped3A : memref<!tpu.dma_semaphore, #tpu.memory_space<semaphore_mem>>) {add = true}
      %dma_wait3A_49 = arith.constant 0 : i32
      %dma_wait3A_50 = arith.constant 0 : i32
      %dma_wait3A_51 = tpu.memref_slice %arg17[%dma_wait3A_49, %dma_wait3A_50] : memref<10000x128xf32, #tpu.memory_space<vmem_shared>> -> memref<10000x128xf32, #tpu.memory_space<vmem_shared>>
      tpu.wait_indirect_dma semaphore(%run_scoped3A : memref<!tpu.dma_semaphore, #tpu.memory_space<semaphore_mem>>) src(%arg16 : memref<16x128xf32, #tpu.memory_space<vmem>>) dst(%dma_wait3A_51 : memref<10000x128xf32, #tpu.memory_space<vmem_shared>>)
      tpu.yield
    }) : () -> ()
    "tpu.region"() ({
      %run_scoped3A = tpu.sem_alloc : memref<!tpu.dma_semaphore, #tpu.memory_space<semaphore_mem>>
      %dma_start3A_46 = arith.constant 0 : i32
      %dma_start3A_47 = arith.constant 0 : i32
      %dma_start3A_48 = tpu.memref_slice %arg3[%add3A, %dma_start3A_46, %dma_start3A_47] : memref<32x78x128xi32, #tpu.memory_space<hbm>> -> memref<1x78x128xi32, #tpu.memory_space<hbm>>
      %dma_start3A_49 = tpu.memref_squeeze %dma_start3A_48 : memref<1x78x128xi32, #tpu.memory_space<hbm>> -> memref<78x128xi32, #tpu.memory_space<hbm>>
      %dma_start3A_50 = arith.constant 0 : i32
      %dma_start3A_51 = arith.constant 0 : i32
      %dma_start3A_52 = tpu.memref_slice %arg3[%add3A, %dma_start3A_50, %dma_start3A_51] : memref<32x78x128xi32, #tpu.memory_space<hbm>> -> memref<1x78x128xi32, #tpu.memory_space<hbm>>
      %dma_start3A_53 = tpu.memref_squeeze %dma_start3A_52 : memref<1x78x128xi32, #tpu.memory_space<hbm>> -> memref<78x128xi32, #tpu.memory_space<hbm>>
      tpu.enqueue_dma source(%dma_start3A_53 : memref<78x128xi32, #tpu.memory_space<hbm>>) target(%arg9 : memref<78x128xi32, #tpu.memory_space<vmem>>) target_semaphore(%run_scoped3A : memref<!tpu.dma_semaphore, #tpu.memory_space<semaphore_mem>>)
      %dma_wait3A_54 = arith.constant 0 : i32
      %dma_wait3A_55 = arith.constant 0 : i32
      %dma_wait3A_56 = tpu.memref_slice %arg3[%add3A, %dma_wait3A_54, %dma_wait3A_55] : memref<32x78x128xi32, #tpu.memory_space<hbm>> -> memref<1x78x128xi32, #tpu.memory_space<hbm>>
      %dma_wait3A_57 = tpu.memref_squeeze %dma_wait3A_56 : memref<1x78x128xi32, #tpu.memory_space<hbm>> -> memref<78x128xi32, #tpu.memory_space<hbm>>
      %dma_wait3A_58 = arith.constant 0 : i32
      %dma_wait3A_59 = arith.constant 0 : i32
      %dma_wait3A_60 = tpu.memref_slice %arg3[%add3A, %dma_wait3A_58, %dma_wait3A_59] : memref<32x78x128xi32, #tpu.memory_space<hbm>> -> memref<1x78x128xi32, #tpu.memory_space<hbm>>
      %dma_wait3A_61 = tpu.memref_squeeze %dma_wait3A_60 : memref<1x78x128xi32, #tpu.memory_space<hbm>> -> memref<78x128xi32, #tpu.memory_space<hbm>>
      tpu.wait_dma2 semaphore(%run_scoped3A : memref<!tpu.dma_semaphore, #tpu.memory_space<semaphore_mem>>) src(%dma_wait3A_61 : memref<78x128xi32, #tpu.memory_space<hbm>>) dst(%arg9 : memref<78x128xi32, #tpu.memory_space<vmem>>)
      tpu.yield
    }) : () -> ()
    %dma_start3A_14 = arith.constant 0 : i32
    %dma_start3A_15 = arith.constant 0 : i32
    %dma_start3A_16 = tpu.memref_slice %arg4[%add3A, %dma_start3A_14, %dma_start3A_15] : memref<32x78x128xi32, #tpu.memory_space<hbm>> -> memref<1x78x128xi32, #tpu.memory_space<hbm>>
    %dma_start3A_17 = tpu.memref_squeeze %dma_start3A_16 : memref<1x78x128xi32, #tpu.memory_space<hbm>> -> memref<78x128xi32, #tpu.memory_space<hbm>>
    %dma_start3A_18 = arith.constant 0 : i32
    %dma_start3A_19 = arith.constant 0 : i32
    %dma_start3A_20 = tpu.memref_slice %dma_start3A_17[%dma_start3A_18, %dma_start3A_19] : memref<78x128xi32, #tpu.memory_space<hbm>> -> memref<1x128xi32, #tpu.memory_space<hbm>>
    %dma_start3A_21 = arith.constant 0 : i32
    %dma_start3A_22 = arith.constant 0 : i32
    %dma_start3A_23 = tpu.memref_slice %arg4[%add3A, %dma_start3A_21, %dma_start3A_22] : memref<32x78x128xi32, #tpu.memory_space<hbm>> -> memref<1x78x128xi32, #tpu.memory_space<hbm>>
    %dma_start3A_24 = tpu.memref_squeeze %dma_start3A_23 : memref<1x78x128xi32, #tpu.memory_space<hbm>> -> memref<78x128xi32, #tpu.memory_space<hbm>>
    %dma_start3A_25 = arith.constant 0 : i32
    %dma_start3A_26 = arith.constant 0 : i32
    %dma_start3A_27 = tpu.memref_slice %dma_start3A_24[%dma_start3A_25, %dma_start3A_26] : memref<78x128xi32, #tpu.memory_space<hbm>> -> memref<1x128xi32, #tpu.memory_space<hbm>>
    tpu.enqueue_dma source(%dma_start3A_27 : memref<1x128xi32, #tpu.memory_space<hbm>>) target(%arg10 : memref<1x128xi32, #tpu.memory_space<vmem>>) target_semaphore(%arg20 : memref<!tpu.dma_semaphore, #tpu.memory_space<semaphore_mem>>)
    %dma_start3A_28 = arith.constant 0 : i32
    %dma_start3A_29 = arith.constant 0 : i32
    %dma_start3A_30 = tpu.memref_slice %arg9[%dma_start3A_28, %dma_start3A_29] : memref<78x128xi32, #tpu.memory_space<vmem>> -> memref<1x128xi32, #tpu.memory_space<vmem>>
    %dma_start3A_31 = tpu.memref_squeeze %dma_start3A_30 : memref<1x128xi32, #tpu.memory_space<vmem>> -> memref<128xi32, #tpu.memory_space<vmem>>
    %dma_start3A_32 = arith.constant 0 : i32
    %dma_start3A_33 = arith.constant 0 : i32
    %dma_start3A_34 = tpu.memref_slice %arg2[%dma_start3A_32, %dma_start3A_33] : memref<10000x128xf32, #tpu.memory_space<hbm>> -> memref<10000x128xf32, #tpu.memory_space<hbm>>
    tpu.enqueue_indirect_dma source(%dma_start3A_34 : memref<10000x128xf32, #tpu.memory_space<hbm>>) target(%arg12 : memref<128x128xf32, #tpu.memory_space<vmem>>) offsets(%dma_start3A_31 : memref<128xi32, #tpu.memory_space<vmem>>) semaphore(%arg18 : memref<!tpu.dma_semaphore, #tpu.memory_space<semaphore_mem>>)
    %scan3A = arith.constant 0 : i32
    %scan3A_35 = arith.constant 0 : i32
    %scan3A_36 = arith.constant 78 : i32
    %scan3A_37 = arith.addi %scan3A_35, %scan3A_36 : i32
    %scan3A_38 = arith.constant 1 : i32
    scf.for %scan3A_46 = %scan3A_35 to %scan3A_37 step %scan3A_38  : i32 {
      %jit3A = arith.constant 2 : i32
      %eq3A_47 = arith.constant 0 : i32
      %eq3A_48 = arith.cmpi eq, %jit3A, %eq3A_47 : i32
      %jit3A_49 = arith.constant 1 : i32
      %select_n3A = arith.select %eq3A_48, %jit3A_49, %jit3A : i32
      %rem3A = arith.remsi %scan3A_46, %select_n3A : i32
      %ne3A = arith.constant 0 : i32
      %ne3A_50 = arith.cmpi ne, %rem3A, %ne3A : i32
      %lt3A = arith.constant 0 : i32
      %lt3A_51 = arith.cmpi slt, %rem3A, %lt3A : i32
      %lt3A_52 = arith.constant 0 : i32
      %lt3A_53 = arith.cmpi slt, %select_n3A, %lt3A_52 : i32
      %ne3A_54 = arith.xori %lt3A_51, %lt3A_53 : i1
      %and3A = arith.andi %ne3A_54, %ne3A_50 : i1
      %add3A_55 = arith.addi %rem3A, %select_n3A : i32
      %select_n3A_56 = arith.select %and3A, %add3A_55, %rem3A : i32
      %eq3A_57 = arith.constant 0 : i32
      %eq3A_58 = arith.cmpi eq, %select_n3A_56, %eq3A_57 : i32
      %convert_element_type3A_59 = arith.extui %eq3A_58 : i1 to i32
      %cond3A_60 = arith.constant 0 : i32
      %cond3A_61 = arith.cmpi ne, %convert_element_type3A_59, %cond3A_60 : i32
      scf.if %cond3A_61 {
        %dma_wait3A_83 = arith.constant 0 : i32
        %dma_wait3A_84 = tpu.memref_slice %arg9[%scan3A_46, %dma_wait3A_83] : memref<78x128xi32, #tpu.memory_space<vmem>> -> memref<1x128xi32, #tpu.memory_space<vmem>>
        %dma_wait3A_85 = tpu.memref_squeeze %dma_wait3A_84 : memref<1x128xi32, #tpu.memory_space<vmem>> -> memref<128xi32, #tpu.memory_space<vmem>>
        %dma_wait3A_86 = arith.constant 0 : i32
        %dma_wait3A_87 = arith.constant 0 : i32
        %dma_wait3A_88 = tpu.memref_slice %arg2[%dma_wait3A_86, %dma_wait3A_87] : memref<10000x128xf32, #tpu.memory_space<hbm>> -> memref<10000x128xf32, #tpu.memory_space<hbm>>
        tpu.wait_indirect_dma semaphore(%arg18 : memref<!tpu.dma_semaphore, #tpu.memory_space<semaphore_mem>>) src(%dma_wait3A_88 : memref<10000x128xf32, #tpu.memory_space<hbm>>) dst(%arg12 : memref<128x128xf32, #tpu.memory_space<vmem>>)
        %add3A_89 = arith.constant 1 : i32
        %add3A_90 = arith.addi %scan3A_46, %add3A_89 : i32
        %lt3A_91 = arith.constant 78 : i32
        %lt3A_92 = arith.cmpi slt, %add3A_90, %lt3A_91 : i32
        %convert_element_type3A_93 = arith.extui %lt3A_92 : i1 to i32
        %cond3A_94 = arith.constant 0 : i32
        %cond3A_95 = arith.cmpi ne, %convert_element_type3A_93, %cond3A_94 : i32
        scf.if %cond3A_95 {
          %add3A_108 = arith.constant 1 : i32
          %add3A_109 = arith.addi %scan3A_46, %add3A_108 : i32
          %dma_start3A_110 = arith.constant 0 : i32
          %dma_start3A_111 = arith.constant 0 : i32
          %dma_start3A_112 = tpu.memref_slice %arg4[%add3A, %dma_start3A_110, %dma_start3A_111] : memref<32x78x128xi32, #tpu.memory_space<hbm>> -> memref<1x78x128xi32, #tpu.memory_space<hbm>>
          %dma_start3A_113 = tpu.memref_squeeze %dma_start3A_112 : memref<1x78x128xi32, #tpu.memory_space<hbm>> -> memref<78x128xi32, #tpu.memory_space<hbm>>
          %dma_start3A_114 = arith.constant 0 : i32
          %dma_start3A_115 = tpu.memref_slice %dma_start3A_113[%add3A_109, %dma_start3A_114] : memref<78x128xi32, #tpu.memory_space<hbm>> -> memref<1x128xi32, #tpu.memory_space<hbm>>
          %dma_start3A_116 = arith.constant 0 : i32
          %dma_start3A_117 = arith.constant 0 : i32
          %dma_start3A_118 = tpu.memref_slice %arg4[%add3A, %dma_start3A_116, %dma_start3A_117] : memref<32x78x128xi32, #tpu.memory_space<hbm>> -> memref<1x78x128xi32, #tpu.memory_space<hbm>>
          %dma_start3A_119 = tpu.memref_squeeze %dma_start3A_118 : memref<1x78x128xi32, #tpu.memory_space<hbm>> -> memref<78x128xi32, #tpu.memory_space<hbm>>
          %dma_start3A_120 = arith.constant 0 : i32
          %dma_start3A_121 = tpu.memref_slice %dma_start3A_119[%add3A_109, %dma_start3A_120] : memref<78x128xi32, #tpu.memory_space<hbm>> -> memref<1x128xi32, #tpu.memory_space<hbm>>
          tpu.enqueue_dma source(%dma_start3A_121 : memref<1x128xi32, #tpu.memory_space<hbm>>) target(%arg11 : memref<1x128xi32, #tpu.memory_space<vmem>>) target_semaphore(%arg21 : memref<!tpu.dma_semaphore, #tpu.memory_space<semaphore_mem>>)
          %add3A_122 = arith.constant 1 : i32
          %add3A_123 = arith.addi %scan3A_46, %add3A_122 : i32
          %dma_start3A_124 = arith.constant 0 : i32
          %dma_start3A_125 = tpu.memref_slice %arg9[%add3A_123, %dma_start3A_124] : memref<78x128xi32, #tpu.memory_space<vmem>> -> memref<1x128xi32, #tpu.memory_space<vmem>>
          %dma_start3A_126 = tpu.memref_squeeze %dma_start3A_125 : memref<1x128xi32, #tpu.memory_space<vmem>> -> memref<128xi32, #tpu.memory_space<vmem>>
          %dma_start3A_127 = arith.constant 0 : i32
          %dma_start3A_128 = arith.constant 0 : i32
          %dma_start3A_129 = tpu.memref_slice %arg2[%dma_start3A_127, %dma_start3A_128] : memref<10000x128xf32, #tpu.memory_space<hbm>> -> memref<10000x128xf32, #tpu.memory_space<hbm>>
          tpu.enqueue_indirect_dma source(%dma_start3A_129 : memref<10000x128xf32, #tpu.memory_space<hbm>>) target(%arg13 : memref<128x128xf32, #tpu.memory_space<vmem>>) offsets(%dma_start3A_126 : memref<128xi32, #tpu.memory_space<vmem>>) semaphore(%arg19 : memref<!tpu.dma_semaphore, #tpu.memory_space<semaphore_mem>>)
        } else {
        }
        %dma_wait3A_96 = arith.constant 0 : i32
        %dma_wait3A_97 = arith.constant 0 : i32
        %dma_wait3A_98 = tpu.memref_slice %arg4[%add3A, %dma_wait3A_96, %dma_wait3A_97] : memref<32x78x128xi32, #tpu.memory_space<hbm>> -> memref<1x78x128xi32, #tpu.memory_space<hbm>>
        %dma_wait3A_99 = tpu.memref_squeeze %dma_wait3A_98 : memref<1x78x128xi32, #tpu.memory_space<hbm>> -> memref<78x128xi32, #tpu.memory_space<hbm>>
        %dma_wait3A_100 = arith.constant 0 : i32
        %dma_wait3A_101 = tpu.memref_slice %dma_wait3A_99[%scan3A_46, %dma_wait3A_100] : memref<78x128xi32, #tpu.memory_space<hbm>> -> memref<1x128xi32, #tpu.memory_space<hbm>>
        %dma_wait3A_102 = arith.constant 0 : i32
        %dma_wait3A_103 = arith.constant 0 : i32
        %dma_wait3A_104 = tpu.memref_slice %arg4[%add3A, %dma_wait3A_102, %dma_wait3A_103] : memref<32x78x128xi32, #tpu.memory_space<hbm>> -> memref<1x78x128xi32, #tpu.memory_space<hbm>>
        %dma_wait3A_105 = tpu.memref_squeeze %dma_wait3A_104 : memref<1x78x128xi32, #tpu.memory_space<hbm>> -> memref<78x128xi32, #tpu.memory_space<hbm>>
        %dma_wait3A_106 = arith.constant 0 : i32
        %dma_wait3A_107 = tpu.memref_slice %dma_wait3A_105[%scan3A_46, %dma_wait3A_106] : memref<78x128xi32, #tpu.memory_space<hbm>> -> memref<1x128xi32, #tpu.memory_space<hbm>>
        tpu.wait_dma2 semaphore(%arg20 : memref<!tpu.dma_semaphore, #tpu.memory_space<semaphore_mem>>) src(%dma_wait3A_107 : memref<1x128xi32, #tpu.memory_space<hbm>>) dst(%arg10 : memref<1x128xi32, #tpu.memory_space<vmem>>)
        %run_scoped3A = arith.constant 0 : i32
        "tpu.region"() ({
          %run_scoped3A_108 = tpu.sem_alloc : memref<!tpu.dma_semaphore, #tpu.memory_space<semaphore_mem>>
          %dma_start3A_109 = arith.constant 0 : i32
          %dma_start3A_110 = tpu.memref_slice %arg10[%run_scoped3A, %dma_start3A_109] : memref<1x128xi32, #tpu.memory_space<vmem>> -> memref<1x128xi32, #tpu.memory_space<vmem>>
          %dma_start3A_111 = tpu.memref_squeeze %dma_start3A_110 : memref<1x128xi32, #tpu.memory_space<vmem>> -> memref<128xi32, #tpu.memory_space<vmem>>
          %dma_start3A_112 = arith.constant 0 : i32
          %dma_start3A_113 = arith.constant 0 : i32
          %dma_start3A_114 = tpu.memref_slice %arg17[%dma_start3A_112, %dma_start3A_113] : memref<10000x128xf32, #tpu.memory_space<vmem_shared>> -> memref<10000x128xf32, #tpu.memory_space<vmem_shared>>
          tpu.enqueue_indirect_dma source(%arg12 : memref<128x128xf32, #tpu.memory_space<vmem>>) target(%dma_start3A_114 : memref<10000x128xf32, #tpu.memory_space<vmem_shared>>) offsets(%dma_start3A_111 : memref<128xi32, #tpu.memory_space<vmem>>) semaphore(%run_scoped3A_108 : memref<!tpu.dma_semaphore, #tpu.memory_space<semaphore_mem>>) {add = true}
          %dma_wait3A_115 = arith.constant 0 : i32
          %dma_wait3A_116 = tpu.memref_slice %arg10[%run_scoped3A, %dma_wait3A_115] : memref<1x128xi32, #tpu.memory_space<vmem>> -> memref<1x128xi32, #tpu.memory_space<vmem>>
          %dma_wait3A_117 = tpu.memref_squeeze %dma_wait3A_116 : memref<1x128xi32, #tpu.memory_space<vmem>> -> memref<128xi32, #tpu.memory_space<vmem>>
          %dma_wait3A_118 = arith.constant 0 : i32
          %dma_wait3A_119 = arith.constant 0 : i32
          %dma_wait3A_120 = tpu.memref_slice %arg17[%dma_wait3A_118, %dma_wait3A_119] : memref<10000x128xf32, #tpu.memory_space<vmem_shared>> -> memref<10000x128xf32, #tpu.memory_space<vmem_shared>>
          tpu.wait_indirect_dma semaphore(%run_scoped3A_108 : memref<!tpu.dma_semaphore, #tpu.memory_space<semaphore_mem>>) src(%arg12 : memref<128x128xf32, #tpu.memory_space<vmem>>) dst(%dma_wait3A_120 : memref<10000x128xf32, #tpu.memory_space<vmem_shared>>)
          tpu.yield
        }) : () -> ()
      } else {
      }
      %jit3A_62 = arith.constant 2 : i32
      %eq3A_63 = arith.constant 0 : i32
      %eq3A_64 = arith.cmpi eq, %jit3A_62, %eq3A_63 : i32
      %jit3A_65 = arith.constant 1 : i32
      %select_n3A_66 = arith.select %eq3A_64, %jit3A_65, %jit3A_62 : i32
      %rem3A_67 = arith.remsi %scan3A_46, %select_n3A_66 : i32
      %ne3A_68 = arith.constant 0 : i32
      %ne3A_69 = arith.cmpi ne, %rem3A_67, %ne3A_68 : i32
      %lt3A_70 = arith.constant 0 : i32
      %lt3A_71 = arith.cmpi slt, %rem3A_67, %lt3A_70 : i32
      %lt3A_72 = arith.constant 0 : i32
      %lt3A_73 = arith.cmpi slt, %select_n3A_66, %lt3A_72 : i32
      %ne3A_74 = arith.xori %lt3A_71, %lt3A_73 : i1
      %and3A_75 = arith.andi %ne3A_74, %ne3A_69 : i1
      %add3A_76 = arith.addi %rem3A_67, %select_n3A_66 : i32
      %select_n3A_77 = arith.select %and3A_75, %add3A_76, %rem3A_67 : i32
      %eq3A_78 = arith.constant 1 : i32
      %eq3A_79 = arith.cmpi eq, %select_n3A_77, %eq3A_78 : i32
      %convert_element_type3A_80 = arith.extui %eq3A_79 : i1 to i32
      %cond3A_81 = arith.constant 0 : i32
      %cond3A_82 = arith.cmpi ne, %convert_element_type3A_80, %cond3A_81 : i32
      scf.if %cond3A_82 {
        %dma_wait3A_83 = arith.constant 0 : i32
        %dma_wait3A_84 = tpu.memref_slice %arg9[%scan3A_46, %dma_wait3A_83] : memref<78x128xi32, #tpu.memory_space<vmem>> -> memref<1x128xi32, #tpu.memory_space<vmem>>
        %dma_wait3A_85 = tpu.memref_squeeze %dma_wait3A_84 : memref<1x128xi32, #tpu.memory_space<vmem>> -> memref<128xi32, #tpu.memory_space<vmem>>
        %dma_wait3A_86 = arith.constant 0 : i32
        %dma_wait3A_87 = arith.constant 0 : i32
        %dma_wait3A_88 = tpu.memref_slice %arg2[%dma_wait3A_86, %dma_wait3A_87] : memref<10000x128xf32, #tpu.memory_space<hbm>> -> memref<10000x128xf32, #tpu.memory_space<hbm>>
        tpu.wait_indirect_dma semaphore(%arg19 : memref<!tpu.dma_semaphore, #tpu.memory_space<semaphore_mem>>) src(%dma_wait3A_88 : memref<10000x128xf32, #tpu.memory_space<hbm>>) dst(%arg13 : memref<128x128xf32, #tpu.memory_space<vmem>>)
        %add3A_89 = arith.constant 1 : i32
        %add3A_90 = arith.addi %scan3A_46, %add3A_89 : i32
        %lt3A_91 = arith.constant 78 : i32
        %lt3A_92 = arith.cmpi slt, %add3A_90, %lt3A_91 : i32
        %convert_element_type3A_93 = arith.extui %lt3A_92 : i1 to i32
        %cond3A_94 = arith.constant 0 : i32
        %cond3A_95 = arith.cmpi ne, %convert_element_type3A_93, %cond3A_94 : i32
        scf.if %cond3A_95 {
          %add3A_108 = arith.constant 1 : i32
          %add3A_109 = arith.addi %scan3A_46, %add3A_108 : i32
          %dma_start3A_110 = arith.constant 0 : i32
          %dma_start3A_111 = arith.constant 0 : i32
          %dma_start3A_112 = tpu.memref_slice %arg4[%add3A, %dma_start3A_110, %dma_start3A_111] : memref<32x78x128xi32, #tpu.memory_space<hbm>> -> memref<1x78x128xi32, #tpu.memory_space<hbm>>
          %dma_start3A_113 = tpu.memref_squeeze %dma_start3A_112 : memref<1x78x128xi32, #tpu.memory_space<hbm>> -> memref<78x128xi32, #tpu.memory_space<hbm>>
          %dma_start3A_114 = arith.constant 0 : i32
          %dma_start3A_115 = tpu.memref_slice %dma_start3A_113[%add3A_109, %dma_start3A_114] : memref<78x128xi32, #tpu.memory_space<hbm>> -> memref<1x128xi32, #tpu.memory_space<hbm>>
          %dma_start3A_116 = arith.constant 0 : i32
          %dma_start3A_117 = arith.constant 0 : i32
          %dma_start3A_118 = tpu.memref_slice %arg4[%add3A, %dma_start3A_116, %dma_start3A_117] : memref<32x78x128xi32, #tpu.memory_space<hbm>> -> memref<1x78x128xi32, #tpu.memory_space<hbm>>
          %dma_start3A_119 = tpu.memref_squeeze %dma_start3A_118 : memref<1x78x128xi32, #tpu.memory_space<hbm>> -> memref<78x128xi32, #tpu.memory_space<hbm>>
          %dma_start3A_120 = arith.constant 0 : i32
          %dma_start3A_121 = tpu.memref_slice %dma_start3A_119[%add3A_109, %dma_start3A_120] : memref<78x128xi32, #tpu.memory_space<hbm>> -> memref<1x128xi32, #tpu.memory_space<hbm>>
          tpu.enqueue_dma source(%dma_start3A_121 : memref<1x128xi32, #tpu.memory_space<hbm>>) target(%arg10 : memref<1x128xi32, #tpu.memory_space<vmem>>) target_semaphore(%arg20 : memref<!tpu.dma_semaphore, #tpu.memory_space<semaphore_mem>>)
          %add3A_122 = arith.constant 1 : i32
          %add3A_123 = arith.addi %scan3A_46, %add3A_122 : i32
          %dma_start3A_124 = arith.constant 0 : i32
          %dma_start3A_125 = tpu.memref_slice %arg9[%add3A_123, %dma_start3A_124] : memref<78x128xi32, #tpu.memory_space<vmem>> -> memref<1x128xi32, #tpu.memory_space<vmem>>
          %dma_start3A_126 = tpu.memref_squeeze %dma_start3A_125 : memref<1x128xi32, #tpu.memory_space<vmem>> -> memref<128xi32, #tpu.memory_space<vmem>>
          %dma_start3A_127 = arith.constant 0 : i32
          %dma_start3A_128 = arith.constant 0 : i32
          %dma_start3A_129 = tpu.memref_slice %arg2[%dma_start3A_127, %dma_start3A_128] : memref<10000x128xf32, #tpu.memory_space<hbm>> -> memref<10000x128xf32, #tpu.memory_space<hbm>>
          tpu.enqueue_indirect_dma source(%dma_start3A_129 : memref<10000x128xf32, #tpu.memory_space<hbm>>) target(%arg12 : memref<128x128xf32, #tpu.memory_space<vmem>>) offsets(%dma_start3A_126 : memref<128xi32, #tpu.memory_space<vmem>>) semaphore(%arg18 : memref<!tpu.dma_semaphore, #tpu.memory_space<semaphore_mem>>)
        } else {
        }
        %dma_wait3A_96 = arith.constant 0 : i32
        %dma_wait3A_97 = arith.constant 0 : i32
        %dma_wait3A_98 = tpu.memref_slice %arg4[%add3A, %dma_wait3A_96, %dma_wait3A_97] : memref<32x78x128xi32, #tpu.memory_space<hbm>> -> memref<1x78x128xi32, #tpu.memory_space<hbm>>
        %dma_wait3A_99 = tpu.memref_squeeze %dma_wait3A_98 : memref<1x78x128xi32, #tpu.memory_space<hbm>> -> memref<78x128xi32, #tpu.memory_space<hbm>>
        %dma_wait3A_100 = arith.constant 0 : i32
        %dma_wait3A_101 = tpu.memref_slice %dma_wait3A_99[%scan3A_46, %dma_wait3A_100] : memref<78x128xi32, #tpu.memory_space<hbm>> -> memref<1x128xi32, #tpu.memory_space<hbm>>
        %dma_wait3A_102 = arith.constant 0 : i32
        %dma_wait3A_103 = arith.constant 0 : i32
        %dma_wait3A_104 = tpu.memref_slice %arg4[%add3A, %dma_wait3A_102, %dma_wait3A_103] : memref<32x78x128xi32, #tpu.memory_space<hbm>> -> memref<1x78x128xi32, #tpu.memory_space<hbm>>
        %dma_wait3A_105 = tpu.memref_squeeze %dma_wait3A_104 : memref<1x78x128xi32, #tpu.memory_space<hbm>> -> memref<78x128xi32, #tpu.memory_space<hbm>>
        %dma_wait3A_106 = arith.constant 0 : i32
        %dma_wait3A_107 = tpu.memref_slice %dma_wait3A_105[%scan3A_46, %dma_wait3A_106] : memref<78x128xi32, #tpu.memory_space<hbm>> -> memref<1x128xi32, #tpu.memory_space<hbm>>
        tpu.wait_dma2 semaphore(%arg21 : memref<!tpu.dma_semaphore, #tpu.memory_space<semaphore_mem>>) src(%dma_wait3A_107 : memref<1x128xi32, #tpu.memory_space<hbm>>) dst(%arg11 : memref<1x128xi32, #tpu.memory_space<vmem>>)
        %run_scoped3A = arith.constant 0 : i32
        "tpu.region"() ({
          %run_scoped3A_108 = tpu.sem_alloc : memref<!tpu.dma_semaphore, #tpu.memory_space<semaphore_mem>>
          %dma_start3A_109 = arith.constant 0 : i32
          %dma_start3A_110 = tpu.memref_slice %arg11[%run_scoped3A, %dma_start3A_109] : memref<1x128xi32, #tpu.memory_space<vmem>> -> memref<1x128xi32, #tpu.memory_space<vmem>>
          %dma_start3A_111 = tpu.memref_squeeze %dma_start3A_110 : memref<1x128xi32, #tpu.memory_space<vmem>> -> memref<128xi32, #tpu.memory_space<vmem>>
          %dma_start3A_112 = arith.constant 0 : i32
          %dma_start3A_113 = arith.constant 0 : i32
          %dma_start3A_114 = tpu.memref_slice %arg17[%dma_start3A_112, %dma_start3A_113] : memref<10000x128xf32, #tpu.memory_space<vmem_shared>> -> memref<10000x128xf32, #tpu.memory_space<vmem_shared>>
          tpu.enqueue_indirect_dma source(%arg13 : memref<128x128xf32, #tpu.memory_space<vmem>>) target(%dma_start3A_114 : memref<10000x128xf32, #tpu.memory_space<vmem_shared>>) offsets(%dma_start3A_111 : memref<128xi32, #tpu.memory_space<vmem>>) semaphore(%run_scoped3A_108 : memref<!tpu.dma_semaphore, #tpu.memory_space<semaphore_mem>>) {add = true}
          %dma_wait3A_115 = arith.constant 0 : i32
          %dma_wait3A_116 = tpu.memref_slice %arg11[%run_scoped3A, %dma_wait3A_115] : memref<1x128xi32, #tpu.memory_space<vmem>> -> memref<1x128xi32, #tpu.memory_space<vmem>>
          %dma_wait3A_117 = tpu.memref_squeeze %dma_wait3A_116 : memref<1x128xi32, #tpu.memory_space<vmem>> -> memref<128xi32, #tpu.memory_space<vmem>>
          %dma_wait3A_118 = arith.constant 0 : i32
          %dma_wait3A_119 = arith.constant 0 : i32
          %dma_wait3A_120 = tpu.memref_slice %arg17[%dma_wait3A_118, %dma_wait3A_119] : memref<10000x128xf32, #tpu.memory_space<vmem_shared>> -> memref<10000x128xf32, #tpu.memory_space<vmem_shared>>
          tpu.wait_indirect_dma semaphore(%run_scoped3A_108 : memref<!tpu.dma_semaphore, #tpu.memory_space<semaphore_mem>>) src(%arg13 : memref<128x128xf32, #tpu.memory_space<vmem>>) dst(%dma_wait3A_120 : memref<10000x128xf32, #tpu.memory_space<vmem_shared>>)
          tpu.yield
        }) : () -> ()
      } else {
      }
    }
    %scan3A_39 = arith.constant 78 : i32
    %barrier3A_40 = arith.constant 0 : index
    tpu.barrier barrier_id(%barrier3A_40)
    "tpu.region"() ({
      %run_scoped3A = tpu.sem_alloc : memref<!tpu.dma_semaphore, #tpu.memory_space<semaphore_mem>>
      %dma_start3A_46 = arith.constant 0 : i32
      %dma_start3A_47 = arith.constant 0 : i32
      %dma_start3A_48 = tpu.memref_slice %arg8[%arg0, %dma_start3A_46, %dma_start3A_47] : memref<2x10000x128xf32, #tpu.memory_space<hbm>> -> memref<1x10000x128xf32, #tpu.memory_space<hbm>>
      %dma_start3A_49 = tpu.memref_squeeze %dma_start3A_48 : memref<1x10000x128xf32, #tpu.memory_space<hbm>> -> memref<10000x128xf32, #tpu.memory_space<hbm>>
      %dma_start3A_50 = arith.constant 0 : i32
      %dma_start3A_51 = tpu.memref_slice %dma_start3A_49[%mul3A_2, %dma_start3A_50] : memref<10000x128xf32, #tpu.memory_space<hbm>> -> memref<624x128xf32, #tpu.memory_space<hbm>>
      %dma_start3A_52 = arith.constant 0 : i32
      %dma_start3A_53 = tpu.memref_slice %arg17[%mul3A_2, %dma_start3A_52] : memref<10000x128xf32, #tpu.memory_space<vmem_shared>> -> memref<624x128xf32, #tpu.memory_space<vmem_shared>>
      tpu.enqueue_dma source(%dma_start3A_53 : memref<624x128xf32, #tpu.memory_space<vmem_shared>>) target(%dma_start3A_51 : memref<624x128xf32, #tpu.memory_space<hbm>>) target_semaphore(%run_scoped3A : memref<!tpu.dma_semaphore, #tpu.memory_space<semaphore_mem>>)
      %dma_wait3A_54 = arith.constant 0 : i32
      %dma_wait3A_55 = arith.constant 0 : i32
      %dma_wait3A_56 = tpu.memref_slice %arg8[%arg0, %dma_wait3A_54, %dma_wait3A_55] : memref<2x10000x128xf32, #tpu.memory_space<hbm>> -> memref<1x10000x128xf32, #tpu.memory_space<hbm>>
      %dma_wait3A_57 = tpu.memref_squeeze %dma_wait3A_56 : memref<1x10000x128xf32, #tpu.memory_space<hbm>> -> memref<10000x128xf32, #tpu.memory_space<hbm>>
      %dma_wait3A_58 = arith.constant 0 : i32
      %dma_wait3A_59 = tpu.memref_slice %dma_wait3A_57[%mul3A_2, %dma_wait3A_58] : memref<10000x128xf32, #tpu.memory_space<hbm>> -> memref<624x128xf32, #tpu.memory_space<hbm>>
      %dma_wait3A_60 = arith.constant 0 : i32
      %dma_wait3A_61 = tpu.memref_slice %arg17[%mul3A_2, %dma_wait3A_60] : memref<10000x128xf32, #tpu.memory_space<vmem_shared>> -> memref<624x128xf32, #tpu.memory_space<vmem_shared>>
      tpu.wait_dma2 semaphore(%run_scoped3A : memref<!tpu.dma_semaphore, #tpu.memory_space<semaphore_mem>>) src(%dma_wait3A_61 : memref<624x128xf32, #tpu.memory_space<vmem_shared>>) dst(%dma_wait3A_59 : memref<624x128xf32, #tpu.memory_space<hbm>>)
      tpu.yield
    }) : () -> ()
    %eq3A_41 = arith.constant 15 : i32
    %eq3A_42 = arith.cmpi eq, %arg1, %eq3A_41 : i32
    %convert_element_type3A_43 = arith.extui %eq3A_42 : i1 to i32
    %cond3A_44 = arith.constant 0 : i32
    %cond3A_45 = arith.cmpi ne, %convert_element_type3A_43, %cond3A_44 : i32
    scf.if %cond3A_45 {
      "tpu.region"() ({
        %run_scoped3A = tpu.sem_alloc : memref<!tpu.dma_semaphore, #tpu.memory_space<semaphore_mem>>
        %dma_start3A_46 = arith.constant 0 : i32
        %dma_start3A_47 = arith.constant 0 : i32
        %dma_start3A_48 = tpu.memref_slice %arg8[%arg0, %dma_start3A_46, %dma_start3A_47] : memref<2x10000x128xf32, #tpu.memory_space<hbm>> -> memref<1x10000x128xf32, #tpu.memory_space<hbm>>
        %dma_start3A_49 = tpu.memref_squeeze %dma_start3A_48 : memref<1x10000x128xf32, #tpu.memory_space<hbm>> -> memref<10000x128xf32, #tpu.memory_space<hbm>>
        %dma_start3A_50 = arith.constant 9984 : i32
        %dma_start3A_51 = arith.constant 0 : i32
        %dma_start3A_52 = tpu.memref_slice %dma_start3A_49[%dma_start3A_50, %dma_start3A_51] : memref<10000x128xf32, #tpu.memory_space<hbm>> -> memref<16x128xf32, #tpu.memory_space<hbm>>
        %dma_start3A_53 = arith.constant 9984 : i32
        %dma_start3A_54 = arith.constant 0 : i32
        %dma_start3A_55 = tpu.memref_slice %arg17[%dma_start3A_53, %dma_start3A_54] : memref<10000x128xf32, #tpu.memory_space<vmem_shared>> -> memref<16x128xf32, #tpu.memory_space<vmem_shared>>
        tpu.enqueue_dma source(%dma_start3A_55 : memref<16x128xf32, #tpu.memory_space<vmem_shared>>) target(%dma_start3A_52 : memref<16x128xf32, #tpu.memory_space<hbm>>) target_semaphore(%run_scoped3A : memref<!tpu.dma_semaphore, #tpu.memory_space<semaphore_mem>>)
        %dma_wait3A_56 = arith.constant 0 : i32
        %dma_wait3A_57 = arith.constant 0 : i32
        %dma_wait3A_58 = tpu.memref_slice %arg8[%arg0, %dma_wait3A_56, %dma_wait3A_57] : memref<2x10000x128xf32, #tpu.memory_space<hbm>> -> memref<1x10000x128xf32, #tpu.memory_space<hbm>>
        %dma_wait3A_59 = tpu.memref_squeeze %dma_wait3A_58 : memref<1x10000x128xf32, #tpu.memory_space<hbm>> -> memref<10000x128xf32, #tpu.memory_space<hbm>>
        %dma_wait3A_60 = arith.constant 9984 : i32
        %dma_wait3A_61 = arith.constant 0 : i32
        %dma_wait3A_62 = tpu.memref_slice %dma_wait3A_59[%dma_wait3A_60, %dma_wait3A_61] : memref<10000x128xf32, #tpu.memory_space<hbm>> -> memref<16x128xf32, #tpu.memory_space<hbm>>
        %dma_wait3A_63 = arith.constant 9984 : i32
        %dma_wait3A_64 = arith.constant 0 : i32
        %dma_wait3A_65 = tpu.memref_slice %arg17[%dma_wait3A_63, %dma_wait3A_64] : memref<10000x128xf32, #tpu.memory_space<vmem_shared>> -> memref<16x128xf32, #tpu.memory_space<vmem_shared>>
        tpu.wait_dma2 semaphore(%run_scoped3A : memref<!tpu.dma_semaphore, #tpu.memory_space<semaphore_mem>>) src(%dma_wait3A_65 : memref<16x128xf32, #tpu.memory_space<vmem_shared>>) dst(%dma_wait3A_62 : memref<16x128xf32, #tpu.memory_space<hbm>>)
        tpu.yield
      }) : () -> ()
    } else {
    }
    return
  }
}

module attributes {stable_mosaic.version = 14 : i64} {
  func.func @_linear_stats_body(%arg0: i32, %arg1: memref<2x1000x128xf32, #tpu.memory_space<vmem>>, %arg2: memref<128x128xf32, #tpu.memory_space<vmem>>, %arg3: memref<1x128xf32, #tpu.memory_space<vmem>>, %arg4: memref<1000x128xf32, #tpu.memory_space<vmem>>, %arg5: memref<2x128xf32, #tpu.memory_space<vmem>>, %arg6: memref<1x128xf32, #tpu.memory_space<vmem>>, %arg7: memref<1x128xf32, #tpu.memory_space<vmem>>) attributes {dimension_semantics = [#tpu.dimension_semantics<arbitrary>], iteration_bounds = array<i64: 10>, scalar_prefetch = 0 : i64, scratch_operands = 2 : i64, tpu.core_type = #tpu.core_type<tc>, window_params = [{transform_indices = @transform_0, window_bounds = array<i64: 2, 1000, 128>}, {pipeline_mode = #tpu.pipeline_mode<synchronous>, transform_indices = @transform_1, window_bounds = array<i64: 128, 128>}, {pipeline_mode = #tpu.pipeline_mode<synchronous>, transform_indices = @transform_2, window_bounds = array<i64: 1, 128>}, {transform_indices = @transform_3, window_bounds = array<i64: 1000, 128>}, {pipeline_mode = #tpu.pipeline_mode<synchronous>, transform_indices = @transform_4, window_bounds = array<i64: 2, 128>}]} {
    %get3A = arith.constant 0 : index
    %get3A_0 = arith.constant 0 : index
    %get3A_1 = arith.constant 0 : index
    %get3A_2 = vector.load %arg1[%get3A, %get3A_0, %get3A_1] : memref<2x1000x128xf32, #tpu.memory_space<vmem>>, vector<1x1000x128xf32>
    %get3A_3 = vector.shape_cast %get3A_2 : vector<1x1000x128xf32> to vector<1000x128xf32>
    %get3A_4 = arith.constant 1 : index
    %get3A_5 = arith.constant 0 : index
    %get3A_6 = arith.constant 0 : index
    %get3A_7 = vector.load %arg1[%get3A_4, %get3A_5, %get3A_6] : memref<2x1000x128xf32, #tpu.memory_space<vmem>>, vector<1x1000x128xf32>
    %get3A_8 = vector.shape_cast %get3A_7 : vector<1x1000x128xf32> to vector<1000x128xf32>
    %add3A = arith.addf %get3A_3, %get3A_8 : vector<1000x128xf32>
    %get3A_9 = arith.constant 0 : index
    %get3A_10 = arith.constant 0 : index
    %get3A_11 = vector.load %arg2[%get3A_9, %get3A_10] : memref<128x128xf32, #tpu.memory_space<vmem>>, vector<128x128xf32>
    %dot_general3A = arith.constant dense<0.000000e+00> : vector<1000x128xf32>
    %dot_general3A_12 = tpu.matmul %add3A, %get3A_11, %dot_general3A {dimension_numbers = #tpu.dot_dimension_numbers<[1], [1], [0], [0], [0, 0, 1, 0], [], []>, transpose_lhs_hint = false} : vector<1000x128xf32>, vector<128x128xf32>, vector<1000x128xf32> -> vector<1000x128xf32>
    %get3A_13 = arith.constant 0 : index
    %get3A_14 = arith.constant 0 : index
    %get3A_15 = vector.load %arg3[%get3A_13, %get3A_14] : memref<1x128xf32, #tpu.memory_space<vmem>>, vector<1x128xf32>
    %add3A_16 = vector.broadcast %get3A_15 : vector<1x128xf32> to vector<1000x128xf32>
    %add3A_17 = arith.addf %dot_general3A_12, %add3A_16 : vector<1000x128xf32>
    %swap3A = arith.constant 0 : index
    %swap3A_18 = arith.constant 0 : index
    %swap3A_19 = vector.load %arg4[%swap3A, %swap3A_18] : memref<1000x128xf32, #tpu.memory_space<vmem>>, vector<1000x128xf32>
    tpu.vector_store %arg4[%swap3A, %swap3A_18], %add3A_17 {strides = array<i32>} : memref<1000x128xf32, #tpu.memory_space<vmem>>, vector<1000x128xf32>,
    %eq3A = arith.constant 0 : i32
    %eq3A_20 = arith.cmpi eq, %arg0, %eq3A : i32
    %convert_element_type3A = arith.extui %eq3A_20 : i1 to i32
    %cond3A = arith.constant 0 : i32
    %cond3A_21 = arith.cmpi ne, %convert_element_type3A, %cond3A : i32
    scf.if %cond3A_21 {
      %broadcast_in_dim3A_45 = arith.constant 0.000000e+00 : f32
      %broadcast_in_dim3A_46 = vector.broadcast %broadcast_in_dim3A_45 : f32 to vector<1x128xf32>
      %swap3A_47 = arith.constant 0 : index
      %swap3A_48 = arith.constant 0 : index
      %swap3A_49 = vector.load %arg6[%swap3A_47, %swap3A_48] : memref<1x128xf32, #tpu.memory_space<vmem>>, vector<1x128xf32>
      tpu.vector_store %arg6[%swap3A_47, %swap3A_48], %broadcast_in_dim3A_46 {strides = array<i32>} : memref<1x128xf32, #tpu.memory_space<vmem>>, vector<1x128xf32>,
      %broadcast_in_dim3A_50 = arith.constant 0.000000e+00 : f32
      %broadcast_in_dim3A_51 = vector.broadcast %broadcast_in_dim3A_50 : f32 to vector<1x128xf32>
      %swap3A_52 = arith.constant 0 : index
      %swap3A_53 = arith.constant 0 : index
      %swap3A_54 = vector.load %arg7[%swap3A_52, %swap3A_53] : memref<1x128xf32, #tpu.memory_space<vmem>>, vector<1x128xf32>
      tpu.vector_store %arg7[%swap3A_52, %swap3A_53], %broadcast_in_dim3A_51 {strides = array<i32>} : memref<1x128xf32, #tpu.memory_space<vmem>>, vector<1x128xf32>,
    } else {
    }
    %get3A_22 = arith.constant 0 : index
    %get3A_23 = arith.constant 0 : index
    %get3A_24 = vector.load %arg6[%get3A_22, %get3A_23] : memref<1x128xf32, #tpu.memory_space<vmem>>, vector<1x128xf32>
    %reduce_sum3A = arith.constant dense<0.000000e+00> : vector<128xf32>
    %reduce_sum3A_25 = vector.multi_reduction <add>, %add3A_17, %reduce_sum3A [0] : vector<1000x128xf32> to vector<128xf32>
    %broadcast_in_dim3A = vector.shape_cast %reduce_sum3A_25 : vector<128xf32> to vector<1x128xf32>
    %add3A_26 = arith.addf %get3A_24, %broadcast_in_dim3A : vector<1x128xf32>
    %swap3A_27 = arith.constant 0 : index
    %swap3A_28 = arith.constant 0 : index
    %swap3A_29 = vector.load %arg6[%swap3A_27, %swap3A_28] : memref<1x128xf32, #tpu.memory_space<vmem>>, vector<1x128xf32>
    tpu.vector_store %arg6[%swap3A_27, %swap3A_28], %add3A_26 {strides = array<i32>} : memref<1x128xf32, #tpu.memory_space<vmem>>, vector<1x128xf32>,
    %get3A_30 = arith.constant 0 : index
    %get3A_31 = arith.constant 0 : index
    %get3A_32 = vector.load %arg7[%get3A_30, %get3A_31] : memref<1x128xf32, #tpu.memory_space<vmem>>, vector<1x128xf32>
    %mul3A = arith.mulf %add3A_17, %add3A_17 : vector<1000x128xf32>
    %reduce_sum3A_33 = arith.constant dense<0.000000e+00> : vector<128xf32>
    %reduce_sum3A_34 = vector.multi_reduction <add>, %mul3A, %reduce_sum3A_33 [0] : vector<1000x128xf32> to vector<128xf32>
    %broadcast_in_dim3A_35 = vector.shape_cast %reduce_sum3A_34 : vector<128xf32> to vector<1x128xf32>
    %add3A_36 = arith.addf %get3A_32, %broadcast_in_dim3A_35 : vector<1x128xf32>
    %swap3A_37 = arith.constant 0 : index
    %swap3A_38 = arith.constant 0 : index
    %swap3A_39 = vector.load %arg7[%swap3A_37, %swap3A_38] : memref<1x128xf32, #tpu.memory_space<vmem>>, vector<1x128xf32>
    tpu.vector_store %arg7[%swap3A_37, %swap3A_38], %add3A_36 {strides = array<i32>} : memref<1x128xf32, #tpu.memory_space<vmem>>, vector<1x128xf32>,
    %eq3A_40 = arith.constant 9 : i32
    %eq3A_41 = arith.cmpi eq, %arg0, %eq3A_40 : i32
    %convert_element_type3A_42 = arith.extui %eq3A_41 : i1 to i32
    %cond3A_43 = arith.constant 0 : i32
    %cond3A_44 = arith.cmpi ne, %convert_element_type3A_42, %cond3A_43 : i32
    scf.if %cond3A_44 {
      %get3A_45 = arith.constant 0 : index
      %get3A_46 = arith.constant 0 : index
      %get3A_47 = vector.load %arg6[%get3A_45, %get3A_46] : memref<1x128xf32, #tpu.memory_space<vmem>>, vector<1x128xf32>
      %div3A = arith.constant 1.000000e+04 : f32
      %div3A_48 = vector.broadcast %div3A : f32 to vector<1x128xf32>
      %div3A_49 = arith.divf %get3A_47, %div3A_48 : vector<1x128xf32>
      %get3A_50 = arith.constant 0 : index
      %get3A_51 = arith.constant 0 : index
      %get3A_52 = vector.load %arg7[%get3A_50, %get3A_51] : memref<1x128xf32, #tpu.memory_space<vmem>>, vector<1x128xf32>
      %div3A_53 = arith.constant 1.000000e+04 : f32
      %div3A_54 = vector.broadcast %div3A_53 : f32 to vector<1x128xf32>
      %div3A_55 = arith.divf %get3A_52, %div3A_54 : vector<1x128xf32>
      %mul3A_56 = arith.mulf %div3A_49, %div3A_49 : vector<1x128xf32>
      %sub3A = arith.subf %div3A_55, %mul3A_56 : vector<1x128xf32>
      %add3A_57 = arith.constant 9.99999974E-6 : f32
      %add3A_58 = vector.broadcast %add3A_57 : f32 to vector<1x128xf32>
      %add3A_59 = arith.addf %sub3A, %add3A_58 : vector<1x128xf32>
      %rsqrt3A = math.rsqrt %add3A_59 : vector<1x128xf32>
      %concatenate3A = tpu.concatenate %div3A_49, %rsqrt3A in 0 : vector<1x128xf32>, vector<1x128xf32> -> vector<2x128xf32>
      %swap3A_60 = arith.constant 0 : index
      %swap3A_61 = arith.constant 0 : index
      %swap3A_62 = vector.load %arg5[%swap3A_60, %swap3A_61] : memref<2x128xf32, #tpu.memory_space<vmem>>, vector<2x128xf32>
      tpu.vector_store %arg5[%swap3A_60, %swap3A_61], %concatenate3A {strides = array<i32>} : memref<2x128xf32, #tpu.memory_space<vmem>>, vector<2x128xf32>,
    } else {
    }
    return
  }
  func.func @transform_0(%arg0: i32) -> (i32, i32, i32) {
    %c0_i32 = arith.constant 0 : i32
    %c0_i32_0 = arith.constant 0 : i32
    %c0_i32_1 = arith.constant 0 : i32
    return %c0_i32, %arg0, %c0_i32_0 : i32, i32, i32
  }
  func.func @transform_1(%arg0: i32) -> (i32, i32) {
    %c0_i32 = arith.constant 0 : i32
    %c0_i32_0 = arith.constant 0 : i32
    %c0_i32_1 = arith.constant 0 : i32
    return %c0_i32, %c0_i32_0 : i32, i32
  }
  func.func @transform_2(%arg0: i32) -> (i32, i32) {
    %c0_i32 = arith.constant 0 : i32
    %c0_i32_0 = arith.constant 0 : i32
    %c0_i32_1 = arith.constant 0 : i32
    return %c0_i32, %c0_i32_0 : i32, i32
  }
  func.func @transform_3(%arg0: i32) -> (i32, i32) {
    %c0_i32 = arith.constant 0 : i32
    %c0_i32_0 = arith.constant 0 : i32
    return %arg0, %c0_i32 : i32, i32
  }
  func.func @transform_4(%arg0: i32) -> (i32, i32) {
    %c0_i32 = arith.constant 0 : i32
    %c0_i32_0 = arith.constant 0 : i32
    %c0_i32_1 = arith.constant 0 : i32
    return %c0_i32, %c0_i32_0 : i32, i32
  }
}

module attributes {stable_mosaic.version = 14 : i64} {
  func.func @_bn_relu_body(%arg0: i32, %arg1: memref<1000x128xf32, #tpu.memory_space<vmem>>, %arg2: memref<2x128xf32, #tpu.memory_space<vmem>>, %arg3: memref<1000x128xf32, #tpu.memory_space<vmem>>) attributes {dimension_semantics = [#tpu.dimension_semantics<arbitrary>], iteration_bounds = array<i64: 10>, scalar_prefetch = 0 : i64, scratch_operands = 0 : i64, tpu.core_type = #tpu.core_type<tc>, window_params = [{transform_indices = @transform_0, window_bounds = array<i64: 1000, 128>}, {pipeline_mode = #tpu.pipeline_mode<synchronous>, transform_indices = @transform_1, window_bounds = array<i64: 2, 128>}, {transform_indices = @transform_2, window_bounds = array<i64: 1000, 128>}]} {
    %get3A = arith.constant 0 : index
    %get3A_0 = arith.constant 0 : index
    %get3A_1 = vector.load %arg2[%get3A, %get3A_0] : memref<2x128xf32, #tpu.memory_space<vmem>>, vector<1x128xf32>
    %get3A_2 = arith.constant 1 : index
    %get3A_3 = arith.constant 0 : index
    %get3A_4 = vector.load %arg2[%get3A_2, %get3A_3] : memref<2x128xf32, #tpu.memory_space<vmem>>, vector<1x128xf32>
    %get3A_5 = arith.constant 0 : index
    %get3A_6 = arith.constant 0 : index
    %get3A_7 = vector.load %arg1[%get3A_5, %get3A_6] : memref<1000x128xf32, #tpu.memory_space<vmem>>, vector<1000x128xf32>
    %sub3A = vector.broadcast %get3A_1 : vector<1x128xf32> to vector<1000x128xf32>
    %sub3A_8 = arith.subf %get3A_7, %sub3A : vector<1000x128xf32>
    %mul3A = vector.broadcast %get3A_4 : vector<1x128xf32> to vector<1000x128xf32>
    %mul3A_9 = arith.mulf %sub3A_8, %mul3A : vector<1000x128xf32>
    %max3A = arith.constant 0.000000e+00 : f32
    %max3A_10 = vector.broadcast %max3A : f32 to vector<1000x128xf32>
    %max3A_11 = arith.maximumf %mul3A_9, %max3A_10 : vector<1000x128xf32>
    %swap3A = arith.constant 0 : index
    %swap3A_12 = arith.constant 0 : index
    %swap3A_13 = vector.load %arg3[%swap3A, %swap3A_12] : memref<1000x128xf32, #tpu.memory_space<vmem>>, vector<1000x128xf32>
    tpu.vector_store %arg3[%swap3A, %swap3A_12], %max3A_11 {strides = array<i32>} : memref<1000x128xf32, #tpu.memory_space<vmem>>, vector<1000x128xf32>,
    return
  }
  func.func @transform_0(%arg0: i32) -> (i32, i32) {
    %c0_i32 = arith.constant 0 : i32
    %c0_i32_0 = arith.constant 0 : i32
    return %arg0, %c0_i32 : i32, i32
  }
  func.func @transform_1(%arg0: i32) -> (i32, i32) {
    %c0_i32 = arith.constant 0 : i32
    %c0_i32_0 = arith.constant 0 : i32
    %c0_i32_1 = arith.constant 0 : i32
    return %c0_i32, %c0_i32_0 : i32, i32
  }
  func.func @transform_2(%arg0: i32) -> (i32, i32) {
    %c0_i32 = arith.constant 0 : i32
    %c0_i32_0 = arith.constant 0 : i32
    return %arg0, %c0_i32 : i32, i32
  }
}

module attributes {stable_mosaic.version = 14 : i64} {
  func.func @_final_body(%arg0: i32, %arg1: memref<1000x128xf32, #tpu.memory_space<vmem>>, %arg2: memref<2x128xf32, #tpu.memory_space<vmem>>, %arg3: memref<64x128xf32, #tpu.memory_space<vmem>>, %arg4: memref<1x64xf32, #tpu.memory_space<vmem>>, %arg5: memref<1000x64xf32, #tpu.memory_space<vmem>>) attributes {dimension_semantics = [#tpu.dimension_semantics<arbitrary>], iteration_bounds = array<i64: 10>, scalar_prefetch = 0 : i64, scratch_operands = 0 : i64, tpu.core_type = #tpu.core_type<tc>, window_params = [{transform_indices = @transform_0, window_bounds = array<i64: 1000, 128>}, {pipeline_mode = #tpu.pipeline_mode<synchronous>, transform_indices = @transform_1, window_bounds = array<i64: 2, 128>}, {pipeline_mode = #tpu.pipeline_mode<synchronous>, transform_indices = @transform_2, window_bounds = array<i64: 64, 128>}, {pipeline_mode = #tpu.pipeline_mode<synchronous>, transform_indices = @transform_3, window_bounds = array<i64: 1, 64>}, {transform_indices = @transform_4, window_bounds = array<i64: 1000, 64>}]} {
    %get3A = arith.constant 0 : index
    %get3A_0 = arith.constant 0 : index
    %get3A_1 = vector.load %arg2[%get3A, %get3A_0] : memref<2x128xf32, #tpu.memory_space<vmem>>, vector<1x128xf32>
    %get3A_2 = arith.constant 1 : index
    %get3A_3 = arith.constant 0 : index
    %get3A_4 = vector.load %arg2[%get3A_2, %get3A_3] : memref<2x128xf32, #tpu.memory_space<vmem>>, vector<1x128xf32>
    %get3A_5 = arith.constant 0 : index
    %get3A_6 = arith.constant 0 : index
    %get3A_7 = vector.load %arg1[%get3A_5, %get3A_6] : memref<1000x128xf32, #tpu.memory_space<vmem>>, vector<1000x128xf32>
    %sub3A = vector.broadcast %get3A_1 : vector<1x128xf32> to vector<1000x128xf32>
    %sub3A_8 = arith.subf %get3A_7, %sub3A : vector<1000x128xf32>
    %mul3A = vector.broadcast %get3A_4 : vector<1x128xf32> to vector<1000x128xf32>
    %mul3A_9 = arith.mulf %sub3A_8, %mul3A : vector<1000x128xf32>
    %max3A = arith.constant 0.000000e+00 : f32
    %max3A_10 = vector.broadcast %max3A : f32 to vector<1000x128xf32>
    %max3A_11 = arith.maximumf %mul3A_9, %max3A_10 : vector<1000x128xf32>
    %get3A_12 = arith.constant 0 : index
    %get3A_13 = arith.constant 0 : index
    %get3A_14 = vector.load %arg3[%get3A_12, %get3A_13] : memref<64x128xf32, #tpu.memory_space<vmem>>, vector<64x128xf32>
    %dot_general3A = arith.constant dense<0.000000e+00> : vector<1000x64xf32>
    %dot_general3A_15 = tpu.matmul %max3A_11, %get3A_14, %dot_general3A {dimension_numbers = #tpu.dot_dimension_numbers<[1], [1], [0], [0], [0, 0, 1, 0], [], []>, transpose_lhs_hint = false} : vector<1000x128xf32>, vector<64x128xf32>, vector<1000x64xf32> -> vector<1000x64xf32>
    %get3A_16 = arith.constant 0 : index
    %get3A_17 = arith.constant 0 : index
    %get3A_18 = vector.load %arg4[%get3A_16, %get3A_17] : memref<1x64xf32, #tpu.memory_space<vmem>>, vector<1x64xf32>
    %add3A = vector.broadcast %get3A_18 : vector<1x64xf32> to vector<1000x64xf32>
    %add3A_19 = arith.addf %dot_general3A_15, %add3A : vector<1000x64xf32>
    %swap3A = arith.constant 0 : index
    %swap3A_20 = arith.constant 0 : index
    %swap3A_21 = vector.load %arg5[%swap3A, %swap3A_20] : memref<1000x64xf32, #tpu.memory_space<vmem>>, vector<1000x64xf32>
    tpu.vector_store %arg5[%swap3A, %swap3A_20], %add3A_19 {strides = array<i32>} : memref<1000x64xf32, #tpu.memory_space<vmem>>, vector<1000x64xf32>,
    return
  }
  func.func @transform_0(%arg0: i32) -> (i32, i32) {
    %c0_i32 = arith.constant 0 : i32
    %c0_i32_0 = arith.constant 0 : i32
    return %arg0, %c0_i32 : i32, i32
  }
  func.func @transform_1(%arg0: i32) -> (i32, i32) {
    %c0_i32 = arith.constant 0 : i32
    %c0_i32_0 = arith.constant 0 : i32
    %c0_i32_1 = arith.constant 0 : i32
    return %c0_i32, %c0_i32_0 : i32, i32
  }
  func.func @transform_2(%arg0: i32) -> (i32, i32) {
    %c0_i32 = arith.constant 0 : i32
    %c0_i32_0 = arith.constant 0 : i32
    %c0_i32_1 = arith.constant 0 : i32
    return %c0_i32, %c0_i32_0 : i32, i32
  }
  func.func @transform_3(%arg0: i32) -> (i32, i32) {
    %c0_i32 = arith.constant 0 : i32
    %c0_i32_0 = arith.constant 0 : i32
    %c0_i32_1 = arith.constant 0 : i32
    return %c0_i32, %c0_i32_0 : i32, i32
  }
  func.func @transform_4(%arg0: i32) -> (i32, i32) {
    %c0_i32 = arith.constant 0 : i32
    %c0_i32_0 = arith.constant 0 : i32
    return %arg0, %c0_i32 : i32, i32
  }
}

</mosaic_0001>

<sc_bundles>
// kernel: kernel.11.cloned.1.call-start
scs
__scs_entry_jumppad:
0x0: {  	(pc) =	sbr.rel $0x88, $3  }
0x1: {  	(tag) =	ssettag $0x0;
	lr =	simm.s32 $0x1  }
0x2: {  	[smem:$0x3F97] =	sst lr;
	_ =	strace $0xD0000000  }
0x3: {  	_ = 	snop  }
0x4: {  	_ = 	snop  }
0x5: {  	_ = 	snop  }
0x6: {  	_ = 	snop  }
0x7: {  	_ = 	snop  }
__scs_overlays_trampoline_lowered:
0x8: {  	[smem:$0x3FA6] =	sst s0  }
0x9: {  	[smem:$0x3FA7] =	sst s1  }
0xa: {  	[smem:$0x3FA8] =	sst s2  }
0xb: {  	[smem:$0x3FA9] =	sst s3  }
0xc: {  	[smem:$0x3FAA] =	sst s4  }
0xd: {  	[smem:$0x3FAB] =	sst s5  }
0xe: {  	[smem:$0x3FAC] =	sst s6  }
0xf: {  	[smem:$0x3FAD] =	sst s7  }
0x10: {  	[smem:$0x3FAE] =	sst s8  }
0x11: {  	[smem:$0x3FAF] =	sst s9;
	s0 =	simm.s32 @!p0 $0x0  }
0x12: {  	s1 =	sld [smem:$0x3F95];
	s0 =	simm.s32 @p0 $0x1  }
0x13: {  	[smem:$0x3FB0] =	sst s0;
	s0 =	simm.s32 @!p1 $0x0  }
0x14: {  	s2 =	sld [smem:$0x3F94];
	s0 =	simm.s32 @p1 $0x1  }
0x15: {  	[smem:$0x3FB1] =	sst s0;
	s0 =	simm.s32 @!p2 $0x0  }
0x16: {  	s3 =	sld [smem:$0x3FDB];
	s0 =	simm.s32 @p2 $0x1  }
0x17: {  	s4 =	simm.s32 $0x1BF5;
	[smem:$0x3FB3] =	sst s0  }
0x18: {  	s0 =	sld [smem:$0x3F96];
	_ =	swait.ge [sflag:s4], $0x0  }
0x19: {  	s7 =	sld [smem:$0x3F97]  }
0x1a: {  	s8 =	sadd.s32 $0xFFFFE003, lr  }
0x1b: {  	s9 =	sadd.s32 $0xFFFFFEF7, lr;
	s5 =	simm.s32 $0xFFFFFFFF;
	p2 =	slt.u32 s8, $0xFFFFF086  }
0x1c: {  	p1 =	slt.u32 s9, $0xF7A;
	s5 =	simm.s32 @!p2 $0x0  }
0x1d: {  	s5 =	simm.s32 @p1 $0x1;
	p0 =	seq.s32 s7, s2  }
0x1e: {  	s7 =	smul.u32 @!p0 $0xF7A, s2;
	p2 =	seq.s32 @!p0 s5, $0x0  }
0x1f: {  	s9 =	smul.u32 $0xF7A, s1;
	s8 =	simm.s32 @!p0 $0x1BF5;
	p2 =	por !p2, p0  }
0x20: {  	[sflag:s8] =	ssyncset.s32 @!p0 $0xFFFFF086;
	s6 =	sadd.s32 @!p0 s3, s7;
	s7 =	simm.s32 @!p0 $0x108  }
0x21: {  	s3 =	sadd.s32 s3, s9;
	s6 =	sadd.s32 @!p0 $0x88, s6;
	s7 =	simm.s32 @p2 $0x1082  }
0x22: {  	[simem:s7], [sflag:s8] =	dma.local @!p0 [hbm:s6], $0xF7A  }
0x23: {  	s9 =	sor.u32 $0xD0000000, s2;
	s6 =	simm.s32 $0x108;
	_ =	swait.ge @!p0 [sflag:s8], $0x0  }
0x24: {  	s3 =	sadd.s32 $0x88, s3;
	s6 =	simm.s32 @!p1 $0x1082;
	[sflag:s4] =	ssyncset.s32 $0xFFFFF086  }
0x25: {  	[simem:s6], [sflag:s4] =	dma.local [hbm:s3], $0xF7A  }
0x26: {  	[smem:$0x3F97] =	sst s1;
	(tag) =	ssettag s2;
	_ =	strace s9  }
0x27: {  	s1 =	sld [smem:$0x3FA7]  }
0x28: {  	s2 =	sld [smem:$0x3FA8]  }
0x29: {  	s4 =	sld [smem:$0x3FAA]  }
0x2a: {  	p0 =	seq.s32 s5, $0x0;
	s5 =	sld [smem:$0x3FAB]  }
0x2b: {  	s6 =	sld [smem:$0x3FAC]  }
0x2c: {  	s7 =	sld [smem:$0x3FAD]  }
0x2d: {  	s3 =	simm.s32 $0x108;
	s8 =	sld [smem:$0x3FAE]  }
0x2e: {  	s3 =	simm.s32 @!p0 $0x1082;
	s9 =	sld [smem:$0x3FAF]  }
0x2f: {  	lr =	sadd.s32 s0, s3;
	s0 =	sld [smem:$0x3FA6]  }
0x30: {  	s3 =	sld [smem:$0x3FA9]  }
0x31: {  	[smem:$0x3FB2] =	sst s10  }
0x32: {  	s10 =	sld [smem:$0x3FB0];
	_ =	sdelay $0x3  }
0x33: {  	p0 =	seq.s32 s10, $0x1;
	s10 =	sld [smem:$0x3FB2];
	_ =	sdelay $0x3  }
0x34: {  	[smem:$0x3FB2] =	sst s10  }
0x35: {  	s10 =	sld [smem:$0x3FB1];
	_ =	sdelay $0x3  }
0x36: {  	p1 =	seq.s32 s10, $0x1;
	s10 =	sld [smem:$0x3FB2];
	_ =	sdelay $0x3  }
0x37: {  	[smem:$0x3FB2] =	sst s10  }
0x38: {  	s10 =	sld [smem:$0x3FB3]  }
0x39: {  	_ = 	snop;
	(pc) =	sbr.ind lr, $3  }
0x3a: {  	_ = 	snop  }
0x3b: {  	_ = 	snop  }
0x3c: {  	p2 =	seq.s32 s10, $0x1;
	s10 =	sld [smem:$0x3FB2]  }
0x3d: {  	_ =	shalt  }
0x3e: {  	_ =	shalt  }
0x3f: {  	_ =	shalt  }
0x40: {  	_ =	shalt  }
0x41: {  	_ =	shalt  }
0x42: {  	_ =	shalt  }
0x43: {  	_ =	shalt  }
0x44: {  	_ =	shalt  }
0x45: {  	_ =	shalt  }
0x46: {  	_ =	shalt  }
0x47: {  	_ =	shalt  }
0x48: {  	_ =	shalt  }
0x49: {  	_ =	shalt  }
0x4a: {  	_ =	shalt  }
0x4b: {  	_ =	shalt  }
0x4c: {  	_ =	shalt  }
0x4d: {  	_ =	shalt  }
0x4e: {  	_ =	shalt  }
0x4f: {  	_ =	shalt  }
0x50: {  	_ =	shalt  }
0x51: {  	_ =	shalt  }
0x52: {  	_ =	shalt  }
0x53: {  	_ =	shalt  }
0x54: {  	_ =	shalt  }
0x55: {  	_ =	shalt  }
0x56: {  	_ =	shalt  }
0x57: {  	_ =	shalt  }
0x58: {  	_ =	shalt  }
0x59: {  	_ =	shalt  }
0x5a: {  	_ =	shalt  }
0x5b: {  	_ =	shalt  }
0x5c: {  	_ =	shalt  }
0x5d: {  	_ =	shalt  }
0x5e: {  	_ =	shalt  }
0x5f: {  	_ =	shalt  }
0x60: {  	_ =	shalt  }
0x61: {  	_ =	shalt  }
0x62: {  	_ =	shalt  }
0x63: {  	_ =	shalt  }
0x64: {  	_ =	shalt  }
0x65: {  	_ =	shalt  }
0x66: {  	_ =	shalt  }
0x67: {  	_ =	shalt  }
0x68: {  	_ =	shalt  }
0x69: {  	_ =	shalt  }
0x6a: {  	_ =	shalt  }
0x6b: {  	_ =	shalt  }
0x6c: {  	_ =	shalt  }
0x6d: {  	_ =	shalt  }
0x6e: {  	_ =	shalt  }
0x6f: {  	_ =	shalt  }
0x70: {  	_ =	shalt  }
0x71: {  	_ =	shalt  }
0x72: {  	_ =	shalt  }
0x73: {  	_ =	shalt  }
0x74: {  	_ =	shalt  }
0x75: {  	_ =	shalt  }
0x76: {  	_ =	shalt  }
0x77: {  	_ =	shalt  }
0x78: {  	_ =	shalt  }
0x79: {  	_ =	shalt  }
0x7a: {  	_ =	shalt  }
0x7b: {  	_ =	shalt  }
0x7c: {  	_ =	shalt  }
0x7d: {  	_ =	shalt  }
0x7e: {  	_ =	shalt  }
0x7f: {  	_ =	shalt  }
0x80: {  	_ =	shalt  }
0x81: {  	_ =	shalt  }
0x82: {  	_ =	shalt  }
0x83: {  	_ =	shalt  }
0x84: {  	_ =	shalt  }
0x85: {  	_ =	shalt  }
0x86: {  	_ =	shalt  }
0x87: {  	_ =	shalt  }
.Lfunc_end0:
.L_simem_size_0:
called_computation_lowered:
.L_overlay_start_0:
0x88: {  	s2 =	sld [smem:$0x3FD9]  }
0x89: {  	s3 =	sld [smem:$0x3FFE];
	_ =	sdelay $0x1  }
0x8a: {  	s1 =	srdreg.scid  }
0x8b: {  	s0 =	sand.u32 $0x1, s1  }
0x8c: {  	s17 =	sshll.u32 s0, $0xA;
	s2 =	sadd.s32 s3, s2  }
0x8d: {  	s2 =	sadd.s32 s2, s17  }
0x8e: {  	[smem:$0x3FBE] =	sst s2  }
0x8f: {  	_ = 	snop  }
0x90: {  	s2 =	sld [smem:$0x3FC9]  }
0x91: {  	s18 =	sld [smem:$0x3FD0];
	(tm) =	ssettm $0x1  }
0x92: {  	s4 =	sld [smem:$0x3FFB];
	_ =	sdelay $0x3  }
0x93: {  	_ =	strace s4  }
0x94: {  	s4 =	sld [smem:$0x3FFC];
	_ =	sdelay $0x3  }
0x95: {  	_ =	strace s4  }
0x96: {  	s4 =	sld [smem:$0x3FFD];
	_ =	sdelay $0x3  }
0x97: {  	_ =	strace s4  }
0x98: {  	_ =	strace $0x8FFFFFFF  }
0x99: {  	s19 =	sld [smem:$0x3FDB];
	_ =	sdelay $0x1  }
0x9a: {  	s5 =	simm.s32 $_scs_section_size  }
0x9b: {  	s6 =	simm.s32 $_size__tile_overlayer_lowered;
	s7 =	simm.s32 $_tile_overlayer_lowered  }
0x9c: {  	s22 =	simm.s32 $0x1BFF;
	s21 =	sshll.u32 s7, $0x1;
	s4 =	sadd.s32 s5, s19  }
0x9d: {  	s8 =	simm.s32 $0x0;
	s20 =	sshll.u32 s6, $0x1;
	s6 =	sadd.s32 s21, s4  }
0x9e: {  	[timem:s8], [sflag:s22] =	dma.local [hbm:s6], s20  }
0x9f: {  	_ =	swait.ge [sflag:s22], s20  }
0xa0: {  	s5 =	ssub.s32 $0x0, s20;
	[sflag:s22] =	ssyncset.done $0x0  }
0xa1: {  	[sflag:s22] =	ssyncadd.s32 s5;
	_ =	sdelay $0x1  }
0xa2: {  	s23 =	simm.s32 $0x1B8B  }
0xa3: {  	_ =	swait.ge [sflag:s23], $0x1  }
0xa4: {  	[sflag:s23] =	ssyncset.done $0x0  }
0xa5: {  	s25 =	simm.s32 $0x1B8E;
	s24 =	sld [smem:$0x3FFE];
	[sflag:s23] =	ssyncadd.s32 $0xFFFFFFFF  }
0xa6: {  	s26 =	simm.s32 $execute0_lowered;
	[smem:$0x3FD2] =	sst s25  }
0xa7: {  	s6 =	sshll.u32 s26, $0x1;
	_ =	strace $0x80000046;
	[dreg:$0x1] =	wrdreg $0xFFFFFFFF  }
0xa8: {  	s28 =	simm.s32 $_size_execute0_lowered;
	s4 =	sadd.s32 s4, s6;
	[dreg:$0x0] =	wrdreg $0x0  }
0xa9: {  	s6 =	sshll.u32 s28, $0x1;
	[dreg:$0x2] =	wrdreg s4  }
0xaa: {  	[dreg:$0x3] =	wrdreg s6  }
0xab: {  	[dreg:$0x4] =	wrdreg $0xC0  }
0xac: {  	_ =	task [dreg:s8], $0x5FFFF  }
0xad: {  	[dreg:$0x1] =	wrdreg $0xFFFFFFFF  }
0xae: {  	[dreg:$0x0] =	wrdreg $0x60  }
0xaf: {  	[dreg:$0x2] =	wrdreg s2  }
0xb0: {  	[dreg:$0x3] =	wrdreg s18  }
0xb1: {  	[dreg:$0x4] =	wrdreg s24  }
0xb2: {  	[dreg:$0x5] =	wrdreg $0xB2000  }
0xb3: {  	[dreg:$0x6] =	wrdreg $0x9  }
0xb4: {  	_ =	task.clear_ibuf [dreg:s8], $0x7FFFF;
	_ =	strace $0x90000046  }
0xb5: {  	s29 =	simm.s32 $0x9;
	_ =	strace $0x80000048  }
0xb6: {  	_ =	swait.ge [sflag:s29], $0x1  }
0xb7: {  	[sflag:s29] =	ssyncadd.s32 $0xFFFFFFFF  }
0xb8: {  	_ =	strace $0x90000048  }
0xb9: {  	_ =	sfence  }
0xba: {  	s30 =	sld [smem:$0x0];
	_ =	sdelay $0x2  }
0xbb: {  	s31 =	sshll.u32 s1, $0xD;
	s1 =	sshrl.u32 s1, $0x2  }
0xbc: {  	s3 =	sand.u32 $0x4000, s31;
	s1 =	sadd.s32 s1, s30  }
0xbd: {  	s0 =	sor.u32 s3, s0;
	s1 =	sshll.u32 s1, $0x11  }
0xbe: {  	s0 =	sor.u32 s1, s0  }
0xbf: {  	s0 =	sadd.s32 $0x8F2B, s0  }
0xc0: {  	[sflag:s0] =	ssyncadd.remote.s32 $0x1  }
0xc1: {  	_ =	sfence.sel $0xFFFF  }
0xc2: {  	[dreg:$0x0] =	wrdreg $0xFFFFFFFF;
	(pc) =	sbr.abs _section_cstart, $3  }
0xc3: {  	[dreg:$0x1] =	wrdreg $0xFFFFFFFF  }
0xc4: {  	_ =	task.clear_ibuf [dreg:s8], $0x2FFFF;
	_ =	strace $0x9FFFFFFF  }
0xc5: {  	(tm) =	ssettm $0x7FFFFFFF  }
tec
execute0_lowered:
.L_overlay_start_1:
0x0: {  	(tag) =	ssettag $0x1  }
0x1: {  	s1 =	rddreg [dreg:$0x0]  }
0x2: {  	s0 =	rddreg [dreg:$0x1]  }
0x3: {  	s2 =	rddreg [dreg:$0x2];
	s4 =	srdreg.scid  }
0x4: {  	s16 =	stileid.u32;
	s3 =	rddreg [dreg:$0x3]  }
0x5: {  	s18 =	simm.s32 $0x5;
	s20 =	simm.s32 $0xA900;
	s21 =	simm.s32 $0xA980  }
0x6: {  	s22 =	simm.s32 $0xAA00;
	s23 =	simm.s32 $0x1;
	s28 =	simm.s32 $0x4  }
0x7: {  	s7 =	sand.u32 $0x1, s4;
	s5 =	sshll.u32 s16, $0x1;
	s4 =	simm.s32 $0x0  }
0x8: {  	s10 =	smul.u32 $0x4E000, s16;
	s29 =	sadd.s32 $0x27000, s1;
	p1 =	sne.s32 s16, $0xF  }
0x9: {  	s30 =	sshll.u32 s16, $0x6;
	s5 =	sor.u32 s7, s5;
	[smem:$0x7FF] =	sst s4  }
0xa: {  	s6 =	smul.u32 $0x27100, s7;
	s8 =	ssub.s32 $0x2, s7;
	p0 =	seq.s32 s7, $0x1  }
0xb: {  	s9 =	smul.u32 $0x500, s5;
	_ =	strace $0x80000047;
	s5 =	sshll.u32 s5, $0x4  }
0xc: {  	s12 =	sshrl.u32 s8, $0x1;
	s25 =	sshrl.u32 s10, $0x2;
	[dreg:$0x6] =	wrdreg s29  }
0xd: {  	s11 =	sadd.s32 s5, s2;
	s5 =	sadd.s32 $0xCE00, s2;
	s15 =	ssub.s32 s8, s12  }
0xe: {  	s7 =	sadd.s32 s25, s3;
	s8 =	sadd.s32 $0x138000, s3;
	s13 =	sadd.s32 s9, s2  }
0xf: {  	s2 =	sadd.s32 s6, s2;
	s6 =	smul.u32 $0x2700, s16;
	s10 =	sadd.s32 $0x2C00, s11  }
0x10: {  	s11 =	sadd.s32 $0x2A00, s11;
	s12 =	sadd.s32 s0, s9;
	s15 =	smax.u32 s15, $0x1  }
0x11: {  	s16 =	sor.u32 $0x1C05, s30;
	s17 =	sshrl.u32 s7, $0x3;
	s31 =	sshrl.u32 s8, $0x3  }
0x12: {  	s13 =	sadd.s32 $0x2E00, s13;
	[dreg:$0x7] =	wrdreg s31;
	s26 =	sadd.s32 s1, s6  }
0x13: {  	s14 =	sadd.s32 $0xF600, s2;
	[dreg:$0x5] =	wrdreg s26;
	s26 =	simm.s32 $0x2  }
.LBB2_1:
.Ltmp0:
0x14: {  	(pc) =	sbr.rel @!p0 .LBB2_2-.Ltmp0, $1  }
0x15: {  	_ =	sdelay $0x3  }
.Ltmp1:
0x16: {  	(pc) =	sbr.rel @p1 .LBB2_7-.Ltmp1, $4  }
0x17: {  	[spmem:s17], [sflag:s16] =	dma.local [hbm:s5], $0x2700  }
0x18: {  	_ =	swait.ge [sflag:s18], $0x2700  }
0x19: {  	[sflag:s18] =	ssyncset.done $0x0  }
0x1a: {  	[sflag:s18] =	ssyncadd.s32 $0xFFFFD900  }
.Ltmp2:
0x1b: {  	(pc) =	sbr.rel .LBB2_6-.Ltmp2, $3  }
0x1c: {  	_ =	sdelay $0x1  }
0x1d: {  	s0 =	rddreg [dreg:$0x7]  }
0x1e: {  	[spmem:s0], [sflag:s16] =	dma.local [hbm:s5], $0x100  }
.LBB2_2:
.Ltmp3:
0x1f: {  	s0 =	rddreg [dreg:$0x5];
	(pc) =	sbr.rel @p1 .LBB2_7-.Ltmp3, $4  }
0x20: {  	[spmem:s17], [sflag:s16] =	dma.local [hbm:s0], $0x2700  }
0x21: {  	_ =	swait.ge [sflag:s18], $0x2700  }
0x22: {  	[sflag:s18] =	ssyncset.done $0x0  }
0x23: {  	[sflag:s18] =	ssyncadd.s32 $0xFFFFD900  }
0x24: {  	s0 =	rddreg [dreg:$0x6]  }
0x25: {  	s2 =	rddreg [dreg:$0x7]  }
0x26: {  	[spmem:s2], [sflag:s16] =	dma.local [hbm:s0], $0x100  }
.LBB2_6:
0x27: {  	_ =	swait.ge [sflag:s18], $0x100  }
0x28: {  	[sflag:s18] =	ssyncset.done $0x0  }
0x29: {  	[sflag:s18] =	ssyncadd.s32 $0xFFFFFF00  }
.LBB2_7:
0x2a: {  	[bflag:$0x0] =	sbarrier.arrive $0xFFFF;
	s0 =	simm.s32 $0x0  }
0x2b: {  	[tilespmem:s20], [sflag:$0x5] =	stream.linear.gather [hbm4b:s10+s0], $0x80, $0x38;
	[tilespmem:$0x1EA80] =	vst v63  }
0x2c: {  	_ =	swait.ge [sflag:s18], $0x80  }
0x2d: {  	[sflag:s18] =	ssyncset.done $0x0  }
0x2e: {  	[sflag:s18] =	ssyncadd.s32 $0xFFFFFF80  }
0x2f: {  	[tilespmem:s21], [sflag:$0x5] =	stream.linear.gather [hbm4b:s11+s0], $0x80, $0x38;
	[tilespmem:$0x1EA80] =	vst v63  }
0x30: {  	_ =	swait.ge [sflag:s18], $0x80  }
0x31: {  	[sflag:s18] =	ssyncset.done $0x0  }
0x32: {  	s2 =	simm.s32 $0x10;
	[sflag:s18] =	ssyncadd.s32 $0xFFFFFF80  }
0x33: {  	[tilespmem:s22], [sflag:$0x1] =	stream.indirect.gather [hbm4b:s1+s2], $0x80, s20, s2, $0xb8;
	[tilespmem:$0x1EA80] =	vst v63  }
0x34: {  	_ =	swait.ge [sflag:s23], $0x800  }
0x35: {  	[sflag:s23] =	ssyncset.done $0x0  }
0x36: {  	[sflag:s23] =	ssyncadd.s32 $0xFFFFF800  }
0x37: {  	[spmem:s3] =	stream.indirect.scatter.add.f32 [tilespmem:s22], [sflag:$0x5], $0x80, s21, s2, $0xb8;
	[tilespmem:$0x1EA80] =	vst v63  }
0x38: {  	_ =	swait.ge [sflag:s18], $0x800  }
0x39: {  	[sflag:s18] =	ssyncset.done $0x0  }
0x3a: {  	[sflag:s18] =	ssyncadd.s32 $0xFFFFF800  }
0x3b: {  	[tilespmem:s0], [sflag:$0x5] =	stream.linear.gather [hbm4b:s12+s0], $0x2700, $0x38;
	[tilespmem:$0x1EA80] =	vst v63  }
0x3c: {  	_ =	swait.ge [sflag:s18], $0x2700  }
0x3d: {  	[sflag:s18] =	ssyncset.done $0x0  }
0x3e: {  	s7 =	simm.s32 $0x2800;
	[sflag:s18] =	ssyncadd.s32 $0xFFFFD900  }
0x3f: {  	[tilespmem:s7], [sflag:$0x3] =	stream.linear.gather [hbm4b:s13+s0], $0x80, $0x38;
	[tilespmem:$0x1EA80] =	vst v63  }
0x40: {  	s9 =	simm.s32 $0x2900;
	s7 =	simm.s32 $0x80  }
0x41: {  	[tilespmem:s9], [sflag:$0x1] =	stream.indirect.gather [hbm4b:s1+s7], $0x80, s0, s7, $0xb8;
	[tilespmem:$0x1EA80] =	vst v63  }
0x42: {  	s0 =	sand.u32 $0x1, s0  }
0x43: {  	p2 =	seq.s32 s0, $0x1  }
0x44: {  	s0 =	simm.s32 @p2 $0x2  }
0x45: {  	_ =	swait.ge @p2 [sflag:s0], $0x4000  }
0x46: {  	s9 =	simm.s32 @p2 $0x2800;
	[sflag:s0] =	ssyncset.done @p2 $0x0  }
0x47: {  	s24 =	simm.s32 @p2 $0x0;
	[sflag:s0] =	ssyncadd.s32 @p2 $0xFFFFC000;
	s0 =	sadd.s32 @p2 $0x10, s13  }
0x48: {  	[tilespmem:s9], [sflag:$0x3] =	stream.linear.gather @p2 [hbm4b:s0+s24], $0x80, $0x38;
	[tilespmem:$0x1EA80] =	vst v63  }
0x49: {  	s0 =	simm.s32 @p2 $0x80;
	s9 =	simm.s32 @p2 $0x2900;
	s24 =	simm.s32 @p2 $0x4  }
0x4a: {  	[tilespmem:s9], [sflag:$0x1] =	stream.indirect.gather @p2 [hbm4b:s1+s0], $0x80, s7, s0, $0xb8;
	[tilespmem:$0x1EA80] =	vst v63  }
0x4b: {  	s25 =	simm.s32 @!p2 $0x0;
	_ =	swait.ge @p2 [sflag:s24], $0x80  }
0x4c: {  	s19 =	simm.s32 @p2 $0x6900;
	s2 =	sand.u32 @!p2 $0x70, s2;
	[sflag:s24] =	ssyncset.done @p2 $0x0  }
0x4d: {  	s9 =	simm.s32 @!p2 $0x1;
	[sflag:s24] =	ssyncadd.s32 @p2 $0xFFFFFF80;
	s24 =	simm.s32 @p2 $0x2880  }
0x4e: {  	[spmem:s3] =	stream.indirect.scatter.add.f32 @p2 [tilespmem:s19], [sflag:$0x5], $0x80, s24, s0, $0xb8;
	[tilespmem:$0x1EA80] =	vst v63  }
0x4f: {  	s0 =	sand.u32 @!p2 $0x780, s25;
	s19 =	simm.s32 @!p2 $0x2880;
	_ =	swait.ge @!p2 [sflag:s9], $0x4000  }
0x50: {  	s25 =	simm.s32 @!p2 $0x6;
	s0 =	sadd.s32 @!p2 s13, s0;
	[sflag:s9] =	ssyncset.done @!p2 $0x0  }
0x51: {  	s0 =	sadd.s32 @!p2 s2, s0;
	s2 =	simm.s32 @!p2 $0x0;
	[sflag:s9] =	ssyncadd.s32 @!p2 $0xFFFFC000  }
0x52: {  	[tilespmem:s19], [sflag:$0x4] =	stream.linear.gather @!p2 [hbm4b:s0+s2], $0x80, $0x38;
	[tilespmem:$0x1EA80] =	vst v63  }
0x53: {  	s2 =	simm.s32 @!p2 $0x80;
	s0 =	simm.s32 @!p2 $0x6900;
	s19 =	simm.s32 @!p2 $0x3  }
0x54: {  	[tilespmem:s0], [sflag:$0x2] =	stream.indirect.gather @!p2 [hbm4b:s1+s2], $0x80, s7, s2, $0xb8;
	[tilespmem:$0x1EA80] =	vst v63  }
0x55: {  	s25 =	simm.s32 @p2 $0x5;
	_ =	swait.ge @!p2 [sflag:s19], $0x80  }
0x56: {  	s9 =	simm.s32 $0x20;
	s7 =	simm.s32 @!p2 $0x2900;
	[sflag:s19] =	ssyncset.done @!p2 $0x0  }
0x57: {  	s0 =	simm.s32 $0x1;
	[sflag:s19] =	ssyncadd.s32 @!p2 $0xFFFFFF80;
	s19 =	simm.s32 @!p2 $0x2800  }
0x58: {  	[spmem:s3] =	stream.indirect.scatter.add.f32 @!p2 [tilespmem:s7], [sflag:$0x6], $0x80, s19, s2, $0xb8;
	[tilespmem:$0x1EA80] =	vst v63  }
0x59: {  	s31 =	sand.u32 $0x1, s0;
	s7 =	simm.s32 $0x30;
	_ =	swait.ge [sflag:s25], $0x4000  }
0x5a: {  	p2 =	seq.s32 s31, $0x1;
	s2 =	simm.s32 $0x100;
	[sflag:s25] =	ssyncset.done $0x0  }
.LBB2_8:
0x5b: {  	s19 =	simm.s32 @p2 $0x2  }
0x5c: {  	[sflag:s25] =	ssyncadd.s32 $0xFFFFC000;
	s24 =	smov.u32 s7;
	s7 =	sadd.s32 $0x10, s7  }
0x5d: {  	p3 =	sne.s32 s7, $0x4E0;
	_ =	swait.ge @p2 [sflag:s19], $0x4000  }
0x5e: {  	s25 =	simm.s32 @p2 $0x2800;
	[sflag:s19] =	ssyncset.done @p2 $0x0  }
0x5f: {  	s29 =	simm.s32 @p2 $0x0;
	[sflag:s19] =	ssyncadd.s32 @p2 $0xFFFFC000;
	s19 =	sadd.s32 @p2 s9, s13  }
0x60: {  	[tilespmem:s25], [sflag:$0x3] =	stream.linear.gather @p2 [hbm4b:s19+s29], $0x80, $0x38;
	[tilespmem:$0x1EA80] =	vst v63  }
0x61: {  	s19 =	simm.s32 @p2 $0x80;
	s25 =	simm.s32 @p2 $0x2900;
	s29 =	simm.s32 @p2 $0x4  }
0x62: {  	[tilespmem:s25], [sflag:$0x1] =	stream.indirect.gather @p2 [hbm4b:s1+s19], $0x80, s2, s19, $0xb8;
	[tilespmem:$0x1EA80] =	vst v63  }
0x63: {  	_ =	swait.ge @p2 [sflag:s29], $0x80  }
0x64: {  	s30 =	sadd.s32 @!p2 $0xFFFFFFF0, s9;
	s25 =	simm.s32 @!p2 $0x1;
	[sflag:s29] =	ssyncset.done @p2 $0x0  }
0x65: {  	s31 =	simm.s32 @p2 $0x6900;
	[sflag:s29] =	ssyncadd.s32 @p2 $0xFFFFFF80;
	s29 =	simm.s32 @p2 $0x2880  }
0x66: {  	[spmem:s3] =	stream.indirect.scatter.add.f32 @p2 [tilespmem:s31], [sflag:$0x5], $0x80, s29, s19, $0xb8;
	[tilespmem:$0x1EA80] =	vst v63  }
0x67: {  	s19 =	sand.u32 @!p2 $0x780, s30;
	s29 =	simm.s32 @!p2 $0x2880;
	_ =	swait.ge @!p2 [sflag:s25], $0x4000  }
0x68: {  	s9 =	sand.u32 @!p2 $0x70, s9;
	s19 =	sadd.s32 @!p2 s13, s19;
	[sflag:s25] =	ssyncset.done @!p2 $0x0  }
0x69: {  	s9 =	sadd.s32 @!p2 s9, s19;
	s19 =	simm.s32 @!p2 $0x0;
	[sflag:s25] =	ssyncadd.s32 @!p2 $0xFFFFC000  }
0x6a: {  	[tilespmem:s29], [sflag:$0x4] =	stream.linear.gather @!p2 [hbm4b:s9+s19], $0x80, $0x38;
	[tilespmem:$0x1EA80] =	vst v63  }
0x6b: {  	s9 =	simm.s32 @!p2 $0x80;
	s19 =	simm.s32 @!p2 $0x6900;
	s29 =	simm.s32 @!p2 $0x3  }
0x6c: {  	[tilespmem:s19], [sflag:$0x2] =	stream.indirect.gather @!p2 [hbm4b:s1+s9], $0x80, s2, s9, $0xb8;
	[tilespmem:$0x1EA80] =	vst v63  }
0x6d: {  	s0 =	sadd.s32 $0x1, s0;
	s19 =	simm.s32 @!p2 $0x2900;
	_ =	swait.ge @!p2 [sflag:s29], $0x80  }
.Ltmp4:
0x6e: {  	s25 =	simm.s32 @!p2 $0x6;
	[sflag:s29] =	ssyncset.done @!p2 $0x0;
	(pc) =	sbr.rel @p3 .LBB2_8-.Ltmp4, $4  }
0x6f: {  	s25 =	simm.s32 @p2 $0x5;
	[sflag:s29] =	ssyncadd.s32 @!p2 $0xFFFFFF80;
	s29 =	simm.s32 @!p2 $0x2800  }
0x70: {  	[spmem:s3] =	stream.indirect.scatter.add.f32 @!p2 [tilespmem:s19], [sflag:$0x6], $0x80, s29, s9, $0xb8;
	[tilespmem:$0x1EA80] =	vst v63  }
0x71: {  	s19 =	sand.u32 $0x1, s0;
	s9 =	smov.u32 s24;
	_ =	swait.ge [sflag:s25], $0x4000  }
0x72: {  	s2 =	sadd.s32 $0x80, s2;
	p2 =	seq.s32 s19, $0x1;
	[sflag:s25] =	ssyncset.done $0x0  }
0x73: {  	s0 =	simm.s32 @p2 $0x2;
	[sflag:s25] =	ssyncadd.s32 $0xFFFFC000  }
0x74: {  	_ =	swait.ge @p2 [sflag:s0], $0x4000  }
0x75: {  	s7 =	simm.s32 @p2 $0x2800;
	[sflag:s0] =	ssyncset.done @p2 $0x0  }
0x76: {  	s19 =	simm.s32 @p2 $0x0;
	[sflag:s0] =	ssyncadd.s32 @p2 $0xFFFFC000;
	s0 =	sadd.s32 @p2 s9, s13  }
0x77: {  	[tilespmem:s7], [sflag:$0x3] =	stream.linear.gather @p2 [hbm4b:s0+s19], $0x80, $0x38;
	[tilespmem:$0x1EA80] =	vst v63  }
0x78: {  	s0 =	simm.s32 @p2 $0x80;
	s7 =	simm.s32 @p2 $0x2900;
	s19 =	simm.s32 @p2 $0x4  }
0x79: {  	[tilespmem:s7], [sflag:$0x1] =	stream.indirect.gather @p2 [hbm4b:s1+s0], $0x80, s2, s0, $0xb8;
	[tilespmem:$0x1EA80] =	vst v63  }
0x7a: {  	_ =	swait.ge @p2 [sflag:s19], $0x80  }
0x7b: {  	s24 =	sadd.s32 @!p2 $0xFFFFFFF0, s9;
	s25 =	simm.s32 @p2 $0x6900;
	[sflag:s19] =	ssyncset.done @p2 $0x0  }
0x7c: {  	s7 =	simm.s32 @!p2 $0x1;
	[sflag:s19] =	ssyncadd.s32 @p2 $0xFFFFFF80;
	s19 =	simm.s32 @p2 $0x2880  }
0x7d: {  	[spmem:s3] =	stream.indirect.scatter.add.f32 @p2 [tilespmem:s25], [sflag:$0x5], $0x80, s19, s0, $0xb8;
	[tilespmem:$0x1EA80] =	vst v63  }
0x7e: {  	s9 =	sand.u32 @!p2 $0x70, s9;
	s0 =	sand.u32 @!p2 $0x780, s24;
	_ =	swait.ge @!p2 [sflag:s7], $0x4000  }
0x7f: {  	s19 =	simm.s32 @!p2 $0x2880;
	s0 =	sadd.s32 @!p2 s13, s0;
	[sflag:s7] =	ssyncset.done @!p2 $0x0  }
0x80: {  	s0 =	sadd.s32 @!p2 s9, s0;
	[sflag:s7] =	ssyncadd.s32 @!p2 $0xFFFFC000;
	s7 =	simm.s32 @!p2 $0x0  }
0x81: {  	[tilespmem:s19], [sflag:$0x4] =	stream.linear.gather @!p2 [hbm4b:s0+s7], $0x80, $0x38;
	[tilespmem:$0x1EA80] =	vst v63  }
0x82: {  	s9 =	simm.s32 @!p2 $0x3;
	s0 =	simm.s32 @!p2 $0x80;
	s7 =	simm.s32 @!p2 $0x6900  }
0x83: {  	[tilespmem:s7], [sflag:$0x2] =	stream.indirect.gather @!p2 [hbm4b:s1+s0], $0x80, s2, s0, $0xb8;
	[tilespmem:$0x1EA80] =	vst v63  }
0x84: {  	_ =	swait.ge @!p2 [sflag:s9], $0x80  }
0x85: {  	s2 =	simm.s32 @!p2 $0x2900;
	s7 =	simm.s32 @!p2 $0x6;
	[sflag:s9] =	ssyncset.done @!p2 $0x0  }
0x86: {  	s7 =	simm.s32 @p2 $0x5;
	[sflag:s9] =	ssyncadd.s32 @!p2 $0xFFFFFF80;
	s9 =	simm.s32 @!p2 $0x2800  }
0x87: {  	[spmem:s3] =	stream.indirect.scatter.add.f32 @!p2 [tilespmem:s2], [sflag:$0x6], $0x80, s9, s0, $0xb8;
	[tilespmem:$0x1EA80] =	vst v63  }
0x88: {  	_ =	swait.ge [sflag:s7], $0x4000  }
0x89: {  	[sflag:s7] =	ssyncset.done $0x0  }
0x8a: {  	[sflag:s7] =	ssyncadd.s32 $0xFFFFC000  }
0x8b: {  	_ =	swait.ge [sflag:s26], $0x4000  }
0x8c: {  	[sflag:s26] =	ssyncset.done $0x0  }
0x8d: {  	[sflag:s26] =	ssyncadd.s32 $0xFFFFC000  }
0x8e: {  	_ =	swait.ge [sflag:s28], $0x80  }
0x8f: {  	s29 =	simm.s32 $0x2880;
	[sflag:s28] =	ssyncset.done $0x0  }
0x90: {  	s30 =	simm.s32 $0x6900;
	s25 =	simm.s32 $0x80;
	[sflag:s28] =	ssyncadd.s32 $0xFFFFFF80  }
0x91: {  	[spmem:s3] =	stream.indirect.scatter.add.f32 [tilespmem:s30], [sflag:$0x5], $0x80, s29, s25, $0xb8;
	[tilespmem:$0x1EA80] =	vst v63  }
0x92: {  	_ =	swait.ge [sflag:s18], $0x4000  }
0x93: {  	[sflag:s18] =	ssyncset.done $0x0  }
0x94: {  	[sflag:s18] =	ssyncadd.s32 $0xFFFFC000  }
0x95: {  	s31 =	sadd.s32 s6, s14;
	[bflag:$0x0] =	sbarrier.arrive $0xFFFF  }
0x96: {  	[hbm:s31], [sflag:s16] =	dma.local [spmem:s17], $0x2700  }
0x97: {  	_ =	swait.ge [sflag:s18], $0x2700  }
0x98: {  	s4 =	sadd.s32 $0x1, s4;
	s0 =	sadd.s32 @!p1 $0x27000, s14;
	[sflag:s18] =	ssyncset.done $0x0  }
0x99: {  	s2 =	sshrl.u32 @!p1 s8, $0x3;
	p2 =	sne.s32 s4, s15;
	[sflag:s18] =	ssyncadd.s32 $0xFFFFD900  }
0x9a: {  	[hbm:s0], [sflag:s16] =	dma.local @!p1 [spmem:s2], $0x100  }
.Ltmp5:
0x9b: {  	_ = 	snop;
	(pc) =	sbr.rel @p2 .LBB2_1-.Ltmp5, $4  }
0x9c: {  	s0 =	simm.s32 @!p1 $0x5  }
0x9d: {  	_ =	swait.ge @!p1 [sflag:s0], $0x100  }
0x9e: {  	[sflag:s0] =	ssyncset.done @!p1 $0x0  }
0x9f: {  	[sflag:s0] =	ssyncadd.s32 @!p1 $0xFFFFFF00  }
0xa0: {  	_ =	sfence.sel $0x180000  }
0xa1: {  	[bflag:$0x0] =	sbarrier.arrive $0xFFFF  }
0xa2: {  	_ =	strace $0x90000047  }
0xa3: {  	s0 =	stileid.u32;
	[bflag:$0x2] =	sbarrier.arrive $0xFFFF  }
0xa4: {  	p0 =	sne.s32 s0, $0x0;
	s0 =	rddreg [dreg:$0x4]  }
0xa5: {  	s0 =	sadd.s32 @!p0 $0x100000, s0  }
0xa6: {  	[sflag:s0] =	ssyncadd.tile.s32 @!p0 $0x1;
	_ =	shalt  }
.Lfunc_end2:
_tile_overlayer_lowered:
.L_overlay_start_2:
0xa7: {  	(tag) =	ssettag $0x2  }
0xa8: {  	s0 =	rddreg [dreg:$0x0];
	s2 =	stileid.u32  }
0xa9: {  	s1 =	rddreg [dreg:$0x1];
	p0 =	sne.s32 s2, $0x0  }
0xaa: {  	s3 =	rddreg [dreg:$0x2];
	[bflag:$0x3] =	sbarrier.arrive $0xFFFF;
	s2 =	simm.s32 @!p0 $0x1C05  }
0xab: {  	[timem:s3], [sflag:s2] =	dma.local @!p0 [hbm:s0], s1  }
0xac: {  	s0 =	simm.s32 @!p0 $0x5  }
0xad: {  	_ =	swait.ge @!p0 [sflag:s0], s1  }
0xae: {  	s1 =	ssub.s32 @!p0 $0x0, s1;
	[sflag:s0] =	ssyncset.done @!p0 $0x0  }
0xaf: {  	[sflag:s0] =	ssyncadd.s32 @!p0 s1  }
0xb0: {  	[bflag:$0x3] =	sbarrier.arrive $0xFFFF  }
0xb1: {  	_ =	shalt  }

// kernel: kernel.14.cloned.1.call-start
scs
__scs_entry_jumppad:
0x0: {  	(pc) =	sbr.rel $0x88, $3  }
0x1: {  	(tag) =	ssettag $0x0;
	lr =	simm.s32 $0x1  }
0x2: {  	[smem:$0x3F97] =	sst lr;
	_ =	strace $0xD0000000  }
0x3: {  	_ = 	snop  }
0x4: {  	_ = 	snop  }
0x5: {  	_ = 	snop  }
0x6: {  	_ = 	snop  }
0x7: {  	_ = 	snop  }
__scs_overlays_trampoline_lowered:
0x8: {  	[smem:$0x3FA6] =	sst s0  }
0x9: {  	[smem:$0x3FA7] =	sst s1  }
0xa: {  	[smem:$0x3FA8] =	sst s2  }
0xb: {  	[smem:$0x3FA9] =	sst s3  }
0xc: {  	[smem:$0x3FAA] =	sst s4  }
0xd: {  	[smem:$0x3FAB] =	sst s5  }
0xe: {  	[smem:$0x3FAC] =	sst s6  }
0xf: {  	[smem:$0x3FAD] =	sst s7  }
0x10: {  	[smem:$0x3FAE] =	sst s8  }
0x11: {  	[smem:$0x3FAF] =	sst s9;
	s0 =	simm.s32 @!p0 $0x0  }
0x12: {  	s1 =	sld [smem:$0x3F95];
	s0 =	simm.s32 @p0 $0x1  }
0x13: {  	[smem:$0x3FB0] =	sst s0;
	s0 =	simm.s32 @!p1 $0x0  }
0x14: {  	s2 =	sld [smem:$0x3F94];
	s0 =	simm.s32 @p1 $0x1  }
0x15: {  	[smem:$0x3FB1] =	sst s0;
	s0 =	simm.s32 @!p2 $0x0  }
0x16: {  	s3 =	sld [smem:$0x3FDB];
	s0 =	simm.s32 @p2 $0x1  }
0x17: {  	s4 =	simm.s32 $0x1BF5;
	[smem:$0x3FB3] =	sst s0  }
0x18: {  	s0 =	sld [smem:$0x3F96];
	_ =	swait.ge [sflag:s4], $0x0  }
0x19: {  	s7 =	sld [smem:$0x3F97]  }
0x1a: {  	s8 =	sadd.s32 $0xFFFFE003, lr  }
0x1b: {  	s9 =	sadd.s32 $0xFFFFFEF7, lr;
	s5 =	simm.s32 $0xFFFFFFFF;
	p2 =	slt.u32 s8, $0xFFFFF086  }
0x1c: {  	p1 =	slt.u32 s9, $0xF7A;
	s5 =	simm.s32 @!p2 $0x0  }
0x1d: {  	s5 =	simm.s32 @p1 $0x1;
	p0 =	seq.s32 s7, s2  }
0x1e: {  	s7 =	smul.u32 @!p0 $0xF7A, s2;
	p2 =	seq.s32 @!p0 s5, $0x0  }
0x1f: {  	s9 =	smul.u32 $0xF7A, s1;
	s8 =	simm.s32 @!p0 $0x1BF5;
	p2 =	por !p2, p0  }
0x20: {  	[sflag:s8] =	ssyncset.s32 @!p0 $0xFFFFF086;
	s6 =	sadd.s32 @!p0 s3, s7;
	s7 =	simm.s32 @!p0 $0x108  }
0x21: {  	s3 =	sadd.s32 s3, s9;
	s6 =	sadd.s32 @!p0 $0x88, s6;
	s7 =	simm.s32 @p2 $0x1082  }
0x22: {  	[simem:s7], [sflag:s8] =	dma.local @!p0 [hbm:s6], $0xF7A  }
0x23: {  	s9 =	sor.u32 $0xD0000000, s2;
	s6 =	simm.s32 $0x108;
	_ =	swait.ge @!p0 [sflag:s8], $0x0  }
0x24: {  	s3 =	sadd.s32 $0x88, s3;
	s6 =	simm.s32 @!p1 $0x1082;
	[sflag:s4] =	ssyncset.s32 $0xFFFFF086  }
0x25: {  	[simem:s6], [sflag:s4] =	dma.local [hbm:s3], $0xF7A  }
0x26: {  	[smem:$0x3F97] =	sst s1;
	(tag) =	ssettag s2;
	_ =	strace s9  }
0x27: {  	s1 =	sld [smem:$0x3FA7]  }
0x28: {  	s2 =	sld [smem:$0x3FA8]  }
0x29: {  	s4 =	sld [smem:$0x3FAA]  }
0x2a: {  	p0 =	seq.s32 s5, $0x0;
	s5 =	sld [smem:$0x3FAB]  }
0x2b: {  	s6 =	sld [smem:$0x3FAC]  }
0x2c: {  	s7 =	sld [smem:$0x3FAD]  }
0x2d: {  	s3 =	simm.s32 $0x108;
	s8 =	sld [smem:$0x3FAE]  }
0x2e: {  	s3 =	simm.s32 @!p0 $0x1082;
	s9 =	sld [smem:$0x3FAF]  }
0x2f: {  	lr =	sadd.s32 s0, s3;
	s0 =	sld [smem:$0x3FA6]  }
0x30: {  	s3 =	sld [smem:$0x3FA9]  }
0x31: {  	[smem:$0x3FB2] =	sst s10  }
0x32: {  	s10 =	sld [smem:$0x3FB0];
	_ =	sdelay $0x3  }
0x33: {  	p0 =	seq.s32 s10, $0x1;
	s10 =	sld [smem:$0x3FB2];
	_ =	sdelay $0x3  }
0x34: {  	[smem:$0x3FB2] =	sst s10  }
0x35: {  	s10 =	sld [smem:$0x3FB1];
	_ =	sdelay $0x3  }
0x36: {  	p1 =	seq.s32 s10, $0x1;
	s10 =	sld [smem:$0x3FB2];
	_ =	sdelay $0x3  }
0x37: {  	[smem:$0x3FB2] =	sst s10  }
0x38: {  	s10 =	sld [smem:$0x3FB3]  }
0x39: {  	_ = 	snop;
	(pc) =	sbr.ind lr, $3  }
0x3a: {  	_ = 	snop  }
0x3b: {  	_ = 	snop  }
0x3c: {  	p2 =	seq.s32 s10, $0x1;
	s10 =	sld [smem:$0x3FB2]  }
0x3d: {  	_ =	shalt  }
0x3e: {  	_ =	shalt  }
0x3f: {  	_ =	shalt  }
0x40: {  	_ =	shalt  }
0x41: {  	_ =	shalt  }
0x42: {  	_ =	shalt  }
0x43: {  	_ =	shalt  }
0x44: {  	_ =	shalt  }
0x45: {  	_ =	shalt  }
0x46: {  	_ =	shalt  }
0x47: {  	_ =	shalt  }
0x48: {  	_ =	shalt  }
0x49: {  	_ =	shalt  }
0x4a: {  	_ =	shalt  }
0x4b: {  	_ =	shalt  }
0x4c: {  	_ =	shalt  }
0x4d: {  	_ =	shalt  }
0x4e: {  	_ =	shalt  }
0x4f: {  	_ =	shalt  }
0x50: {  	_ =	shalt  }
0x51: {  	_ =	shalt  }
0x52: {  	_ =	shalt  }
0x53: {  	_ =	shalt  }
0x54: {  	_ =	shalt  }
0x55: {  	_ =	shalt  }
0x56: {  	_ =	shalt  }
0x57: {  	_ =	shalt  }
0x58: {  	_ =	shalt  }
0x59: {  	_ =	shalt  }
0x5a: {  	_ =	shalt  }
0x5b: {  	_ =	shalt  }
0x5c: {  	_ =	shalt  }
0x5d: {  	_ =	shalt  }
0x5e: {  	_ =	shalt  }
0x5f: {  	_ =	shalt  }
0x60: {  	_ =	shalt  }
0x61: {  	_ =	shalt  }
0x62: {  	_ =	shalt  }
0x63: {  	_ =	shalt  }
0x64: {  	_ =	shalt  }
0x65: {  	_ =	shalt  }
0x66: {  	_ =	shalt  }
0x67: {  	_ =	shalt  }
0x68: {  	_ =	shalt  }
0x69: {  	_ =	shalt  }
0x6a: {  	_ =	shalt  }
0x6b: {  	_ =	shalt  }
0x6c: {  	_ =	shalt  }
0x6d: {  	_ =	shalt  }
0x6e: {  	_ =	shalt  }
0x6f: {  	_ =	shalt  }
0x70: {  	_ =	shalt  }
0x71: {  	_ =	shalt  }
0x72: {  	_ =	shalt  }
0x73: {  	_ =	shalt  }
0x74: {  	_ =	shalt  }
0x75: {  	_ =	shalt  }
0x76: {  	_ =	shalt  }
0x77: {  	_ =	shalt  }
0x78: {  	_ =	shalt  }
0x79: {  	_ =	shalt  }
0x7a: {  	_ =	shalt  }
0x7b: {  	_ =	shalt  }
0x7c: {  	_ =	shalt  }
0x7d: {  	_ =	shalt  }
0x7e: {  	_ =	shalt  }
0x7f: {  	_ =	shalt  }
0x80: {  	_ =	shalt  }
0x81: {  	_ =	shalt  }
0x82: {  	_ =	shalt  }
0x83: {  	_ =	shalt  }
0x84: {  	_ =	shalt  }
0x85: {  	_ =	shalt  }
0x86: {  	_ =	shalt  }
0x87: {  	_ =	shalt  }
.Lfunc_end0:
.L_simem_size_0:
called_computation.1_lowered:
.L_overlay_start_0:
0x88: {  	s2 =	sld [smem:$0x3FD9]  }
0x89: {  	s3 =	sld [smem:$0x3FFE];
	_ =	sdelay $0x1  }
0x8a: {  	s1 =	srdreg.scid  }
0x8b: {  	s0 =	sand.u32 $0x1, s1  }
0x8c: {  	s17 =	sshll.u32 s0, $0xA;
	s2 =	sadd.s32 s3, s2  }
0x8d: {  	s2 =	sadd.s32 s2, s17  }
0x8e: {  	[smem:$0x3FBE] =	sst s2  }
0x8f: {  	_ = 	snop  }
0x90: {  	s2 =	sld [smem:$0x3FD0];
	(tm) =	ssettm $0x1  }
0x91: {  	s18 =	sld [smem:$0x3FFB];
	_ =	sdelay $0x3  }
0x92: {  	_ =	strace s18  }
0x93: {  	s3 =	sld [smem:$0x3FFC];
	_ =	sdelay $0x3  }
0x94: {  	_ =	strace s3  }
0x95: {  	s3 =	sld [smem:$0x3FFD];
	_ =	sdelay $0x3  }
0x96: {  	_ =	strace s3  }
0x97: {  	_ =	strace $0x8FFFFFFF  }
0x98: {  	s19 =	sld [smem:$0x3FDB];
	_ =	sdelay $0x1  }
0x99: {  	s4 =	simm.s32 $_scs_section_size  }
0x9a: {  	s5 =	simm.s32 $_size__tile_overlayer_lowered;
	s6 =	simm.s32 $_tile_overlayer_lowered  }
0x9b: {  	s22 =	simm.s32 $0x1BFF;
	s21 =	sshll.u32 s6, $0x1;
	s3 =	sadd.s32 s4, s19  }
0x9c: {  	s7 =	simm.s32 $0x0;
	s20 =	sshll.u32 s5, $0x1;
	s5 =	sadd.s32 s21, s3  }
0x9d: {  	[timem:s7], [sflag:s22] =	dma.local [hbm:s5], s20  }
0x9e: {  	_ =	swait.ge [sflag:s22], s20  }
0x9f: {  	s4 =	ssub.s32 $0x0, s20;
	[sflag:s22] =	ssyncset.done $0x0  }
0xa0: {  	[sflag:s22] =	ssyncadd.s32 s4;
	_ =	sdelay $0x1  }
0xa1: {  	s23 =	simm.s32 $0x1B8B  }
0xa2: {  	_ =	swait.ge [sflag:s23], $0x1  }
0xa3: {  	[sflag:s23] =	ssyncset.done $0x0  }
0xa4: {  	s25 =	simm.s32 $0x1B8E;
	s24 =	sld [smem:$0x3FFE];
	[sflag:s23] =	ssyncadd.s32 $0xFFFFFFFF  }
0xa5: {  	s26 =	simm.s32 $execute0_lowered;
	[smem:$0x3FD2] =	sst s25  }
0xa6: {  	s5 =	sshll.u32 s26, $0x1;
	_ =	strace $0x80000049;
	[dreg:$0x1] =	wrdreg $0xFFFFFFFF  }
0xa7: {  	s28 =	simm.s32 $_size_execute0_lowered;
	s3 =	sadd.s32 s3, s5;
	[dreg:$0x0] =	wrdreg $0x0  }
0xa8: {  	s5 =	sshll.u32 s28, $0x1;
	[dreg:$0x2] =	wrdreg s3  }
0xa9: {  	[dreg:$0x3] =	wrdreg s5  }
0xaa: {  	[dreg:$0x4] =	wrdreg $0xC0  }
0xab: {  	_ =	task [dreg:s7], $0x5FFFF  }
0xac: {  	[dreg:$0x1] =	wrdreg $0xFFFFFFFF  }
0xad: {  	[dreg:$0x0] =	wrdreg $0x60  }
0xae: {  	[dreg:$0x2] =	wrdreg s24  }
0xaf: {  	[dreg:$0x3] =	wrdreg s2  }
0xb0: {  	[dreg:$0x4] =	wrdreg $0xB2000  }
0xb1: {  	[dreg:$0x5] =	wrdreg $0x9  }
0xb2: {  	_ =	task.clear_ibuf [dreg:s7], $0x6FFFF;
	_ =	strace $0x90000049  }
0xb3: {  	s29 =	simm.s32 $0x9;
	_ =	strace $0x8000004B  }
0xb4: {  	_ =	swait.ge [sflag:s29], $0x1  }
0xb5: {  	[sflag:s29] =	ssyncadd.s32 $0xFFFFFFFF  }
0xb6: {  	_ =	strace $0x9000004B  }
0xb7: {  	_ =	sfence  }
0xb8: {  	s30 =	sld [smem:$0x0];
	_ =	sdelay $0x2  }
0xb9: {  	s31 =	sshll.u32 s1, $0xD;
	s1 =	sshrl.u32 s1, $0x2  }
0xba: {  	s3 =	sand.u32 $0x4000, s31;
	s1 =	sadd.s32 s1, s30  }
0xbb: {  	s0 =	sor.u32 s3, s0;
	s1 =	sshll.u32 s1, $0x11  }
0xbc: {  	s0 =	sor.u32 s1, s0  }
0xbd: {  	s0 =	sadd.s32 $0x8F2B, s0  }
0xbe: {  	[sflag:s0] =	ssyncadd.remote.s32 $0x1  }
0xbf: {  	_ =	sfence.sel $0xFFFF  }
0xc0: {  	[dreg:$0x0] =	wrdreg $0xFFFFFFFF;
	(pc) =	sbr.abs _section_cstart, $3  }
0xc1: {  	[dreg:$0x1] =	wrdreg $0xFFFFFFFF  }
0xc2: {  	_ =	task.clear_ibuf [dreg:s7], $0x2FFFF;
	_ =	strace $0x9FFFFFFF  }
0xc3: {  	(tm) =	ssettm $0x7FFFFFFF  }
tec
execute0_lowered:
.L_overlay_start_1:
0x0: {  	(tag) =	ssettag $0x1  }
0x1: {  	s0 =	rddreg [dreg:$0x0]  }
0x2: {  	s1 =	rddreg [dreg:$0x1];
	s3 =	srdreg.scid  }
0x3: {  	s16 =	stileid.u32;
	s2 =	rddreg [dreg:$0x2];
	s18 =	simm.s32 $0x5  }
0x4: {  	s20 =	simm.s32 $0xA900;
	s21 =	simm.s32 $0xA980;
	s22 =	simm.s32 $0xAA00  }
0x5: {  	s23 =	simm.s32 $0x1;
	s28 =	simm.s32 $0x4;
	s7 =	sand.u32 $0x1, s3  }
0x6: {  	s4 =	sshll.u32 s16, $0x1;
	s3 =	simm.s32 $0x0;
	s10 =	smul.u32 $0x4E000, s16  }
0x7: {  	p1 =	sne.s32 s16, $0xF;
	s30 =	sshll.u32 s16, $0x6;
	s5 =	sor.u32 s7, s4  }
0x8: {  	[smem:$0x7FF] =	sst s3;
	s4 =	sadd.s32 $0xF600, s0;
	s6 =	smul.u32 $0x27100, s7  }
0x9: {  	s8 =	ssub.s32 $0x2, s7;
	p0 =	seq.s32 s7, $0x1;
	s9 =	smul.u32 $0x500, s5  }
0xa: {  	_ =	strace $0x8000004A;
	s5 =	sshll.u32 s5, $0x4;
	s12 =	sshrl.u32 s8, $0x1  }
0xb: {  	s26 =	sshrl.u32 s10, $0x2;
	s11 =	sadd.s32 s5, s0;
	s5 =	sadd.s32 $0xCE00, s0  }
0xc: {  	s14 =	sadd.s32 s6, s0;
	s6 =	smul.u32 $0x2700, s16;
	s15 =	ssub.s32 s8, s12  }
0xd: {  	s7 =	sadd.s32 s26, s2;
	s8 =	sadd.s32 $0x138000, s2;
	s16 =	sor.u32 $0x1C05, s30  }
0xe: {  	s26 =	simm.s32 $0x2;
	s13 =	sadd.s32 s9, s0;
	s0 =	sadd.s32 $0x36600, s0  }
0xf: {  	s10 =	sadd.s32 $0x2C00, s11;
	s11 =	sadd.s32 $0x2A00, s11;
	s12 =	sadd.s32 s1, s9  }
0x10: {  	s14 =	sadd.s32 $0x36800, s14;
	s31 =	sshrl.u32 s8, $0x3;
	[dreg:$0x5] =	wrdreg s0  }
0x11: {  	s15 =	smax.u32 s15, $0x1;
	s29 =	sadd.s32 s4, s6;
	[dreg:$0x6] =	wrdreg s31  }
0x12: {  	s17 =	sshrl.u32 s7, $0x3;
	s13 =	sadd.s32 $0x2E00, s13;
	[dreg:$0x4] =	wrdreg s29  }
.LBB2_1:
.Ltmp0:
0x13: {  	(pc) =	sbr.rel @!p0 .LBB2_2-.Ltmp0, $1  }
0x14: {  	_ =	sdelay $0x3  }
.Ltmp1:
0x15: {  	(pc) =	sbr.rel @p1 .LBB2_7-.Ltmp1, $4  }
0x16: {  	[spmem:s17], [sflag:s16] =	dma.local [hbm:s5], $0x2700  }
0x17: {  	_ =	swait.ge [sflag:s18], $0x2700  }
0x18: {  	[sflag:s18] =	ssyncset.done $0x0  }
0x19: {  	[sflag:s18] =	ssyncadd.s32 $0xFFFFD900  }
.Ltmp2:
0x1a: {  	(pc) =	sbr.rel .LBB2_6-.Ltmp2, $3  }
0x1b: {  	_ =	sdelay $0x1  }
0x1c: {  	s0 =	rddreg [dreg:$0x6]  }
0x1d: {  	[spmem:s0], [sflag:s16] =	dma.local [hbm:s5], $0x100  }
.LBB2_2:
.Ltmp3:
0x1e: {  	s0 =	rddreg [dreg:$0x4];
	(pc) =	sbr.rel @p1 .LBB2_7-.Ltmp3, $4  }
0x1f: {  	[spmem:s17], [sflag:s16] =	dma.local [hbm:s0], $0x2700  }
0x20: {  	_ =	swait.ge [sflag:s18], $0x2700  }
0x21: {  	[sflag:s18] =	ssyncset.done $0x0  }
0x22: {  	[sflag:s18] =	ssyncadd.s32 $0xFFFFD900  }
0x23: {  	s0 =	rddreg [dreg:$0x5]  }
0x24: {  	s1 =	rddreg [dreg:$0x6]  }
0x25: {  	[spmem:s1], [sflag:s16] =	dma.local [hbm:s0], $0x100  }
.LBB2_6:
0x26: {  	_ =	swait.ge [sflag:s18], $0x100  }
0x27: {  	[sflag:s18] =	ssyncset.done $0x0  }
0x28: {  	[sflag:s18] =	ssyncadd.s32 $0xFFFFFF00  }
.LBB2_7:
0x29: {  	[bflag:$0x0] =	sbarrier.arrive $0xFFFF;
	s0 =	simm.s32 $0x0  }
0x2a: {  	[tilespmem:s20], [sflag:$0x5] =	stream.linear.gather [hbm4b:s10+s0], $0x80, $0x38;
	[tilespmem:$0x1EA80] =	vst v63  }
0x2b: {  	_ =	swait.ge [sflag:s18], $0x80  }
0x2c: {  	[sflag:s18] =	ssyncset.done $0x0  }
0x2d: {  	[sflag:s18] =	ssyncadd.s32 $0xFFFFFF80  }
0x2e: {  	[tilespmem:s21], [sflag:$0x5] =	stream.linear.gather [hbm4b:s11+s0], $0x80, $0x38;
	[tilespmem:$0x1EA80] =	vst v63  }
0x2f: {  	_ =	swait.ge [sflag:s18], $0x80  }
0x30: {  	[sflag:s18] =	ssyncset.done $0x0  }
0x31: {  	s1 =	simm.s32 $0x10;
	[sflag:s18] =	ssyncadd.s32 $0xFFFFFF80  }
0x32: {  	[tilespmem:s22], [sflag:$0x1] =	stream.indirect.gather [hbm4b:s4+s1], $0x80, s20, s1, $0xb8;
	[tilespmem:$0x1EA80] =	vst v63  }
0x33: {  	_ =	swait.ge [sflag:s23], $0x800  }
0x34: {  	[sflag:s23] =	ssyncset.done $0x0  }
0x35: {  	[sflag:s23] =	ssyncadd.s32 $0xFFFFF800  }
0x36: {  	[spmem:s2] =	stream.indirect.scatter.add.f32 [tilespmem:s22], [sflag:$0x5], $0x80, s21, s1, $0xb8;
	[tilespmem:$0x1EA80] =	vst v63  }
0x37: {  	_ =	swait.ge [sflag:s18], $0x800  }
0x38: {  	[sflag:s18] =	ssyncset.done $0x0  }
0x39: {  	[sflag:s18] =	ssyncadd.s32 $0xFFFFF800  }
0x3a: {  	[tilespmem:s0], [sflag:$0x5] =	stream.linear.gather [hbm4b:s12+s0], $0x2700, $0x38;
	[tilespmem:$0x1EA80] =	vst v63  }
0x3b: {  	_ =	swait.ge [sflag:s18], $0x2700  }
0x3c: {  	[sflag:s18] =	ssyncset.done $0x0  }
0x3d: {  	s7 =	simm.s32 $0x2800;
	[sflag:s18] =	ssyncadd.s32 $0xFFFFD900  }
0x3e: {  	[tilespmem:s7], [sflag:$0x3] =	stream.linear.gather [hbm4b:s13+s0], $0x80, $0x38;
	[tilespmem:$0x1EA80] =	vst v63  }
0x3f: {  	s9 =	simm.s32 $0x2900;
	s7 =	simm.s32 $0x80  }
0x40: {  	[tilespmem:s9], [sflag:$0x1] =	stream.indirect.gather [hbm4b:s4+s7], $0x80, s0, s7, $0xb8;
	[tilespmem:$0x1EA80] =	vst v63  }
0x41: {  	s0 =	sand.u32 $0x1, s0  }
0x42: {  	p2 =	seq.s32 s0, $0x1  }
0x43: {  	s0 =	simm.s32 @p2 $0x2  }
0x44: {  	_ =	swait.ge @p2 [sflag:s0], $0x4000  }
0x45: {  	s9 =	simm.s32 @p2 $0x2800;
	[sflag:s0] =	ssyncset.done @p2 $0x0  }
0x46: {  	s24 =	simm.s32 @p2 $0x0;
	[sflag:s0] =	ssyncadd.s32 @p2 $0xFFFFC000;
	s0 =	sadd.s32 @p2 $0x10, s13  }
0x47: {  	[tilespmem:s9], [sflag:$0x3] =	stream.linear.gather @p2 [hbm4b:s0+s24], $0x80, $0x38;
	[tilespmem:$0x1EA80] =	vst v63  }
0x48: {  	s0 =	simm.s32 @p2 $0x80;
	s9 =	simm.s32 @p2 $0x2900;
	s24 =	simm.s32 @p2 $0x4  }
0x49: {  	[tilespmem:s9], [sflag:$0x1] =	stream.indirect.gather @p2 [hbm4b:s4+s0], $0x80, s7, s0, $0xb8;
	[tilespmem:$0x1EA80] =	vst v63  }
0x4a: {  	s25 =	simm.s32 @!p2 $0x0;
	_ =	swait.ge @p2 [sflag:s24], $0x80  }
0x4b: {  	s19 =	simm.s32 @p2 $0x6900;
	s1 =	sand.u32 @!p2 $0x70, s1;
	[sflag:s24] =	ssyncset.done @p2 $0x0  }
0x4c: {  	s9 =	simm.s32 @!p2 $0x1;
	[sflag:s24] =	ssyncadd.s32 @p2 $0xFFFFFF80;
	s24 =	simm.s32 @p2 $0x2880  }
0x4d: {  	[spmem:s2] =	stream.indirect.scatter.add.f32 @p2 [tilespmem:s19], [sflag:$0x5], $0x80, s24, s0, $0xb8;
	[tilespmem:$0x1EA80] =	vst v63  }
0x4e: {  	s0 =	sand.u32 @!p2 $0x780, s25;
	s19 =	simm.s32 @!p2 $0x2880;
	_ =	swait.ge @!p2 [sflag:s9], $0x4000  }
0x4f: {  	s25 =	simm.s32 @!p2 $0x6;
	s0 =	sadd.s32 @!p2 s13, s0;
	[sflag:s9] =	ssyncset.done @!p2 $0x0  }
0x50: {  	s0 =	sadd.s32 @!p2 s1, s0;
	s1 =	simm.s32 @!p2 $0x0;
	[sflag:s9] =	ssyncadd.s32 @!p2 $0xFFFFC000  }
0x51: {  	[tilespmem:s19], [sflag:$0x4] =	stream.linear.gather @!p2 [hbm4b:s0+s1], $0x80, $0x38;
	[tilespmem:$0x1EA80] =	vst v63  }
0x52: {  	s1 =	simm.s32 @!p2 $0x80;
	s0 =	simm.s32 @!p2 $0x6900;
	s19 =	simm.s32 @!p2 $0x3  }
0x53: {  	[tilespmem:s0], [sflag:$0x2] =	stream.indirect.gather @!p2 [hbm4b:s4+s1], $0x80, s7, s1, $0xb8;
	[tilespmem:$0x1EA80] =	vst v63  }
0x54: {  	s25 =	simm.s32 @p2 $0x5;
	_ =	swait.ge @!p2 [sflag:s19], $0x80  }
0x55: {  	s9 =	simm.s32 $0x20;
	s7 =	simm.s32 @!p2 $0x2900;
	[sflag:s19] =	ssyncset.done @!p2 $0x0  }
0x56: {  	s0 =	simm.s32 $0x1;
	[sflag:s19] =	ssyncadd.s32 @!p2 $0xFFFFFF80;
	s19 =	simm.s32 @!p2 $0x2800  }
0x57: {  	[spmem:s2] =	stream.indirect.scatter.add.f32 @!p2 [tilespmem:s7], [sflag:$0x6], $0x80, s19, s1, $0xb8;
	[tilespmem:$0x1EA80] =	vst v63  }
0x58: {  	s31 =	sand.u32 $0x1, s0;
	s7 =	simm.s32 $0x30;
	_ =	swait.ge [sflag:s25], $0x4000  }
0x59: {  	p2 =	seq.s32 s31, $0x1;
	s1 =	simm.s32 $0x100;
	[sflag:s25] =	ssyncset.done $0x0  }
.LBB2_8:
0x5a: {  	s19 =	simm.s32 @p2 $0x2  }
0x5b: {  	[sflag:s25] =	ssyncadd.s32 $0xFFFFC000;
	s24 =	smov.u32 s7;
	s7 =	sadd.s32 $0x10, s7  }
0x5c: {  	p3 =	sne.s32 s7, $0x4E0;
	_ =	swait.ge @p2 [sflag:s19], $0x4000  }
0x5d: {  	s25 =	simm.s32 @p2 $0x2800;
	[sflag:s19] =	ssyncset.done @p2 $0x0  }
0x5e: {  	s29 =	simm.s32 @p2 $0x0;
	[sflag:s19] =	ssyncadd.s32 @p2 $0xFFFFC000;
	s19 =	sadd.s32 @p2 s9, s13  }
0x5f: {  	[tilespmem:s25], [sflag:$0x3] =	stream.linear.gather @p2 [hbm4b:s19+s29], $0x80, $0x38;
	[tilespmem:$0x1EA80] =	vst v63  }
0x60: {  	s19 =	simm.s32 @p2 $0x80;
	s25 =	simm.s32 @p2 $0x2900;
	s29 =	simm.s32 @p2 $0x4  }
0x61: {  	[tilespmem:s25], [sflag:$0x1] =	stream.indirect.gather @p2 [hbm4b:s4+s19], $0x80, s1, s19, $0xb8;
	[tilespmem:$0x1EA80] =	vst v63  }
0x62: {  	_ =	swait.ge @p2 [sflag:s29], $0x80  }
0x63: {  	s30 =	sadd.s32 @!p2 $0xFFFFFFF0, s9;
	s25 =	simm.s32 @!p2 $0x1;
	[sflag:s29] =	ssyncset.done @p2 $0x0  }
0x64: {  	s31 =	simm.s32 @p2 $0x6900;
	[sflag:s29] =	ssyncadd.s32 @p2 $0xFFFFFF80;
	s29 =	simm.s32 @p2 $0x2880  }
0x65: {  	[spmem:s2] =	stream.indirect.scatter.add.f32 @p2 [tilespmem:s31], [sflag:$0x5], $0x80, s29, s19, $0xb8;
	[tilespmem:$0x1EA80] =	vst v63  }
0x66: {  	s19 =	sand.u32 @!p2 $0x780, s30;
	s29 =	simm.s32 @!p2 $0x2880;
	_ =	swait.ge @!p2 [sflag:s25], $0x4000  }
0x67: {  	s9 =	sand.u32 @!p2 $0x70, s9;
	s19 =	sadd.s32 @!p2 s13, s19;
	[sflag:s25] =	ssyncset.done @!p2 $0x0  }
0x68: {  	s9 =	sadd.s32 @!p2 s9, s19;
	s19 =	simm.s32 @!p2 $0x0;
	[sflag:s25] =	ssyncadd.s32 @!p2 $0xFFFFC000  }
0x69: {  	[tilespmem:s29], [sflag:$0x4] =	stream.linear.gather @!p2 [hbm4b:s9+s19], $0x80, $0x38;
	[tilespmem:$0x1EA80] =	vst v63  }
0x6a: {  	s9 =	simm.s32 @!p2 $0x80;
	s19 =	simm.s32 @!p2 $0x6900;
	s29 =	simm.s32 @!p2 $0x3  }
0x6b: {  	[tilespmem:s19], [sflag:$0x2] =	stream.indirect.gather @!p2 [hbm4b:s4+s9], $0x80, s1, s9, $0xb8;
	[tilespmem:$0x1EA80] =	vst v63  }
0x6c: {  	s0 =	sadd.s32 $0x1, s0;
	s19 =	simm.s32 @!p2 $0x2900;
	_ =	swait.ge @!p2 [sflag:s29], $0x80  }
.Ltmp4:
0x6d: {  	s25 =	simm.s32 @!p2 $0x6;
	[sflag:s29] =	ssyncset.done @!p2 $0x0;
	(pc) =	sbr.rel @p3 .LBB2_8-.Ltmp4, $4  }
0x6e: {  	s25 =	simm.s32 @p2 $0x5;
	[sflag:s29] =	ssyncadd.s32 @!p2 $0xFFFFFF80;
	s29 =	simm.s32 @!p2 $0x2800  }
0x6f: {  	[spmem:s2] =	stream.indirect.scatter.add.f32 @!p2 [tilespmem:s19], [sflag:$0x6], $0x80, s29, s9, $0xb8;
	[tilespmem:$0x1EA80] =	vst v63  }
0x70: {  	s19 =	sand.u32 $0x1, s0;
	s9 =	smov.u32 s24;
	_ =	swait.ge [sflag:s25], $0x4000  }
0x71: {  	s1 =	sadd.s32 $0x80, s1;
	p2 =	seq.s32 s19, $0x1;
	[sflag:s25] =	ssyncset.done $0x0  }
0x72: {  	s0 =	simm.s32 @p2 $0x2;
	[sflag:s25] =	ssyncadd.s32 $0xFFFFC000  }
0x73: {  	_ =	swait.ge @p2 [sflag:s0], $0x4000  }
0x74: {  	s7 =	simm.s32 @p2 $0x2800;
	[sflag:s0] =	ssyncset.done @p2 $0x0  }
0x75: {  	s19 =	simm.s32 @p2 $0x0;
	[sflag:s0] =	ssyncadd.s32 @p2 $0xFFFFC000;
	s0 =	sadd.s32 @p2 s9, s13  }
0x76: {  	[tilespmem:s7], [sflag:$0x3] =	stream.linear.gather @p2 [hbm4b:s0+s19], $0x80, $0x38;
	[tilespmem:$0x1EA80] =	vst v63  }
0x77: {  	s0 =	simm.s32 @p2 $0x80;
	s7 =	simm.s32 @p2 $0x2900;
	s19 =	simm.s32 @p2 $0x4  }
0x78: {  	[tilespmem:s7], [sflag:$0x1] =	stream.indirect.gather @p2 [hbm4b:s4+s0], $0x80, s1, s0, $0xb8;
	[tilespmem:$0x1EA80] =	vst v63  }
0x79: {  	_ =	swait.ge @p2 [sflag:s19], $0x80  }
0x7a: {  	s24 =	sadd.s32 @!p2 $0xFFFFFFF0, s9;
	s25 =	simm.s32 @p2 $0x6900;
	[sflag:s19] =	ssyncset.done @p2 $0x0  }
0x7b: {  	s7 =	simm.s32 @!p2 $0x1;
	[sflag:s19] =	ssyncadd.s32 @p2 $0xFFFFFF80;
	s19 =	simm.s32 @p2 $0x2880  }
0x7c: {  	[spmem:s2] =	stream.indirect.scatter.add.f32 @p2 [tilespmem:s25], [sflag:$0x5], $0x80, s19, s0, $0xb8;
	[tilespmem:$0x1EA80] =	vst v63  }
0x7d: {  	s9 =	sand.u32 @!p2 $0x70, s9;
	s0 =	sand.u32 @!p2 $0x780, s24;
	_ =	swait.ge @!p2 [sflag:s7], $0x4000  }
0x7e: {  	s19 =	simm.s32 @!p2 $0x2880;
	s0 =	sadd.s32 @!p2 s13, s0;
	[sflag:s7] =	ssyncset.done @!p2 $0x0  }
0x7f: {  	s0 =	sadd.s32 @!p2 s9, s0;
	[sflag:s7] =	ssyncadd.s32 @!p2 $0xFFFFC000;
	s7 =	simm.s32 @!p2 $0x0  }
0x80: {  	[tilespmem:s19], [sflag:$0x4] =	stream.linear.gather @!p2 [hbm4b:s0+s7], $0x80, $0x38;
	[tilespmem:$0x1EA80] =	vst v63  }
0x81: {  	s9 =	simm.s32 @!p2 $0x3;
	s0 =	simm.s32 @!p2 $0x80;
	s7 =	simm.s32 @!p2 $0x6900  }
0x82: {  	[tilespmem:s7], [sflag:$0x2] =	stream.indirect.gather @!p2 [hbm4b:s4+s0], $0x80, s1, s0, $0xb8;
	[tilespmem:$0x1EA80] =	vst v63  }
0x83: {  	_ =	swait.ge @!p2 [sflag:s9], $0x80  }
0x84: {  	s1 =	simm.s32 @!p2 $0x2900;
	s7 =	simm.s32 @!p2 $0x6;
	[sflag:s9] =	ssyncset.done @!p2 $0x0  }
0x85: {  	s7 =	simm.s32 @p2 $0x5;
	[sflag:s9] =	ssyncadd.s32 @!p2 $0xFFFFFF80;
	s9 =	simm.s32 @!p2 $0x2800  }
0x86: {  	[spmem:s2] =	stream.indirect.scatter.add.f32 @!p2 [tilespmem:s1], [sflag:$0x6], $0x80, s9, s0, $0xb8;
	[tilespmem:$0x1EA80] =	vst v63  }
0x87: {  	_ =	swait.ge [sflag:s7], $0x4000  }
0x88: {  	[sflag:s7] =	ssyncset.done $0x0  }
0x89: {  	[sflag:s7] =	ssyncadd.s32 $0xFFFFC000  }
0x8a: {  	_ =	swait.ge [sflag:s26], $0x4000  }
0x8b: {  	[sflag:s26] =	ssyncset.done $0x0  }
0x8c: {  	[sflag:s26] =	ssyncadd.s32 $0xFFFFC000  }
0x8d: {  	_ =	swait.ge [sflag:s28], $0x80  }
0x8e: {  	s29 =	simm.s32 $0x2880;
	[sflag:s28] =	ssyncset.done $0x0  }
0x8f: {  	s30 =	simm.s32 $0x6900;
	s25 =	simm.s32 $0x80;
	[sflag:s28] =	ssyncadd.s32 $0xFFFFFF80  }
0x90: {  	[spmem:s2] =	stream.indirect.scatter.add.f32 [tilespmem:s30], [sflag:$0x5], $0x80, s29, s25, $0xb8;
	[tilespmem:$0x1EA80] =	vst v63  }
0x91: {  	_ =	swait.ge [sflag:s18], $0x4000  }
0x92: {  	[sflag:s18] =	ssyncset.done $0x0  }
0x93: {  	[sflag:s18] =	ssyncadd.s32 $0xFFFFC000  }
0x94: {  	s31 =	sadd.s32 s6, s14;
	[bflag:$0x0] =	sbarrier.arrive $0xFFFF  }
0x95: {  	[hbm:s31], [sflag:s16] =	dma.local [spmem:s17], $0x2700  }
0x96: {  	_ =	swait.ge [sflag:s18], $0x2700  }
0x97: {  	s3 =	sadd.s32 $0x1, s3;
	s0 =	sadd.s32 @!p1 $0x27000, s14;
	[sflag:s18] =	ssyncset.done $0x0  }
0x98: {  	s1 =	sshrl.u32 @!p1 s8, $0x3;
	p2 =	sne.s32 s3, s15;
	[sflag:s18] =	ssyncadd.s32 $0xFFFFD900  }
0x99: {  	[hbm:s0], [sflag:s16] =	dma.local @!p1 [spmem:s1], $0x100  }
.Ltmp5:
0x9a: {  	_ = 	snop;
	(pc) =	sbr.rel @p2 .LBB2_1-.Ltmp5, $4  }
0x9b: {  	s0 =	simm.s32 @!p1 $0x5  }
0x9c: {  	_ =	swait.ge @!p1 [sflag:s0], $0x100  }
0x9d: {  	[sflag:s0] =	ssyncset.done @!p1 $0x0  }
0x9e: {  	[sflag:s0] =	ssyncadd.s32 @!p1 $0xFFFFFF00  }
0x9f: {  	_ =	sfence.sel $0x180000  }
0xa0: {  	[bflag:$0x0] =	sbarrier.arrive $0xFFFF  }
0xa1: {  	_ =	strace $0x9000004A  }
0xa2: {  	s0 =	stileid.u32;
	[bflag:$0x2] =	sbarrier.arrive $0xFFFF  }
0xa3: {  	p0 =	sne.s32 s0, $0x0;
	s0 =	rddreg [dreg:$0x3]  }
0xa4: {  	s0 =	sadd.s32 @!p0 $0x100000, s0  }
0xa5: {  	[sflag:s0] =	ssyncadd.tile.s32 @!p0 $0x1;
	_ =	shalt  }
.Lfunc_end2:
_tile_overlayer_lowered:
.L_overlay_start_2:
0xa6: {  	(tag) =	ssettag $0x2  }
0xa7: {  	s0 =	rddreg [dreg:$0x0];
	s2 =	stileid.u32  }
0xa8: {  	s1 =	rddreg [dreg:$0x1];
	p0 =	sne.s32 s2, $0x0  }
0xa9: {  	s3 =	rddreg [dreg:$0x2];
	[bflag:$0x3] =	sbarrier.arrive $0xFFFF;
	s2 =	simm.s32 @!p0 $0x1C05  }
0xaa: {  	[timem:s3], [sflag:s2] =	dma.local @!p0 [hbm:s0], s1  }
0xab: {  	s0 =	simm.s32 @!p0 $0x5  }
0xac: {  	_ =	swait.ge @!p0 [sflag:s0], s1  }
0xad: {  	s1 =	ssub.s32 @!p0 $0x0, s1;
	[sflag:s0] =	ssyncset.done @!p0 $0x0  }
0xae: {  	[sflag:s0] =	ssyncadd.s32 @!p0 s1  }
0xaf: {  	[bflag:$0x3] =	sbarrier.arrive $0xFFFF  }
0xb0: {  	_ =	shalt  }

// kernel: kernel.17.cloned.1.call-start
scs
__scs_entry_jumppad:
0x0: {  	(pc) =	sbr.rel $0x88, $3  }
0x1: {  	(tag) =	ssettag $0x0;
	lr =	simm.s32 $0x1  }
0x2: {  	[smem:$0x3F97] =	sst lr;
	_ =	strace $0xD0000000  }
0x3: {  	_ = 	snop  }
0x4: {  	_ = 	snop  }
0x5: {  	_ = 	snop  }
0x6: {  	_ = 	snop  }
0x7: {  	_ = 	snop  }
__scs_overlays_trampoline_lowered:
0x8: {  	[smem:$0x3FA6] =	sst s0  }
0x9: {  	[smem:$0x3FA7] =	sst s1  }
0xa: {  	[smem:$0x3FA8] =	sst s2  }
0xb: {  	[smem:$0x3FA9] =	sst s3  }
0xc: {  	[smem:$0x3FAA] =	sst s4  }
0xd: {  	[smem:$0x3FAB] =	sst s5  }
0xe: {  	[smem:$0x3FAC] =	sst s6  }
0xf: {  	[smem:$0x3FAD] =	sst s7  }
0x10: {  	[smem:$0x3FAE] =	sst s8  }
0x11: {  	[smem:$0x3FAF] =	sst s9;
	s0 =	simm.s32 @!p0 $0x0  }
0x12: {  	s1 =	sld [smem:$0x3F95];
	s0 =	simm.s32 @p0 $0x1  }
0x13: {  	[smem:$0x3FB0] =	sst s0;
	s0 =	simm.s32 @!p1 $0x0  }
0x14: {  	s2 =	sld [smem:$0x3F94];
	s0 =	simm.s32 @p1 $0x1  }
0x15: {  	[smem:$0x3FB1] =	sst s0;
	s0 =	simm.s32 @!p2 $0x0  }
0x16: {  	s3 =	sld [smem:$0x3FDB];
	s0 =	simm.s32 @p2 $0x1  }
0x17: {  	s4 =	simm.s32 $0x1BF5;
	[smem:$0x3FB3] =	sst s0  }
0x18: {  	s0 =	sld [smem:$0x3F96];
	_ =	swait.ge [sflag:s4], $0x0  }
0x19: {  	s7 =	sld [smem:$0x3F97]  }
0x1a: {  	s8 =	sadd.s32 $0xFFFFE003, lr  }
0x1b: {  	s9 =	sadd.s32 $0xFFFFFEF7, lr;
	s5 =	simm.s32 $0xFFFFFFFF;
	p2 =	slt.u32 s8, $0xFFFFF086  }
0x1c: {  	p1 =	slt.u32 s9, $0xF7A;
	s5 =	simm.s32 @!p2 $0x0  }
0x1d: {  	s5 =	simm.s32 @p1 $0x1;
	p0 =	seq.s32 s7, s2  }
0x1e: {  	s7 =	smul.u32 @!p0 $0xF7A, s2;
	p2 =	seq.s32 @!p0 s5, $0x0  }
0x1f: {  	s9 =	smul.u32 $0xF7A, s1;
	s8 =	simm.s32 @!p0 $0x1BF5;
	p2 =	por !p2, p0  }
0x20: {  	[sflag:s8] =	ssyncset.s32 @!p0 $0xFFFFF086;
	s6 =	sadd.s32 @!p0 s3, s7;
	s7 =	simm.s32 @!p0 $0x108  }
0x21: {  	s3 =	sadd.s32 s3, s9;
	s6 =	sadd.s32 @!p0 $0x88, s6;
	s7 =	simm.s32 @p2 $0x1082  }
0x22: {  	[simem:s7], [sflag:s8] =	dma.local @!p0 [hbm:s6], $0xF7A  }
0x23: {  	s9 =	sor.u32 $0xD0000000, s2;
	s6 =	simm.s32 $0x108;
	_ =	swait.ge @!p0 [sflag:s8], $0x0  }
0x24: {  	s3 =	sadd.s32 $0x88, s3;
	s6 =	simm.s32 @!p1 $0x1082;
	[sflag:s4] =	ssyncset.s32 $0xFFFFF086  }
0x25: {  	[simem:s6], [sflag:s4] =	dma.local [hbm:s3], $0xF7A  }
0x26: {  	[smem:$0x3F97] =	sst s1;
	(tag) =	ssettag s2;
	_ =	strace s9  }
0x27: {  	s1 =	sld [smem:$0x3FA7]  }
0x28: {  	s2 =	sld [smem:$0x3FA8]  }
0x29: {  	s4 =	sld [smem:$0x3FAA]  }
0x2a: {  	p0 =	seq.s32 s5, $0x0;
	s5 =	sld [smem:$0x3FAB]  }
0x2b: {  	s6 =	sld [smem:$0x3FAC]  }
0x2c: {  	s7 =	sld [smem:$0x3FAD]  }
0x2d: {  	s3 =	simm.s32 $0x108;
	s8 =	sld [smem:$0x3FAE]  }
0x2e: {  	s3 =	simm.s32 @!p0 $0x1082;
	s9 =	sld [smem:$0x3FAF]  }
0x2f: {  	lr =	sadd.s32 s0, s3;
	s0 =	sld [smem:$0x3FA6]  }
0x30: {  	s3 =	sld [smem:$0x3FA9]  }
0x31: {  	[smem:$0x3FB2] =	sst s10  }
0x32: {  	s10 =	sld [smem:$0x3FB0];
	_ =	sdelay $0x3  }
0x33: {  	p0 =	seq.s32 s10, $0x1;
	s10 =	sld [smem:$0x3FB2];
	_ =	sdelay $0x3  }
0x34: {  	[smem:$0x3FB2] =	sst s10  }
0x35: {  	s10 =	sld [smem:$0x3FB1];
	_ =	sdelay $0x3  }
0x36: {  	p1 =	seq.s32 s10, $0x1;
	s10 =	sld [smem:$0x3FB2];
	_ =	sdelay $0x3  }
0x37: {  	[smem:$0x3FB2] =	sst s10  }
0x38: {  	s10 =	sld [smem:$0x3FB3]  }
0x39: {  	_ = 	snop;
	(pc) =	sbr.ind lr, $3  }
0x3a: {  	_ = 	snop  }
0x3b: {  	_ = 	snop  }
0x3c: {  	p2 =	seq.s32 s10, $0x1;
	s10 =	sld [smem:$0x3FB2]  }
0x3d: {  	_ =	shalt  }
0x3e: {  	_ =	shalt  }
0x3f: {  	_ =	shalt  }
0x40: {  	_ =	shalt  }
0x41: {  	_ =	shalt  }
0x42: {  	_ =	shalt  }
0x43: {  	_ =	shalt  }
0x44: {  	_ =	shalt  }
0x45: {  	_ =	shalt  }
0x46: {  	_ =	shalt  }
0x47: {  	_ =	shalt  }
0x48: {  	_ =	shalt  }
0x49: {  	_ =	shalt  }
0x4a: {  	_ =	shalt  }
0x4b: {  	_ =	shalt  }
0x4c: {  	_ =	shalt  }
0x4d: {  	_ =	shalt  }
0x4e: {  	_ =	shalt  }
0x4f: {  	_ =	shalt  }
0x50: {  	_ =	shalt  }
0x51: {  	_ =	shalt  }
0x52: {  	_ =	shalt  }
0x53: {  	_ =	shalt  }
0x54: {  	_ =	shalt  }
0x55: {  	_ =	shalt  }
0x56: {  	_ =	shalt  }
0x57: {  	_ =	shalt  }
0x58: {  	_ =	shalt  }
0x59: {  	_ =	shalt  }
0x5a: {  	_ =	shalt  }
0x5b: {  	_ =	shalt  }
0x5c: {  	_ =	shalt  }
0x5d: {  	_ =	shalt  }
0x5e: {  	_ =	shalt  }
0x5f: {  	_ =	shalt  }
0x60: {  	_ =	shalt  }
0x61: {  	_ =	shalt  }
0x62: {  	_ =	shalt  }
0x63: {  	_ =	shalt  }
0x64: {  	_ =	shalt  }
0x65: {  	_ =	shalt  }
0x66: {  	_ =	shalt  }
0x67: {  	_ =	shalt  }
0x68: {  	_ =	shalt  }
0x69: {  	_ =	shalt  }
0x6a: {  	_ =	shalt  }
0x6b: {  	_ =	shalt  }
0x6c: {  	_ =	shalt  }
0x6d: {  	_ =	shalt  }
0x6e: {  	_ =	shalt  }
0x6f: {  	_ =	shalt  }
0x70: {  	_ =	shalt  }
0x71: {  	_ =	shalt  }
0x72: {  	_ =	shalt  }
0x73: {  	_ =	shalt  }
0x74: {  	_ =	shalt  }
0x75: {  	_ =	shalt  }
0x76: {  	_ =	shalt  }
0x77: {  	_ =	shalt  }
0x78: {  	_ =	shalt  }
0x79: {  	_ =	shalt  }
0x7a: {  	_ =	shalt  }
0x7b: {  	_ =	shalt  }
0x7c: {  	_ =	shalt  }
0x7d: {  	_ =	shalt  }
0x7e: {  	_ =	shalt  }
0x7f: {  	_ =	shalt  }
0x80: {  	_ =	shalt  }
0x81: {  	_ =	shalt  }
0x82: {  	_ =	shalt  }
0x83: {  	_ =	shalt  }
0x84: {  	_ =	shalt  }
0x85: {  	_ =	shalt  }
0x86: {  	_ =	shalt  }
0x87: {  	_ =	shalt  }
.Lfunc_end0:
.L_simem_size_0:
called_computation.2_lowered:
.L_overlay_start_0:
0x88: {  	s2 =	sld [smem:$0x3FD9]  }
0x89: {  	s3 =	sld [smem:$0x3FFE];
	_ =	sdelay $0x1  }
0x8a: {  	s1 =	srdreg.scid  }
0x8b: {  	s0 =	sand.u32 $0x1, s1  }
0x8c: {  	s17 =	sshll.u32 s0, $0xA;
	s2 =	sadd.s32 s3, s2  }
0x8d: {  	s2 =	sadd.s32 s2, s17  }
0x8e: {  	[smem:$0x3FBE] =	sst s2  }
0x8f: {  	_ = 	snop  }
0x90: {  	s2 =	sld [smem:$0x3FD0];
	(tm) =	ssettm $0x1  }
0x91: {  	s18 =	sld [smem:$0x3FFB];
	_ =	sdelay $0x3  }
0x92: {  	_ =	strace s18  }
0x93: {  	s3 =	sld [smem:$0x3FFC];
	_ =	sdelay $0x3  }
0x94: {  	_ =	strace s3  }
0x95: {  	s3 =	sld [smem:$0x3FFD];
	_ =	sdelay $0x3  }
0x96: {  	_ =	strace s3  }
0x97: {  	_ =	strace $0x8FFFFFFF  }
0x98: {  	s19 =	sld [smem:$0x3FDB];
	_ =	sdelay $0x1  }
0x99: {  	s4 =	simm.s32 $_scs_section_size  }
0x9a: {  	s5 =	simm.s32 $_size__tile_overlayer_lowered;
	s6 =	simm.s32 $_tile_overlayer_lowered  }
0x9b: {  	s22 =	simm.s32 $0x1BFF;
	s21 =	sshll.u32 s6, $0x1;
	s3 =	sadd.s32 s4, s19  }
0x9c: {  	s7 =	simm.s32 $0x0;
	s20 =	sshll.u32 s5, $0x1;
	s5 =	sadd.s32 s21, s3  }
0x9d: {  	[timem:s7], [sflag:s22] =	dma.local [hbm:s5], s20  }
0x9e: {  	_ =	swait.ge [sflag:s22], s20  }
0x9f: {  	s4 =	ssub.s32 $0x0, s20;
	[sflag:s22] =	ssyncset.done $0x0  }
0xa0: {  	[sflag:s22] =	ssyncadd.s32 s4;
	_ =	sdelay $0x1  }
0xa1: {  	s23 =	simm.s32 $0x1B8B  }
0xa2: {  	_ =	swait.ge [sflag:s23], $0x1  }
0xa3: {  	[sflag:s23] =	ssyncset.done $0x0  }
0xa4: {  	s25 =	simm.s32 $0x1B8E;
	s24 =	sld [smem:$0x3FFE];
	[sflag:s23] =	ssyncadd.s32 $0xFFFFFFFF  }
0xa5: {  	s26 =	simm.s32 $execute0_lowered;
	[smem:$0x3FD2] =	sst s25  }
0xa6: {  	s5 =	sshll.u32 s26, $0x1;
	_ =	strace $0x8000004C;
	[dreg:$0x1] =	wrdreg $0xFFFFFFFF  }
0xa7: {  	s28 =	simm.s32 $_size_execute0_lowered;
	s3 =	sadd.s32 s3, s5;
	[dreg:$0x0] =	wrdreg $0x0  }
0xa8: {  	s5 =	sshll.u32 s28, $0x1;
	[dreg:$0x2] =	wrdreg s3  }
0xa9: {  	[dreg:$0x3] =	wrdreg s5  }
0xaa: {  	[dreg:$0x4] =	wrdreg $0xC0  }
0xab: {  	_ =	task [dreg:s7], $0x5FFFF  }
0xac: {  	[dreg:$0x1] =	wrdreg $0xFFFFFFFF  }
0xad: {  	[dreg:$0x0] =	wrdreg $0x60  }
0xae: {  	[dreg:$0x2] =	wrdreg s24  }
0xaf: {  	[dreg:$0x3] =	wrdreg s2  }
0xb0: {  	[dreg:$0x4] =	wrdreg $0xB2000  }
0xb1: {  	[dreg:$0x5] =	wrdreg $0x9  }
0xb2: {  	_ =	task.clear_ibuf [dreg:s7], $0x6FFFF;
	_ =	strace $0x9000004C  }
0xb3: {  	s29 =	simm.s32 $0x9;
	_ =	strace $0x8000004E  }
0xb4: {  	_ =	swait.ge [sflag:s29], $0x1  }
0xb5: {  	[sflag:s29] =	ssyncadd.s32 $0xFFFFFFFF  }
0xb6: {  	_ =	strace $0x9000004E  }
0xb7: {  	_ =	sfence  }
0xb8: {  	s30 =	sld [smem:$0x0];
	_ =	sdelay $0x2  }
0xb9: {  	s31 =	sshll.u32 s1, $0xD;
	s1 =	sshrl.u32 s1, $0x2  }
0xba: {  	s3 =	sand.u32 $0x4000, s31;
	s1 =	sadd.s32 s1, s30  }
0xbb: {  	s0 =	sor.u32 s3, s0;
	s1 =	sshll.u32 s1, $0x11  }
0xbc: {  	s0 =	sor.u32 s1, s0  }
0xbd: {  	s0 =	sadd.s32 $0x8F2B, s0  }
0xbe: {  	[sflag:s0] =	ssyncadd.remote.s32 $0x1  }
0xbf: {  	_ =	sfence.sel $0xFFFF  }
0xc0: {  	[dreg:$0x0] =	wrdreg $0xFFFFFFFF;
	(pc) =	sbr.abs _section_cstart, $3  }
0xc1: {  	[dreg:$0x1] =	wrdreg $0xFFFFFFFF  }
0xc2: {  	_ =	task.clear_ibuf [dreg:s7], $0x2FFFF;
	_ =	strace $0x9FFFFFFF  }
0xc3: {  	(tm) =	ssettm $0x7FFFFFFF  }
tec
execute0_lowered:
.L_overlay_start_1:
0x0: {  	(tag) =	ssettag $0x1  }
0x1: {  	s0 =	rddreg [dreg:$0x0]  }
0x2: {  	s1 =	rddreg [dreg:$0x1];
	s3 =	srdreg.scid  }
0x3: {  	s16 =	stileid.u32;
	s2 =	rddreg [dreg:$0x2];
	s18 =	simm.s32 $0x5  }
0x4: {  	s20 =	simm.s32 $0xA900;
	s21 =	simm.s32 $0xA980;
	s22 =	simm.s32 $0xAA00  }
0x5: {  	s23 =	simm.s32 $0x1;
	s28 =	simm.s32 $0x4;
	s7 =	sand.u32 $0x1, s3  }
0x6: {  	s4 =	sshll.u32 s16, $0x1;
	s3 =	simm.s32 $0x0;
	s10 =	smul.u32 $0x4E000, s16  }
0x7: {  	p1 =	sne.s32 s16, $0xF;
	s30 =	sshll.u32 s16, $0x6;
	s5 =	sor.u32 s7, s4  }
0x8: {  	[smem:$0x7FF] =	sst s3;
	s4 =	sadd.s32 $0xF600, s0;
	s6 =	smul.u32 $0x27100, s7  }
0x9: {  	s8 =	ssub.s32 $0x2, s7;
	p0 =	seq.s32 s7, $0x1;
	s9 =	smul.u32 $0x500, s5  }
0xa: {  	_ =	strace $0x8000004D;
	s5 =	sshll.u32 s5, $0x4;
	s12 =	sshrl.u32 s8, $0x1  }
0xb: {  	s26 =	sshrl.u32 s10, $0x2;
	s11 =	sadd.s32 s5, s0;
	s5 =	sadd.s32 $0xCE00, s0  }
0xc: {  	s14 =	sadd.s32 s6, s0;
	s6 =	smul.u32 $0x2700, s16;
	s15 =	ssub.s32 s8, s12  }
0xd: {  	s7 =	sadd.s32 s26, s2;
	s8 =	sadd.s32 $0x138000, s2;
	s16 =	sor.u32 $0x1C05, s30  }
0xe: {  	s26 =	simm.s32 $0x2;
	s13 =	sadd.s32 s9, s0;
	s0 =	sadd.s32 $0x36600, s0  }
0xf: {  	s10 =	sadd.s32 $0x2C00, s11;
	s11 =	sadd.s32 $0x2A00, s11;
	s12 =	sadd.s32 s1, s9  }
0x10: {  	s14 =	sadd.s32 $0x36800, s14;
	s31 =	sshrl.u32 s8, $0x3;
	[dreg:$0x5] =	wrdreg s0  }
0x11: {  	s15 =	smax.u32 s15, $0x1;
	s29 =	sadd.s32 s4, s6;
	[dreg:$0x6] =	wrdreg s31  }
0x12: {  	s17 =	sshrl.u32 s7, $0x3;
	s13 =	sadd.s32 $0x2E00, s13;
	[dreg:$0x4] =	wrdreg s29  }
.LBB2_1:
.Ltmp0:
0x13: {  	(pc) =	sbr.rel @!p0 .LBB2_2-.Ltmp0, $1  }
0x14: {  	_ =	sdelay $0x3  }
.Ltmp1:
0x15: {  	(pc) =	sbr.rel @p1 .LBB2_7-.Ltmp1, $4  }
0x16: {  	[spmem:s17], [sflag:s16] =	dma.local [hbm:s5], $0x2700  }
0x17: {  	_ =	swait.ge [sflag:s18], $0x2700  }
0x18: {  	[sflag:s18] =	ssyncset.done $0x0  }
0x19: {  	[sflag:s18] =	ssyncadd.s32 $0xFFFFD900  }
.Ltmp2:
0x1a: {  	(pc) =	sbr.rel .LBB2_6-.Ltmp2, $3  }
0x1b: {  	_ =	sdelay $0x1  }
0x1c: {  	s0 =	rddreg [dreg:$0x6]  }
0x1d: {  	[spmem:s0], [sflag:s16] =	dma.local [hbm:s5], $0x100  }
.LBB2_2:
.Ltmp3:
0x1e: {  	s0 =	rddreg [dreg:$0x4];
	(pc) =	sbr.rel @p1 .LBB2_7-.Ltmp3, $4  }
0x1f: {  	[spmem:s17], [sflag:s16] =	dma.local [hbm:s0], $0x2700  }
0x20: {  	_ =	swait.ge [sflag:s18], $0x2700  }
0x21: {  	[sflag:s18] =	ssyncset.done $0x0  }
0x22: {  	[sflag:s18] =	ssyncadd.s32 $0xFFFFD900  }
0x23: {  	s0 =	rddreg [dreg:$0x5]  }
0x24: {  	s1 =	rddreg [dreg:$0x6]  }
0x25: {  	[spmem:s1], [sflag:s16] =	dma.local [hbm:s0], $0x100  }
.LBB2_6:
0x26: {  	_ =	swait.ge [sflag:s18], $0x100  }
0x27: {  	[sflag:s18] =	ssyncset.done $0x0  }
0x28: {  	[sflag:s18] =	ssyncadd.s32 $0xFFFFFF00  }
.LBB2_7:
0x29: {  	[bflag:$0x0] =	sbarrier.arrive $0xFFFF;
	s0 =	simm.s32 $0x0  }
0x2a: {  	[tilespmem:s20], [sflag:$0x5] =	stream.linear.gather [hbm4b:s10+s0], $0x80, $0x38;
	[tilespmem:$0x1EA80] =	vst v63  }
0x2b: {  	_ =	swait.ge [sflag:s18], $0x80  }
0x2c: {  	[sflag:s18] =	ssyncset.done $0x0  }
0x2d: {  	[sflag:s18] =	ssyncadd.s32 $0xFFFFFF80  }
0x2e: {  	[tilespmem:s21], [sflag:$0x5] =	stream.linear.gather [hbm4b:s11+s0], $0x80, $0x38;
	[tilespmem:$0x1EA80] =	vst v63  }
0x2f: {  	_ =	swait.ge [sflag:s18], $0x80  }
0x30: {  	[sflag:s18] =	ssyncset.done $0x0  }
0x31: {  	s1 =	simm.s32 $0x10;
	[sflag:s18] =	ssyncadd.s32 $0xFFFFFF80  }
0x32: {  	[tilespmem:s22], [sflag:$0x1] =	stream.indirect.gather [hbm4b:s4+s1], $0x80, s20, s1, $0xb8;
	[tilespmem:$0x1EA80] =	vst v63  }
0x33: {  	_ =	swait.ge [sflag:s23], $0x800  }
0x34: {  	[sflag:s23] =	ssyncset.done $0x0  }
0x35: {  	[sflag:s23] =	ssyncadd.s32 $0xFFFFF800  }
0x36: {  	[spmem:s2] =	stream.indirect.scatter.add.f32 [tilespmem:s22], [sflag:$0x5], $0x80, s21, s1, $0xb8;
	[tilespmem:$0x1EA80] =	vst v63  }
0x37: {  	_ =	swait.ge [sflag:s18], $0x800  }
0x38: {  	[sflag:s18] =	ssyncset.done $0x0  }
0x39: {  	[sflag:s18] =	ssyncadd.s32 $0xFFFFF800  }
0x3a: {  	[tilespmem:s0], [sflag:$0x5] =	stream.linear.gather [hbm4b:s12+s0], $0x2700, $0x38;
	[tilespmem:$0x1EA80] =	vst v63  }
0x3b: {  	_ =	swait.ge [sflag:s18], $0x2700  }
0x3c: {  	[sflag:s18] =	ssyncset.done $0x0  }
0x3d: {  	s7 =	simm.s32 $0x2800;
	[sflag:s18] =	ssyncadd.s32 $0xFFFFD900  }
0x3e: {  	[tilespmem:s7], [sflag:$0x3] =	stream.linear.gather [hbm4b:s13+s0], $0x80, $0x38;
	[tilespmem:$0x1EA80] =	vst v63  }
0x3f: {  	s9 =	simm.s32 $0x2900;
	s7 =	simm.s32 $0x80  }
0x40: {  	[tilespmem:s9], [sflag:$0x1] =	stream.indirect.gather [hbm4b:s4+s7], $0x80, s0, s7, $0xb8;
	[tilespmem:$0x1EA80] =	vst v63  }
0x41: {  	s0 =	sand.u32 $0x1, s0  }
0x42: {  	p2 =	seq.s32 s0, $0x1  }
0x43: {  	s0 =	simm.s32 @p2 $0x2  }
0x44: {  	_ =	swait.ge @p2 [sflag:s0], $0x4000  }
0x45: {  	s9 =	simm.s32 @p2 $0x2800;
	[sflag:s0] =	ssyncset.done @p2 $0x0  }
0x46: {  	s24 =	simm.s32 @p2 $0x0;
	[sflag:s0] =	ssyncadd.s32 @p2 $0xFFFFC000;
	s0 =	sadd.s32 @p2 $0x10, s13  }
0x47: {  	[tilespmem:s9], [sflag:$0x3] =	stream.linear.gather @p2 [hbm4b:s0+s24], $0x80, $0x38;
	[tilespmem:$0x1EA80] =	vst v63  }
0x48: {  	s0 =	simm.s32 @p2 $0x80;
	s9 =	simm.s32 @p2 $0x2900;
	s24 =	simm.s32 @p2 $0x4  }
0x49: {  	[tilespmem:s9], [sflag:$0x1] =	stream.indirect.gather @p2 [hbm4b:s4+s0], $0x80, s7, s0, $0xb8;
	[tilespmem:$0x1EA80] =	vst v63  }
0x4a: {  	s25 =	simm.s32 @!p2 $0x0;
	_ =	swait.ge @p2 [sflag:s24], $0x80  }
0x4b: {  	s19 =	simm.s32 @p2 $0x6900;
	s1 =	sand.u32 @!p2 $0x70, s1;
	[sflag:s24] =	ssyncset.done @p2 $0x0  }
0x4c: {  	s9 =	simm.s32 @!p2 $0x1;
	[sflag:s24] =	ssyncadd.s32 @p2 $0xFFFFFF80;
	s24 =	simm.s32 @p2 $0x2880  }
0x4d: {  	[spmem:s2] =	stream.indirect.scatter.add.f32 @p2 [tilespmem:s19], [sflag:$0x5], $0x80, s24, s0, $0xb8;
	[tilespmem:$0x1EA80] =	vst v63  }
0x4e: {  	s0 =	sand.u32 @!p2 $0x780, s25;
	s19 =	simm.s32 @!p2 $0x2880;
	_ =	swait.ge @!p2 [sflag:s9], $0x4000  }
0x4f: {  	s25 =	simm.s32 @!p2 $0x6;
	s0 =	sadd.s32 @!p2 s13, s0;
	[sflag:s9] =	ssyncset.done @!p2 $0x0  }
0x50: {  	s0 =	sadd.s32 @!p2 s1, s0;
	s1 =	simm.s32 @!p2 $0x0;
	[sflag:s9] =	ssyncadd.s32 @!p2 $0xFFFFC000  }
0x51: {  	[tilespmem:s19], [sflag:$0x4] =	stream.linear.gather @!p2 [hbm4b:s0+s1], $0x80, $0x38;
	[tilespmem:$0x1EA80] =	vst v63  }
0x52: {  	s1 =	simm.s32 @!p2 $0x80;
	s0 =	simm.s32 @!p2 $0x6900;
	s19 =	simm.s32 @!p2 $0x3  }
0x53: {  	[tilespmem:s0], [sflag:$0x2] =	stream.indirect.gather @!p2 [hbm4b:s4+s1], $0x80, s7, s1, $0xb8;
	[tilespmem:$0x1EA80] =	vst v63  }
0x54: {  	s25 =	simm.s32 @p2 $0x5;
	_ =	swait.ge @!p2 [sflag:s19], $0x80  }
0x55: {  	s9 =	simm.s32 $0x20;
	s7 =	simm.s32 @!p2 $0x2900;
	[sflag:s19] =	ssyncset.done @!p2 $0x0  }
0x56: {  	s0 =	simm.s32 $0x1;
	[sflag:s19] =	ssyncadd.s32 @!p2 $0xFFFFFF80;
	s19 =	simm.s32 @!p2 $0x2800  }
0x57: {  	[spmem:s2] =	stream.indirect.scatter.add.f32 @!p2 [tilespmem:s7], [sflag:$0x6], $0x80, s19, s1, $0xb8;
	[tilespmem:$0x1EA80] =	vst v63  }
0x58: {  	s31 =	sand.u32 $0x1, s0;
	s7 =	simm.s32 $0x30;
	_ =	swait.ge [sflag:s25], $0x4000  }
0x59: {  	p2 =	seq.s32 s31, $0x1;
	s1 =	simm.s32 $0x100;
	[sflag:s25] =	ssyncset.done $0x0  }
.LBB2_8:
0x5a: {  	s19 =	simm.s32 @p2 $0x2  }
0x5b: {  	[sflag:s25] =	ssyncadd.s32 $0xFFFFC000;
	s24 =	smov.u32 s7;
	s7 =	sadd.s32 $0x10, s7  }
0x5c: {  	p3 =	sne.s32 s7, $0x4E0;
	_ =	swait.ge @p2 [sflag:s19], $0x4000  }
0x5d: {  	s25 =	simm.s32 @p2 $0x2800;
	[sflag:s19] =	ssyncset.done @p2 $0x0  }
0x5e: {  	s29 =	simm.s32 @p2 $0x0;
	[sflag:s19] =	ssyncadd.s32 @p2 $0xFFFFC000;
	s19 =	sadd.s32 @p2 s9, s13  }
0x5f: {  	[tilespmem:s25], [sflag:$0x3] =	stream.linear.gather @p2 [hbm4b:s19+s29], $0x80, $0x38;
	[tilespmem:$0x1EA80] =	vst v63  }
0x60: {  	s19 =	simm.s32 @p2 $0x80;
	s25 =	simm.s32 @p2 $0x2900;
	s29 =	simm.s32 @p2 $0x4  }
0x61: {  	[tilespmem:s25], [sflag:$0x1] =	stream.indirect.gather @p2 [hbm4b:s4+s19], $0x80, s1, s19, $0xb8;
	[tilespmem:$0x1EA80] =	vst v63  }
0x62: {  	_ =	swait.ge @p2 [sflag:s29], $0x80  }
0x63: {  	s30 =	sadd.s32 @!p2 $0xFFFFFFF0, s9;
	s25 =	simm.s32 @!p2 $0x1;
	[sflag:s29] =	ssyncset.done @p2 $0x0  }
0x64: {  	s31 =	simm.s32 @p2 $0x6900;
	[sflag:s29] =	ssyncadd.s32 @p2 $0xFFFFFF80;
	s29 =	simm.s32 @p2 $0x2880  }
0x65: {  	[spmem:s2] =	stream.indirect.scatter.add.f32 @p2 [tilespmem:s31], [sflag:$0x5], $0x80, s29, s19, $0xb8;
	[tilespmem:$0x1EA80] =	vst v63  }
0x66: {  	s19 =	sand.u32 @!p2 $0x780, s30;
	s29 =	simm.s32 @!p2 $0x2880;
	_ =	swait.ge @!p2 [sflag:s25], $0x4000  }
0x67: {  	s9 =	sand.u32 @!p2 $0x70, s9;
	s19 =	sadd.s32 @!p2 s13, s19;
	[sflag:s25] =	ssyncset.done @!p2 $0x0  }
0x68: {  	s9 =	sadd.s32 @!p2 s9, s19;
	s19 =	simm.s32 @!p2 $0x0;
	[sflag:s25] =	ssyncadd.s32 @!p2 $0xFFFFC000  }
0x69: {  	[tilespmem:s29], [sflag:$0x4] =	stream.linear.gather @!p2 [hbm4b:s9+s19], $0x80, $0x38;
	[tilespmem:$0x1EA80] =	vst v63  }
0x6a: {  	s9 =	simm.s32 @!p2 $0x80;
	s19 =	simm.s32 @!p2 $0x6900;
	s29 =	simm.s32 @!p2 $0x3  }
0x6b: {  	[tilespmem:s19], [sflag:$0x2] =	stream.indirect.gather @!p2 [hbm4b:s4+s9], $0x80, s1, s9, $0xb8;
	[tilespmem:$0x1EA80] =	vst v63  }
0x6c: {  	s0 =	sadd.s32 $0x1, s0;
	s19 =	simm.s32 @!p2 $0x2900;
	_ =	swait.ge @!p2 [sflag:s29], $0x80  }
.Ltmp4:
0x6d: {  	s25 =	simm.s32 @!p2 $0x6;
	[sflag:s29] =	ssyncset.done @!p2 $0x0;
	(pc) =	sbr.rel @p3 .LBB2_8-.Ltmp4, $4  }
0x6e: {  	s25 =	simm.s32 @p2 $0x5;
	[sflag:s29] =	ssyncadd.s32 @!p2 $0xFFFFFF80;
	s29 =	simm.s32 @!p2 $0x2800  }
0x6f: {  	[spmem:s2] =	stream.indirect.scatter.add.f32 @!p2 [tilespmem:s19], [sflag:$0x6], $0x80, s29, s9, $0xb8;
	[tilespmem:$0x1EA80] =	vst v63  }
0x70: {  	s19 =	sand.u32 $0x1, s0;
	s9 =	smov.u32 s24;
	_ =	swait.ge [sflag:s25], $0x4000  }
0x71: {  	s1 =	sadd.s32 $0x80, s1;
	p2 =	seq.s32 s19, $0x1;
	[sflag:s25] =	ssyncset.done $0x0  }
0x72: {  	s0 =	simm.s32 @p2 $0x2;
	[sflag:s25] =	ssyncadd.s32 $0xFFFFC000  }
0x73: {  	_ =	swait.ge @p2 [sflag:s0], $0x4000  }
0x74: {  	s7 =	simm.s32 @p2 $0x2800;
	[sflag:s0] =	ssyncset.done @p2 $0x0  }
0x75: {  	s19 =	simm.s32 @p2 $0x0;
	[sflag:s0] =	ssyncadd.s32 @p2 $0xFFFFC000;
	s0 =	sadd.s32 @p2 s9, s13  }
0x76: {  	[tilespmem:s7], [sflag:$0x3] =	stream.linear.gather @p2 [hbm4b:s0+s19], $0x80, $0x38;
	[tilespmem:$0x1EA80] =	vst v63  }
0x77: {  	s0 =	simm.s32 @p2 $0x80;
	s7 =	simm.s32 @p2 $0x2900;
	s19 =	simm.s32 @p2 $0x4  }
0x78: {  	[tilespmem:s7], [sflag:$0x1] =	stream.indirect.gather @p2 [hbm4b:s4+s0], $0x80, s1, s0, $0xb8;
	[tilespmem:$0x1EA80] =	vst v63  }
0x79: {  	_ =	swait.ge @p2 [sflag:s19], $0x80  }
0x7a: {  	s24 =	sadd.s32 @!p2 $0xFFFFFFF0, s9;
	s25 =	simm.s32 @p2 $0x6900;
	[sflag:s19] =	ssyncset.done @p2 $0x0  }
0x7b: {  	s7 =	simm.s32 @!p2 $0x1;
	[sflag:s19] =	ssyncadd.s32 @p2 $0xFFFFFF80;
	s19 =	simm.s32 @p2 $0x2880  }
0x7c: {  	[spmem:s2] =	stream.indirect.scatter.add.f32 @p2 [tilespmem:s25], [sflag:$0x5], $0x80, s19, s0, $0xb8;
	[tilespmem:$0x1EA80] =	vst v63  }
0x7d: {  	s9 =	sand.u32 @!p2 $0x70, s9;
	s0 =	sand.u32 @!p2 $0x780, s24;
	_ =	swait.ge @!p2 [sflag:s7], $0x4000  }
0x7e: {  	s19 =	simm.s32 @!p2 $0x2880;
	s0 =	sadd.s32 @!p2 s13, s0;
	[sflag:s7] =	ssyncset.done @!p2 $0x0  }
0x7f: {  	s0 =	sadd.s32 @!p2 s9, s0;
	[sflag:s7] =	ssyncadd.s32 @!p2 $0xFFFFC000;
	s7 =	simm.s32 @!p2 $0x0  }
0x80: {  	[tilespmem:s19], [sflag:$0x4] =	stream.linear.gather @!p2 [hbm4b:s0+s7], $0x80, $0x38;
	[tilespmem:$0x1EA80] =	vst v63  }
0x81: {  	s9 =	simm.s32 @!p2 $0x3;
	s0 =	simm.s32 @!p2 $0x80;
	s7 =	simm.s32 @!p2 $0x6900  }
0x82: {  	[tilespmem:s7], [sflag:$0x2] =	stream.indirect.gather @!p2 [hbm4b:s4+s0], $0x80, s1, s0, $0xb8;
	[tilespmem:$0x1EA80] =	vst v63  }
0x83: {  	_ =	swait.ge @!p2 [sflag:s9], $0x80  }
0x84: {  	s1 =	simm.s32 @!p2 $0x2900;
	s7 =	simm.s32 @!p2 $0x6;
	[sflag:s9] =	ssyncset.done @!p2 $0x0  }
0x85: {  	s7 =	simm.s32 @p2 $0x5;
	[sflag:s9] =	ssyncadd.s32 @!p2 $0xFFFFFF80;
	s9 =	simm.s32 @!p2 $0x2800  }
0x86: {  	[spmem:s2] =	stream.indirect.scatter.add.f32 @!p2 [tilespmem:s1], [sflag:$0x6], $0x80, s9, s0, $0xb8;
	[tilespmem:$0x1EA80] =	vst v63  }
0x87: {  	_ =	swait.ge [sflag:s7], $0x4000  }
0x88: {  	[sflag:s7] =	ssyncset.done $0x0  }
0x89: {  	[sflag:s7] =	ssyncadd.s32 $0xFFFFC000  }
0x8a: {  	_ =	swait.ge [sflag:s26], $0x4000  }
0x8b: {  	[sflag:s26] =	ssyncset.done $0x0  }
0x8c: {  	[sflag:s26] =	ssyncadd.s32 $0xFFFFC000  }
0x8d: {  	_ =	swait.ge [sflag:s28], $0x80  }
0x8e: {  	s29 =	simm.s32 $0x2880;
	[sflag:s28] =	ssyncset.done $0x0  }
0x8f: {  	s30 =	simm.s32 $0x6900;
	s25 =	simm.s32 $0x80;
	[sflag:s28] =	ssyncadd.s32 $0xFFFFFF80  }
0x90: {  	[spmem:s2] =	stream.indirect.scatter.add.f32 [tilespmem:s30], [sflag:$0x5], $0x80, s29, s25, $0xb8;
	[tilespmem:$0x1EA80] =	vst v63  }
0x91: {  	_ =	swait.ge [sflag:s18], $0x4000  }
0x92: {  	[sflag:s18] =	ssyncset.done $0x0  }
0x93: {  	[sflag:s18] =	ssyncadd.s32 $0xFFFFC000  }
0x94: {  	s31 =	sadd.s32 s6, s14;
	[bflag:$0x0] =	sbarrier.arrive $0xFFFF  }
0x95: {  	[hbm:s31], [sflag:s16] =	dma.local [spmem:s17], $0x2700  }
0x96: {  	_ =	swait.ge [sflag:s18], $0x2700  }
0x97: {  	s3 =	sadd.s32 $0x1, s3;
	s0 =	sadd.s32 @!p1 $0x27000, s14;
	[sflag:s18] =	ssyncset.done $0x0  }
0x98: {  	s1 =	sshrl.u32 @!p1 s8, $0x3;
	p2 =	sne.s32 s3, s15;
	[sflag:s18] =	ssyncadd.s32 $0xFFFFD900  }
0x99: {  	[hbm:s0], [sflag:s16] =	dma.local @!p1 [spmem:s1], $0x100  }
.Ltmp5:
0x9a: {  	_ = 	snop;
	(pc) =	sbr.rel @p2 .LBB2_1-.Ltmp5, $4  }
0x9b: {  	s0 =	simm.s32 @!p1 $0x5  }
0x9c: {  	_ =	swait.ge @!p1 [sflag:s0], $0x100  }
0x9d: {  	[sflag:s0] =	ssyncset.done @!p1 $0x0  }
0x9e: {  	[sflag:s0] =	ssyncadd.s32 @!p1 $0xFFFFFF00  }
0x9f: {  	_ =	sfence.sel $0x180000  }
0xa0: {  	[bflag:$0x0] =	sbarrier.arrive $0xFFFF  }
0xa1: {  	_ =	strace $0x9000004D  }
0xa2: {  	s0 =	stileid.u32;
	[bflag:$0x2] =	sbarrier.arrive $0xFFFF  }
0xa3: {  	p0 =	sne.s32 s0, $0x0;
	s0 =	rddreg [dreg:$0x3]  }
0xa4: {  	s0 =	sadd.s32 @!p0 $0x100000, s0  }
0xa5: {  	[sflag:s0] =	ssyncadd.tile.s32 @!p0 $0x1;
	_ =	shalt  }
.Lfunc_end2:
_tile_overlayer_lowered:
.L_overlay_start_2:
0xa6: {  	(tag) =	ssettag $0x2  }
0xa7: {  	s0 =	rddreg [dreg:$0x0];
	s2 =	stileid.u32  }
0xa8: {  	s1 =	rddreg [dreg:$0x1];
	p0 =	sne.s32 s2, $0x0  }
0xa9: {  	s3 =	rddreg [dreg:$0x2];
	[bflag:$0x3] =	sbarrier.arrive $0xFFFF;
	s2 =	simm.s32 @!p0 $0x1C05  }
0xaa: {  	[timem:s3], [sflag:s2] =	dma.local @!p0 [hbm:s0], s1  }
0xab: {  	s0 =	simm.s32 @!p0 $0x5  }
0xac: {  	_ =	swait.ge @!p0 [sflag:s0], s1  }
0xad: {  	s1 =	ssub.s32 @!p0 $0x0, s1;
	[sflag:s0] =	ssyncset.done @!p0 $0x0  }
0xae: {  	[sflag:s0] =	ssyncadd.s32 @!p0 s1  }
0xaf: {  	[bflag:$0x3] =	sbarrier.arrive $0xFFFF  }
0xb0: {  	_ =	shalt  }

</sc_bundles>
